<compile_context>
chip_gen: v7x
topology: tpu7x:2x2x1
jax: 0.10.2.dev20260603
libtpu: 0.0.44.dev20260713+nightly
codegen_flags: <defaults>
</compile_context>

<pallas_src>
import functools

import jax
import jax.numpy as jnp
from jax import lax
from jax.experimental import pallas as pl
from jax.experimental.pallas import tpu as pltpu
from jax.experimental.pallas import tpu_sc as plsc

B, S, H, L = 16, 4096, 1024, 2048
NW = 32
IDX_PER_W = L * B // NW
CH = 16
NBUF = 4
G = IDX_PER_W // CH
LANES = 16
HV = H // LANES


def _pool_body(seg_hbm, hidden_hbm, out_hbm, idx_v, b0, b1, b2, b3, row_v,
               s0, s1, s2, s3):
    wid = lax.axis_index("s") * 2 + lax.axis_index("c")
    base = (wid // 2) * S

    pltpu.sync_copy(seg_hbm.at[wid], idx_v)
    for g in range(G):
        sl = pl.ds(0, LANES)
        idx_v[g, sl] = idx_v[g, sl] + base

    for j in range(HV):
        row_v[pl.ds(j * LANES, LANES)] = jnp.zeros((LANES,), jnp.float32)

    bufs = (b0, b1, b2, b3)
    sems = (s0, s1, s2, s3)

    def _acc_from(buf):
        @plsc.parallel_loop(0, HV)
        def _(j):
            sl = pl.ds(j * LANES, LANES)
            v = buf[0, sl]
            for r in range(1, CH):
                v = v + buf[r, sl]
            row_v[sl] = row_v[sl] + v

    for k in range(NBUF):
        pltpu.async_copy(hidden_hbm.at[idx_v.at[k]], bufs[k], sems[k])

    @pl.loop(0, G // NBUF)
    def _(i):
        for k in range(NBUF):
            g = i * NBUF + k
            pltpu.make_async_copy(
                hidden_hbm.at[idx_v.at[k]], bufs[k], sems[k]).wait()
            _acc_from(bufs[k])

            @pl.when(g + NBUF < G)
            def _():
                pltpu.async_copy(
                    hidden_hbm.at[idx_v.at[g + NBUF]], bufs[k], sems[k])

    pltpu.sync_copy(row_v, out_hbm.at[wid])


_pool = functools.partial(
    pl.kernel,
    out_type=jax.ShapeDtypeStruct((NW, H), jnp.float32),
    mesh=plsc.VectorSubcoreMesh(core_axis_name="c", subcore_axis_name="s"),
    scratch_types=[
        pltpu.VMEM((G, CH), jnp.int32),
        pltpu.VMEM((CH, H), jnp.float32),
        pltpu.VMEM((CH, H), jnp.float32),
        pltpu.VMEM((CH, H), jnp.float32),
        pltpu.VMEM((CH, H), jnp.float32),
        pltpu.VMEM((H,), jnp.float32),
        pltpu.SemaphoreType.DMA,
        pltpu.SemaphoreType.DMA,
        pltpu.SemaphoreType.DMA,
        pltpu.SemaphoreType.DMA,
    ],
)(_pool_body)


def _dense_body(p_ref, w_ref, b_ref, o_ref):
    m = (p_ref[:, 0, :] + p_ref[:, 1, :]) * (1.0 / L)
    y = lax.dot_general(m, w_ref[...], (((1,), (1,)), ((), ())),
                        preferred_element_type=jnp.float32)
    o_ref[...] = jnp.tanh(y + b_ref[...])


def kernel(hidden_states, seg_indexs, W, b):
    seg = seg_indexs.astype(jnp.int32).reshape(NW, G, CH)
    hidden_flat = hidden_states.reshape(B * S, H)
    partials = _pool(seg, hidden_flat)
    return pl.pallas_call(
        _dense_body,
        out_shape=jax.ShapeDtypeStruct((B, H), jnp.float32),
    )(partials.reshape(B, 2, H), W, b.reshape(1, H))

# --- scband reference (transcript-rebuilt; emitter-appended) ---
"""Pipeline reference for scband-bert-seg-pooler-69604239999009 (READ-ONLY COPY).

The authoritative reference and input builder live on the scoring server;
editing this copy changes nothing except your own understanding.
"""

import jax, jax.numpy as jnp
import numpy as np

B, S, H, L = 16, 4096, 1024, 2048

def setup_inputs(seed: int = 0) -> dict:
    key = jax.random.key(seed)
    k1, k2, k3, k4 = jax.random.split(key, 4)
    hidden_states = jax.random.normal(k1, (B, S, H), dtype=jnp.float32)
    seg_indexs = jax.random.randint(k2, (B, L), 0, S, dtype=jnp.int64)
    W = jax.random.normal(k3, (H, H), dtype=jnp.float32) * (1.0 / np.sqrt(H))
    b = jax.random.normal(k4, (H,), dtype=jnp.float32) * 0.01
    return {"hidden_states": hidden_states, "seg_indexs": seg_indexs, "W": W, "b": b}

def reference(hidden_states, seg_indexs, W, b):
    # Per-batch gather of segment token positions, then mean over gathered tokens.
    # hidden_states: [B, S, H]; seg_indexs: [B, L] int indices into S.
    gathered = jnp.take_along_axis(hidden_states, seg_indexs[:, :, None], axis=1)  # [B, L, H]
    seg_mean = gathered.mean(axis=1)  # [B, H]
    pooled = jnp.dot(seg_mean, W.T) + b  # nn.Linear: x @ W^T + b
    pooled = jnp.tanh(pooled)
    return pooled

if __name__ == "__main__":
    import jax
    _d = setup_inputs()
    print(jax.jit(kernel)(*tuple(_d.values())))

</pallas_src>

<mosaic_0001>
#map = affine_map<(d0, d1) -> (0, 0, 0)>
#map1 = affine_map<(d0, d1) -> (0, 0)>
module attributes {stable_mosaic.version = 14 : i64} {
  func.func @_pool_body(%arg0: i32, %arg1: i32, %arg2: memref<32x64x16xi32, #tpu.memory_space<hbm>>, %arg3: memref<65536x1024xf32, #tpu.memory_space<hbm>>, %arg4: memref<32x1024xf32, #tpu.memory_space<hbm>>, %arg5: memref<64x16xi32, #tpu.memory_space<vmem>>, %arg6: memref<16x1024xf32, #tpu.memory_space<vmem>>, %arg7: memref<16x1024xf32, #tpu.memory_space<vmem>>, %arg8: memref<16x1024xf32, #tpu.memory_space<vmem>>, %arg9: memref<16x1024xf32, #tpu.memory_space<vmem>>, %arg10: memref<1024xf32, #tpu.memory_space<vmem>>, %arg11: memref<!tpu.dma_semaphore, #tpu.memory_space<semaphore_mem>>, %arg12: memref<!tpu.dma_semaphore, #tpu.memory_space<semaphore_mem>>, %arg13: memref<!tpu.dma_semaphore, #tpu.memory_space<semaphore_mem>>, %arg14: memref<!tpu.dma_semaphore, #tpu.memory_space<semaphore_mem>>) attributes {dimension_semantics = [#tpu.dimension_semantics<core_parallel>, #tpu.dimension_semantics<subcore_parallel>], iteration_bounds = array<i64: 2, 16>, scalar_prefetch = 0 : i64, scratch_operands = 10 : i64, tpu.core_type = #tpu.core_type<sc_vector_subcore>, window_params = [{transform_indices = #map}, {transform_indices = #map1}, {transform_indices = #map1}]} {
    %mul3A = arith.constant 2 : i32
    %mul3A_0 = arith.muli %arg1, %mul3A : i32
    %add3A = arith.addi %mul3A_0, %arg0 : i32
    %jit3A = arith.constant 2 : i32
    %div3A = arith.divsi %add3A, %jit3A : i32
    %sign3A = arith.constant 0 : i32
    %sign3A_1 = arith.cmpi sgt, %add3A, %sign3A : i32
    %sign3A_2 = arith.extui %sign3A_1 : i1 to i32
    %sign3A_3 = arith.constant 0 : i32
    %sign3A_4 = arith.cmpi slt, %add3A, %sign3A_3 : i32
    %sign3A_5 = arith.extui %sign3A_4 : i1 to i32
    %sign3A_6 = arith.subi %sign3A_2, %sign3A_5 : i32
    %sign3A_7 = arith.constant 0 : i32
    %sign3A_8 = arith.cmpi sgt, %jit3A, %sign3A_7 : i32
    %sign3A_9 = arith.extui %sign3A_8 : i1 to i32
    %sign3A_10 = arith.constant 0 : i32
    %sign3A_11 = arith.cmpi slt, %jit3A, %sign3A_10 : i32
    %sign3A_12 = arith.extui %sign3A_11 : i1 to i32
    %sign3A_13 = arith.subi %sign3A_9, %sign3A_12 : i32
    %ne3A = arith.cmpi ne, %sign3A_6, %sign3A_13 : i32
    %rem3A = arith.remsi %add3A, %jit3A : i32
    %ne3A_14 = arith.constant 0 : i32
    %ne3A_15 = arith.cmpi ne, %rem3A, %ne3A_14 : i32
    %and3A = arith.andi %ne3A, %ne3A_15 : i1
    %sub3A = arith.constant 1 : i32
    %sub3A_16 = arith.subi %div3A, %sub3A : i32
    %select_n3A = arith.select %and3A, %sub3A_16, %div3A : i32
    %mul3A_17 = arith.constant 4096 : i32
    %mul3A_18 = arith.muli %select_n3A, %mul3A_17 : i32
    "tpu.region"() ({
      %run_scoped3A = tpu.sem_alloc : memref<!tpu.dma_semaphore, #tpu.memory_space<semaphore_mem>>
      %dma_start3A_1263 = arith.constant 0 : i32
      %dma_start3A_1264 = arith.constant 0 : i32
      %dma_start3A_1265 = tpu.memref_slice %arg2[%add3A, %dma_start3A_1263, %dma_start3A_1264] : memref<32x64x16xi32, #tpu.memory_space<hbm>> -> memref<1x64x16xi32, #tpu.memory_space<hbm>>
      %dma_start3A_1266 = tpu.memref_squeeze %dma_start3A_1265 : memref<1x64x16xi32, #tpu.memory_space<hbm>> -> memref<64x16xi32, #tpu.memory_space<hbm>>
      %dma_start3A_1267 = arith.constant 0 : i32
      %dma_start3A_1268 = arith.constant 0 : i32
      %dma_start3A_1269 = tpu.memref_slice %arg2[%add3A, %dma_start3A_1267, %dma_start3A_1268] : memref<32x64x16xi32, #tpu.memory_space<hbm>> -> memref<1x64x16xi32, #tpu.memory_space<hbm>>
      %dma_start3A_1270 = tpu.memref_squeeze %dma_start3A_1269 : memref<1x64x16xi32, #tpu.memory_space<hbm>> -> memref<64x16xi32, #tpu.memory_space<hbm>>
      tpu.enqueue_dma source(%dma_start3A_1270 : memref<64x16xi32, #tpu.memory_space<hbm>>) target(%arg5 : memref<64x16xi32, #tpu.memory_space<vmem>>) target_semaphore(%run_scoped3A : memref<!tpu.dma_semaphore, #tpu.memory_space<semaphore_mem>>)
      %dma_wait3A = arith.constant 0 : i32
      %dma_wait3A_1271 = arith.constant 0 : i32
      %dma_wait3A_1272 = tpu.memref_slice %arg2[%add3A, %dma_wait3A, %dma_wait3A_1271] : memref<32x64x16xi32, #tpu.memory_space<hbm>> -> memref<1x64x16xi32, #tpu.memory_space<hbm>>
      %dma_wait3A_1273 = tpu.memref_squeeze %dma_wait3A_1272 : memref<1x64x16xi32, #tpu.memory_space<hbm>> -> memref<64x16xi32, #tpu.memory_space<hbm>>
      %dma_wait3A_1274 = arith.constant 0 : i32
      %dma_wait3A_1275 = arith.constant 0 : i32
      %dma_wait3A_1276 = tpu.memref_slice %arg2[%add3A, %dma_wait3A_1274, %dma_wait3A_1275] : memref<32x64x16xi32, #tpu.memory_space<hbm>> -> memref<1x64x16xi32, #tpu.memory_space<hbm>>
      %dma_wait3A_1277 = tpu.memref_squeeze %dma_wait3A_1276 : memref<1x64x16xi32, #tpu.memory_space<hbm>> -> memref<64x16xi32, #tpu.memory_space<hbm>>
      tpu.wait_dma2 semaphore(%run_scoped3A : memref<!tpu.dma_semaphore, #tpu.memory_space<semaphore_mem>>) src(%dma_wait3A_1277 : memref<64x16xi32, #tpu.memory_space<hbm>>) dst(%arg5 : memref<64x16xi32, #tpu.memory_space<vmem>>)
      tpu.yield
    }) : () -> ()
    %get3A = arith.constant 0 : i32
    %get3A_19 = arith.index_cast %get3A : i32 to index
    %get3A_20 = arith.constant 0 : index
    %get3A_21 = tpu.vector_load %arg5[%get3A_19, %get3A_20] {strides = array<i32>} : memref<64x16xi32, #tpu.memory_space<vmem>>, vector<1x16xi32>,
    %get3A_22 = vector.shape_cast %get3A_21 : vector<1x16xi32> to vector<16xi32>
    %add3A_23 = vector.broadcast %mul3A_18 : i32 to vector<16xi32>
    %add3A_24 = arith.addi %get3A_22, %add3A_23 : vector<16xi32>
    %swap3A = arith.constant 0 : i32
    %swap3A_25 = arith.index_cast %swap3A : i32 to index
    %swap3A_26 = arith.constant 0 : index
    %swap3A_27 = tpu.vector_load %arg5[%swap3A_25, %swap3A_26] {strides = array<i32>} : memref<64x16xi32, #tpu.memory_space<vmem>>, vector<1x16xi32>,
    %swap3A_28 = vector.shape_cast %swap3A_27 : vector<1x16xi32> to vector<16xi32>
    %swap3A_29 = vector.shape_cast %add3A_24 : vector<16xi32> to vector<1x16xi32>
    tpu.vector_store %arg5[%swap3A_25, %swap3A_26], %swap3A_29 {strides = array<i32>} : memref<64x16xi32, #tpu.memory_space<vmem>>, vector<1x16xi32>,
    %get3A_30 = arith.constant 1 : i32
    %get3A_31 = arith.index_cast %get3A_30 : i32 to index
    %get3A_32 = arith.constant 0 : index
    %get3A_33 = tpu.vector_load %arg5[%get3A_31, %get3A_32] {strides = array<i32>} : memref<64x16xi32, #tpu.memory_space<vmem>>, vector<1x16xi32>,
    %get3A_34 = vector.shape_cast %get3A_33 : vector<1x16xi32> to vector<16xi32>
    %add3A_35 = vector.broadcast %mul3A_18 : i32 to vector<16xi32>
    %add3A_36 = arith.addi %get3A_34, %add3A_35 : vector<16xi32>
    %swap3A_37 = arith.constant 1 : i32
    %swap3A_38 = arith.index_cast %swap3A_37 : i32 to index
    %swap3A_39 = arith.constant 0 : index
    %swap3A_40 = tpu.vector_load %arg5[%swap3A_38, %swap3A_39] {strides = array<i32>} : memref<64x16xi32, #tpu.memory_space<vmem>>, vector<1x16xi32>,
    %swap3A_41 = vector.shape_cast %swap3A_40 : vector<1x16xi32> to vector<16xi32>
    %swap3A_42 = vector.shape_cast %add3A_36 : vector<16xi32> to vector<1x16xi32>
    tpu.vector_store %arg5[%swap3A_38, %swap3A_39], %swap3A_42 {strides = array<i32>} : memref<64x16xi32, #tpu.memory_space<vmem>>, vector<1x16xi32>,
    %get3A_43 = arith.constant 2 : i32
    %get3A_44 = arith.index_cast %get3A_43 : i32 to index
    %get3A_45 = arith.constant 0 : index
    %get3A_46 = tpu.vector_load %arg5[%get3A_44, %get3A_45] {strides = array<i32>} : memref<64x16xi32, #tpu.memory_space<vmem>>, vector<1x16xi32>,
    %get3A_47 = vector.shape_cast %get3A_46 : vector<1x16xi32> to vector<16xi32>
    %add3A_48 = vector.broadcast %mul3A_18 : i32 to vector<16xi32>
    %add3A_49 = arith.addi %get3A_47, %add3A_48 : vector<16xi32>
    %swap3A_50 = arith.constant 2 : i32
    %swap3A_51 = arith.index_cast %swap3A_50 : i32 to index
    %swap3A_52 = arith.constant 0 : index
    %swap3A_53 = tpu.vector_load %arg5[%swap3A_51, %swap3A_52] {strides = array<i32>} : memref<64x16xi32, #tpu.memory_space<vmem>>, vector<1x16xi32>,
    %swap3A_54 = vector.shape_cast %swap3A_53 : vector<1x16xi32> to vector<16xi32>
    %swap3A_55 = vector.shape_cast %add3A_49 : vector<16xi32> to vector<1x16xi32>
    tpu.vector_store %arg5[%swap3A_51, %swap3A_52], %swap3A_55 {strides = array<i32>} : memref<64x16xi32, #tpu.memory_space<vmem>>, vector<1x16xi32>,
    %get3A_56 = arith.constant 3 : i32
    %get3A_57 = arith.index_cast %get3A_56 : i32 to index
    %get3A_58 = arith.constant 0 : index
    %get3A_59 = tpu.vector_load %arg5[%get3A_57, %get3A_58] {strides = array<i32>} : memref<64x16xi32, #tpu.memory_space<vmem>>, vector<1x16xi32>,
    %get3A_60 = vector.shape_cast %get3A_59 : vector<1x16xi32> to vector<16xi32>
    %add3A_61 = vector.broadcast %mul3A_18 : i32 to vector<16xi32>
    %add3A_62 = arith.addi %get3A_60, %add3A_61 : vector<16xi32>
    %swap3A_63 = arith.constant 3 : i32
    %swap3A_64 = arith.index_cast %swap3A_63 : i32 to index
    %swap3A_65 = arith.constant 0 : index
    %swap3A_66 = tpu.vector_load %arg5[%swap3A_64, %swap3A_65] {strides = array<i32>} : memref<64x16xi32, #tpu.memory_space<vmem>>, vector<1x16xi32>,
    %swap3A_67 = vector.shape_cast %swap3A_66 : vector<1x16xi32> to vector<16xi32>
    %swap3A_68 = vector.shape_cast %add3A_62 : vector<16xi32> to vector<1x16xi32>
    tpu.vector_store %arg5[%swap3A_64, %swap3A_65], %swap3A_68 {strides = array<i32>} : memref<64x16xi32, #tpu.memory_space<vmem>>, vector<1x16xi32>,
    %get3A_69 = arith.constant 4 : i32
    %get3A_70 = arith.index_cast %get3A_69 : i32 to index
    %get3A_71 = arith.constant 0 : index
    %get3A_72 = tpu.vector_load %arg5[%get3A_70, %get3A_71] {strides = array<i32>} : memref<64x16xi32, #tpu.memory_space<vmem>>, vector<1x16xi32>,
    %get3A_73 = vector.shape_cast %get3A_72 : vector<1x16xi32> to vector<16xi32>
    %add3A_74 = vector.broadcast %mul3A_18 : i32 to vector<16xi32>
    %add3A_75 = arith.addi %get3A_73, %add3A_74 : vector<16xi32>
    %swap3A_76 = arith.constant 4 : i32
    %swap3A_77 = arith.index_cast %swap3A_76 : i32 to index
    %swap3A_78 = arith.constant 0 : index
    %swap3A_79 = tpu.vector_load %arg5[%swap3A_77, %swap3A_78] {strides = array<i32>} : memref<64x16xi32, #tpu.memory_space<vmem>>, vector<1x16xi32>,
    %swap3A_80 = vector.shape_cast %swap3A_79 : vector<1x16xi32> to vector<16xi32>
    %swap3A_81 = vector.shape_cast %add3A_75 : vector<16xi32> to vector<1x16xi32>
    tpu.vector_store %arg5[%swap3A_77, %swap3A_78], %swap3A_81 {strides = array<i32>} : memref<64x16xi32, #tpu.memory_space<vmem>>, vector<1x16xi32>,
    %get3A_82 = arith.constant 5 : i32
    %get3A_83 = arith.index_cast %get3A_82 : i32 to index
    %get3A_84 = arith.constant 0 : index
    %get3A_85 = tpu.vector_load %arg5[%get3A_83, %get3A_84] {strides = array<i32>} : memref<64x16xi32, #tpu.memory_space<vmem>>, vector<1x16xi32>,
    %get3A_86 = vector.shape_cast %get3A_85 : vector<1x16xi32> to vector<16xi32>
    %add3A_87 = vector.broadcast %mul3A_18 : i32 to vector<16xi32>
    %add3A_88 = arith.addi %get3A_86, %add3A_87 : vector<16xi32>
    %swap3A_89 = arith.constant 5 : i32
    %swap3A_90 = arith.index_cast %swap3A_89 : i32 to index
    %swap3A_91 = arith.constant 0 : index
    %swap3A_92 = tpu.vector_load %arg5[%swap3A_90, %swap3A_91] {strides = array<i32>} : memref<64x16xi32, #tpu.memory_space<vmem>>, vector<1x16xi32>,
    %swap3A_93 = vector.shape_cast %swap3A_92 : vector<1x16xi32> to vector<16xi32>
    %swap3A_94 = vector.shape_cast %add3A_88 : vector<16xi32> to vector<1x16xi32>
    tpu.vector_store %arg5[%swap3A_90, %swap3A_91], %swap3A_94 {strides = array<i32>} : memref<64x16xi32, #tpu.memory_space<vmem>>, vector<1x16xi32>,
    %get3A_95 = arith.constant 6 : i32
    %get3A_96 = arith.index_cast %get3A_95 : i32 to index
    %get3A_97 = arith.constant 0 : index
    %get3A_98 = tpu.vector_load %arg5[%get3A_96, %get3A_97] {strides = array<i32>} : memref<64x16xi32, #tpu.memory_space<vmem>>, vector<1x16xi32>,
    %get3A_99 = vector.shape_cast %get3A_98 : vector<1x16xi32> to vector<16xi32>
    %add3A_100 = vector.broadcast %mul3A_18 : i32 to vector<16xi32>
    %add3A_101 = arith.addi %get3A_99, %add3A_100 : vector<16xi32>
    %swap3A_102 = arith.constant 6 : i32
    %swap3A_103 = arith.index_cast %swap3A_102 : i32 to index
    %swap3A_104 = arith.constant 0 : index
    %swap3A_105 = tpu.vector_load %arg5[%swap3A_103, %swap3A_104] {strides = array<i32>} : memref<64x16xi32, #tpu.memory_space<vmem>>, vector<1x16xi32>,
    %swap3A_106 = vector.shape_cast %swap3A_105 : vector<1x16xi32> to vector<16xi32>
    %swap3A_107 = vector.shape_cast %add3A_101 : vector<16xi32> to vector<1x16xi32>
    tpu.vector_store %arg5[%swap3A_103, %swap3A_104], %swap3A_107 {strides = array<i32>} : memref<64x16xi32, #tpu.memory_space<vmem>>, vector<1x16xi32>,
    %get3A_108 = arith.constant 7 : i32
    %get3A_109 = arith.index_cast %get3A_108 : i32 to index
    %get3A_110 = arith.constant 0 : index
    %get3A_111 = tpu.vector_load %arg5[%get3A_109, %get3A_110] {strides = array<i32>} : memref<64x16xi32, #tpu.memory_space<vmem>>, vector<1x16xi32>,
    %get3A_112 = vector.shape_cast %get3A_111 : vector<1x16xi32> to vector<16xi32>
    %add3A_113 = vector.broadcast %mul3A_18 : i32 to vector<16xi32>
    %add3A_114 = arith.addi %get3A_112, %add3A_113 : vector<16xi32>
    %swap3A_115 = arith.constant 7 : i32
    %swap3A_116 = arith.index_cast %swap3A_115 : i32 to index
    %swap3A_117 = arith.constant 0 : index
    %swap3A_118 = tpu.vector_load %arg5[%swap3A_116, %swap3A_117] {strides = array<i32>} : memref<64x16xi32, #tpu.memory_space<vmem>>, vector<1x16xi32>,
    %swap3A_119 = vector.shape_cast %swap3A_118 : vector<1x16xi32> to vector<16xi32>
    %swap3A_120 = vector.shape_cast %add3A_114 : vector<16xi32> to vector<1x16xi32>
    tpu.vector_store %arg5[%swap3A_116, %swap3A_117], %swap3A_120 {strides = array<i32>} : memref<64x16xi32, #tpu.memory_space<vmem>>, vector<1x16xi32>,
    %get3A_121 = arith.constant 8 : i32
    %get3A_122 = arith.index_cast %get3A_121 : i32 to index
    %get3A_123 = arith.constant 0 : index
    %get3A_124 = tpu.vector_load %arg5[%get3A_122, %get3A_123] {strides = array<i32>} : memref<64x16xi32, #tpu.memory_space<vmem>>, vector<1x16xi32>,
    %get3A_125 = vector.shape_cast %get3A_124 : vector<1x16xi32> to vector<16xi32>
    %add3A_126 = vector.broadcast %mul3A_18 : i32 to vector<16xi32>
    %add3A_127 = arith.addi %get3A_125, %add3A_126 : vector<16xi32>
    %swap3A_128 = arith.constant 8 : i32
    %swap3A_129 = arith.index_cast %swap3A_128 : i32 to index
    %swap3A_130 = arith.constant 0 : index
    %swap3A_131 = tpu.vector_load %arg5[%swap3A_129, %swap3A_130] {strides = array<i32>} : memref<64x16xi32, #tpu.memory_space<vmem>>, vector<1x16xi32>,
    %swap3A_132 = vector.shape_cast %swap3A_131 : vector<1x16xi32> to vector<16xi32>
    %swap3A_133 = vector.shape_cast %add3A_127 : vector<16xi32> to vector<1x16xi32>
    tpu.vector_store %arg5[%swap3A_129, %swap3A_130], %swap3A_133 {strides = array<i32>} : memref<64x16xi32, #tpu.memory_space<vmem>>, vector<1x16xi32>,
    %get3A_134 = arith.constant 9 : i32
    %get3A_135 = arith.index_cast %get3A_134 : i32 to index
    %get3A_136 = arith.constant 0 : index
    %get3A_137 = tpu.vector_load %arg5[%get3A_135, %get3A_136] {strides = array<i32>} : memref<64x16xi32, #tpu.memory_space<vmem>>, vector<1x16xi32>,
    %get3A_138 = vector.shape_cast %get3A_137 : vector<1x16xi32> to vector<16xi32>
    %add3A_139 = vector.broadcast %mul3A_18 : i32 to vector<16xi32>
    %add3A_140 = arith.addi %get3A_138, %add3A_139 : vector<16xi32>
    %swap3A_141 = arith.constant 9 : i32
    %swap3A_142 = arith.index_cast %swap3A_141 : i32 to index
    %swap3A_143 = arith.constant 0 : index
    %swap3A_144 = tpu.vector_load %arg5[%swap3A_142, %swap3A_143] {strides = array<i32>} : memref<64x16xi32, #tpu.memory_space<vmem>>, vector<1x16xi32>,
    %swap3A_145 = vector.shape_cast %swap3A_144 : vector<1x16xi32> to vector<16xi32>
    %swap3A_146 = vector.shape_cast %add3A_140 : vector<16xi32> to vector<1x16xi32>
    tpu.vector_store %arg5[%swap3A_142, %swap3A_143], %swap3A_146 {strides = array<i32>} : memref<64x16xi32, #tpu.memory_space<vmem>>, vector<1x16xi32>,
    %get3A_147 = arith.constant 10 : i32
    %get3A_148 = arith.index_cast %get3A_147 : i32 to index
    %get3A_149 = arith.constant 0 : index
    %get3A_150 = tpu.vector_load %arg5[%get3A_148, %get3A_149] {strides = array<i32>} : memref<64x16xi32, #tpu.memory_space<vmem>>, vector<1x16xi32>,
    %get3A_151 = vector.shape_cast %get3A_150 : vector<1x16xi32> to vector<16xi32>
    %add3A_152 = vector.broadcast %mul3A_18 : i32 to vector<16xi32>
    %add3A_153 = arith.addi %get3A_151, %add3A_152 : vector<16xi32>
    %swap3A_154 = arith.constant 10 : i32
    %swap3A_155 = arith.index_cast %swap3A_154 : i32 to index
    %swap3A_156 = arith.constant 0 : index
    %swap3A_157 = tpu.vector_load %arg5[%swap3A_155, %swap3A_156] {strides = array<i32>} : memref<64x16xi32, #tpu.memory_space<vmem>>, vector<1x16xi32>,
    %swap3A_158 = vector.shape_cast %swap3A_157 : vector<1x16xi32> to vector<16xi32>
    %swap3A_159 = vector.shape_cast %add3A_153 : vector<16xi32> to vector<1x16xi32>
    tpu.vector_store %arg5[%swap3A_155, %swap3A_156], %swap3A_159 {strides = array<i32>} : memref<64x16xi32, #tpu.memory_space<vmem>>, vector<1x16xi32>,
    %get3A_160 = arith.constant 11 : i32
    %get3A_161 = arith.index_cast %get3A_160 : i32 to index
    %get3A_162 = arith.constant 0 : index
    %get3A_163 = tpu.vector_load %arg5[%get3A_161, %get3A_162] {strides = array<i32>} : memref<64x16xi32, #tpu.memory_space<vmem>>, vector<1x16xi32>,
    %get3A_164 = vector.shape_cast %get3A_163 : vector<1x16xi32> to vector<16xi32>
    %add3A_165 = vector.broadcast %mul3A_18 : i32 to vector<16xi32>
    %add3A_166 = arith.addi %get3A_164, %add3A_165 : vector<16xi32>
    %swap3A_167 = arith.constant 11 : i32
    %swap3A_168 = arith.index_cast %swap3A_167 : i32 to index
    %swap3A_169 = arith.constant 0 : index
    %swap3A_170 = tpu.vector_load %arg5[%swap3A_168, %swap3A_169] {strides = array<i32>} : memref<64x16xi32, #tpu.memory_space<vmem>>, vector<1x16xi32>,
    %swap3A_171 = vector.shape_cast %swap3A_170 : vector<1x16xi32> to vector<16xi32>
    %swap3A_172 = vector.shape_cast %add3A_166 : vector<16xi32> to vector<1x16xi32>
    tpu.vector_store %arg5[%swap3A_168, %swap3A_169], %swap3A_172 {strides = array<i32>} : memref<64x16xi32, #tpu.memory_space<vmem>>, vector<1x16xi32>,
    %get3A_173 = arith.constant 12 : i32
    %get3A_174 = arith.index_cast %get3A_173 : i32 to index
    %get3A_175 = arith.constant 0 : index
    %get3A_176 = tpu.vector_load %arg5[%get3A_174, %get3A_175] {strides = array<i32>} : memref<64x16xi32, #tpu.memory_space<vmem>>, vector<1x16xi32>,
    %get3A_177 = vector.shape_cast %get3A_176 : vector<1x16xi32> to vector<16xi32>
    %add3A_178 = vector.broadcast %mul3A_18 : i32 to vector<16xi32>
    %add3A_179 = arith.addi %get3A_177, %add3A_178 : vector<16xi32>
    %swap3A_180 = arith.constant 12 : i32
    %swap3A_181 = arith.index_cast %swap3A_180 : i32 to index
    %swap3A_182 = arith.constant 0 : index
    %swap3A_183 = tpu.vector_load %arg5[%swap3A_181, %swap3A_182] {strides = array<i32>} : memref<64x16xi32, #tpu.memory_space<vmem>>, vector<1x16xi32>,
    %swap3A_184 = vector.shape_cast %swap3A_183 : vector<1x16xi32> to vector<16xi32>
    %swap3A_185 = vector.shape_cast %add3A_179 : vector<16xi32> to vector<1x16xi32>
    tpu.vector_store %arg5[%swap3A_181, %swap3A_182], %swap3A_185 {strides = array<i32>} : memref<64x16xi32, #tpu.memory_space<vmem>>, vector<1x16xi32>,
    %get3A_186 = arith.constant 13 : i32
    %get3A_187 = arith.index_cast %get3A_186 : i32 to index
    %get3A_188 = arith.constant 0 : index
    %get3A_189 = tpu.vector_load %arg5[%get3A_187, %get3A_188] {strides = array<i32>} : memref<64x16xi32, #tpu.memory_space<vmem>>, vector<1x16xi32>,
    %get3A_190 = vector.shape_cast %get3A_189 : vector<1x16xi32> to vector<16xi32>
    %add3A_191 = vector.broadcast %mul3A_18 : i32 to vector<16xi32>
    %add3A_192 = arith.addi %get3A_190, %add3A_191 : vector<16xi32>
    %swap3A_193 = arith.constant 13 : i32
    %swap3A_194 = arith.index_cast %swap3A_193 : i32 to index
    %swap3A_195 = arith.constant 0 : index
    %swap3A_196 = tpu.vector_load %arg5[%swap3A_194, %swap3A_195] {strides = array<i32>} : memref<64x16xi32, #tpu.memory_space<vmem>>, vector<1x16xi32>,
    %swap3A_197 = vector.shape_cast %swap3A_196 : vector<1x16xi32> to vector<16xi32>
    %swap3A_198 = vector.shape_cast %add3A_192 : vector<16xi32> to vector<1x16xi32>
    tpu.vector_store %arg5[%swap3A_194, %swap3A_195], %swap3A_198 {strides = array<i32>} : memref<64x16xi32, #tpu.memory_space<vmem>>, vector<1x16xi32>,
    %get3A_199 = arith.constant 14 : i32
    %get3A_200 = arith.index_cast %get3A_199 : i32 to index
    %get3A_201 = arith.constant 0 : index
    %get3A_202 = tpu.vector_load %arg5[%get3A_200, %get3A_201] {strides = array<i32>} : memref<64x16xi32, #tpu.memory_space<vmem>>, vector<1x16xi32>,
    %get3A_203 = vector.shape_cast %get3A_202 : vector<1x16xi32> to vector<16xi32>
    %add3A_204 = vector.broadcast %mul3A_18 : i32 to vector<16xi32>
    %add3A_205 = arith.addi %get3A_203, %add3A_204 : vector<16xi32>
    %swap3A_206 = arith.constant 14 : i32
    %swap3A_207 = arith.index_cast %swap3A_206 : i32 to index
    %swap3A_208 = arith.constant 0 : index
    %swap3A_209 = tpu.vector_load %arg5[%swap3A_207, %swap3A_208] {strides = array<i32>} : memref<64x16xi32, #tpu.memory_space<vmem>>, vector<1x16xi32>,
    %swap3A_210 = vector.shape_cast %swap3A_209 : vector<1x16xi32> to vector<16xi32>
    %swap3A_211 = vector.shape_cast %add3A_205 : vector<16xi32> to vector<1x16xi32>
    tpu.vector_store %arg5[%swap3A_207, %swap3A_208], %swap3A_211 {strides = array<i32>} : memref<64x16xi32, #tpu.memory_space<vmem>>, vector<1x16xi32>,
    %get3A_212 = arith.constant 15 : i32
    %get3A_213 = arith.index_cast %get3A_212 : i32 to index
    %get3A_214 = arith.constant 0 : index
    %get3A_215 = tpu.vector_load %arg5[%get3A_213, %get3A_214] {strides = array<i32>} : memref<64x16xi32, #tpu.memory_space<vmem>>, vector<1x16xi32>,
    %get3A_216 = vector.shape_cast %get3A_215 : vector<1x16xi32> to vector<16xi32>
    %add3A_217 = vector.broadcast %mul3A_18 : i32 to vector<16xi32>
    %add3A_218 = arith.addi %get3A_216, %add3A_217 : vector<16xi32>
    %swap3A_219 = arith.constant 15 : i32
    %swap3A_220 = arith.index_cast %swap3A_219 : i32 to index
    %swap3A_221 = arith.constant 0 : index
    %swap3A_222 = tpu.vector_load %arg5[%swap3A_220, %swap3A_221] {strides = array<i32>} : memref<64x16xi32, #tpu.memory_space<vmem>>, vector<1x16xi32>,
    %swap3A_223 = vector.shape_cast %swap3A_222 : vector<1x16xi32> to vector<16xi32>
    %swap3A_224 = vector.shape_cast %add3A_218 : vector<16xi32> to vector<1x16xi32>
    tpu.vector_store %arg5[%swap3A_220, %swap3A_221], %swap3A_224 {strides = array<i32>} : memref<64x16xi32, #tpu.memory_space<vmem>>, vector<1x16xi32>,
    %get3A_225 = arith.constant 16 : i32
    %get3A_226 = arith.index_cast %get3A_225 : i32 to index
    %get3A_227 = arith.constant 0 : index
    %get3A_228 = tpu.vector_load %arg5[%get3A_226, %get3A_227] {strides = array<i32>} : memref<64x16xi32, #tpu.memory_space<vmem>>, vector<1x16xi32>,
    %get3A_229 = vector.shape_cast %get3A_228 : vector<1x16xi32> to vector<16xi32>
    %add3A_230 = vector.broadcast %mul3A_18 : i32 to vector<16xi32>
    %add3A_231 = arith.addi %get3A_229, %add3A_230 : vector<16xi32>
    %swap3A_232 = arith.constant 16 : i32
    %swap3A_233 = arith.index_cast %swap3A_232 : i32 to index
    %swap3A_234 = arith.constant 0 : index
    %swap3A_235 = tpu.vector_load %arg5[%swap3A_233, %swap3A_234] {strides = array<i32>} : memref<64x16xi32, #tpu.memory_space<vmem>>, vector<1x16xi32>,
    %swap3A_236 = vector.shape_cast %swap3A_235 : vector<1x16xi32> to vector<16xi32>
    %swap3A_237 = vector.shape_cast %add3A_231 : vector<16xi32> to vector<1x16xi32>
    tpu.vector_store %arg5[%swap3A_233, %swap3A_234], %swap3A_237 {strides = array<i32>} : memref<64x16xi32, #tpu.memory_space<vmem>>, vector<1x16xi32>,
    %get3A_238 = arith.constant 17 : i32
    %get3A_239 = arith.index_cast %get3A_238 : i32 to index
    %get3A_240 = arith.constant 0 : index
    %get3A_241 = tpu.vector_load %arg5[%get3A_239, %get3A_240] {strides = array<i32>} : memref<64x16xi32, #tpu.memory_space<vmem>>, vector<1x16xi32>,
    %get3A_242 = vector.shape_cast %get3A_241 : vector<1x16xi32> to vector<16xi32>
    %add3A_243 = vector.broadcast %mul3A_18 : i32 to vector<16xi32>
    %add3A_244 = arith.addi %get3A_242, %add3A_243 : vector<16xi32>
    %swap3A_245 = arith.constant 17 : i32
    %swap3A_246 = arith.index_cast %swap3A_245 : i32 to index
    %swap3A_247 = arith.constant 0 : index
    %swap3A_248 = tpu.vector_load %arg5[%swap3A_246, %swap3A_247] {strides = array<i32>} : memref<64x16xi32, #tpu.memory_space<vmem>>, vector<1x16xi32>,
    %swap3A_249 = vector.shape_cast %swap3A_248 : vector<1x16xi32> to vector<16xi32>
    %swap3A_250 = vector.shape_cast %add3A_244 : vector<16xi32> to vector<1x16xi32>
    tpu.vector_store %arg5[%swap3A_246, %swap3A_247], %swap3A_250 {strides = array<i32>} : memref<64x16xi32, #tpu.memory_space<vmem>>, vector<1x16xi32>,
    %get3A_251 = arith.constant 18 : i32
    %get3A_252 = arith.index_cast %get3A_251 : i32 to index
    %get3A_253 = arith.constant 0 : index
    %get3A_254 = tpu.vector_load %arg5[%get3A_252, %get3A_253] {strides = array<i32>} : memref<64x16xi32, #tpu.memory_space<vmem>>, vector<1x16xi32>,
    %get3A_255 = vector.shape_cast %get3A_254 : vector<1x16xi32> to vector<16xi32>
    %add3A_256 = vector.broadcast %mul3A_18 : i32 to vector<16xi32>
    %add3A_257 = arith.addi %get3A_255, %add3A_256 : vector<16xi32>
    %swap3A_258 = arith.constant 18 : i32
    %swap3A_259 = arith.index_cast %swap3A_258 : i32 to index
    %swap3A_260 = arith.constant 0 : index
    %swap3A_261 = tpu.vector_load %arg5[%swap3A_259, %swap3A_260] {strides = array<i32>} : memref<64x16xi32, #tpu.memory_space<vmem>>, vector<1x16xi32>,
    %swap3A_262 = vector.shape_cast %swap3A_261 : vector<1x16xi32> to vector<16xi32>
    %swap3A_263 = vector.shape_cast %add3A_257 : vector<16xi32> to vector<1x16xi32>
    tpu.vector_store %arg5[%swap3A_259, %swap3A_260], %swap3A_263 {strides = array<i32>} : memref<64x16xi32, #tpu.memory_space<vmem>>, vector<1x16xi32>,
    %get3A_264 = arith.constant 19 : i32
    %get3A_265 = arith.index_cast %get3A_264 : i32 to index
    %get3A_266 = arith.constant 0 : index
    %get3A_267 = tpu.vector_load %arg5[%get3A_265, %get3A_266] {strides = array<i32>} : memref<64x16xi32, #tpu.memory_space<vmem>>, vector<1x16xi32>,
    %get3A_268 = vector.shape_cast %get3A_267 : vector<1x16xi32> to vector<16xi32>
    %add3A_269 = vector.broadcast %mul3A_18 : i32 to vector<16xi32>
    %add3A_270 = arith.addi %get3A_268, %add3A_269 : vector<16xi32>
    %swap3A_271 = arith.constant 19 : i32
    %swap3A_272 = arith.index_cast %swap3A_271 : i32 to index
    %swap3A_273 = arith.constant 0 : index
    %swap3A_274 = tpu.vector_load %arg5[%swap3A_272, %swap3A_273] {strides = array<i32>} : memref<64x16xi32, #tpu.memory_space<vmem>>, vector<1x16xi32>,
    %swap3A_275 = vector.shape_cast %swap3A_274 : vector<1x16xi32> to vector<16xi32>
    %swap3A_276 = vector.shape_cast %add3A_270 : vector<16xi32> to vector<1x16xi32>
    tpu.vector_store %arg5[%swap3A_272, %swap3A_273], %swap3A_276 {strides = array<i32>} : memref<64x16xi32, #tpu.memory_space<vmem>>, vector<1x16xi32>,
    %get3A_277 = arith.constant 20 : i32
    %get3A_278 = arith.index_cast %get3A_277 : i32 to index
    %get3A_279 = arith.constant 0 : index
    %get3A_280 = tpu.vector_load %arg5[%get3A_278, %get3A_279] {strides = array<i32>} : memref<64x16xi32, #tpu.memory_space<vmem>>, vector<1x16xi32>,
    %get3A_281 = vector.shape_cast %get3A_280 : vector<1x16xi32> to vector<16xi32>
    %add3A_282 = vector.broadcast %mul3A_18 : i32 to vector<16xi32>
    %add3A_283 = arith.addi %get3A_281, %add3A_282 : vector<16xi32>
    %swap3A_284 = arith.constant 20 : i32
    %swap3A_285 = arith.index_cast %swap3A_284 : i32 to index
    %swap3A_286 = arith.constant 0 : index
    %swap3A_287 = tpu.vector_load %arg5[%swap3A_285, %swap3A_286] {strides = array<i32>} : memref<64x16xi32, #tpu.memory_space<vmem>>, vector<1x16xi32>,
    %swap3A_288 = vector.shape_cast %swap3A_287 : vector<1x16xi32> to vector<16xi32>
    %swap3A_289 = vector.shape_cast %add3A_283 : vector<16xi32> to vector<1x16xi32>
    tpu.vector_store %arg5[%swap3A_285, %swap3A_286], %swap3A_289 {strides = array<i32>} : memref<64x16xi32, #tpu.memory_space<vmem>>, vector<1x16xi32>,
    %get3A_290 = arith.constant 21 : i32
    %get3A_291 = arith.index_cast %get3A_290 : i32 to index
    %get3A_292 = arith.constant 0 : index
    %get3A_293 = tpu.vector_load %arg5[%get3A_291, %get3A_292] {strides = array<i32>} : memref<64x16xi32, #tpu.memory_space<vmem>>, vector<1x16xi32>,
    %get3A_294 = vector.shape_cast %get3A_293 : vector<1x16xi32> to vector<16xi32>
    %add3A_295 = vector.broadcast %mul3A_18 : i32 to vector<16xi32>
    %add3A_296 = arith.addi %get3A_294, %add3A_295 : vector<16xi32>
    %swap3A_297 = arith.constant 21 : i32
    %swap3A_298 = arith.index_cast %swap3A_297 : i32 to index
    %swap3A_299 = arith.constant 0 : index
    %swap3A_300 = tpu.vector_load %arg5[%swap3A_298, %swap3A_299] {strides = array<i32>} : memref<64x16xi32, #tpu.memory_space<vmem>>, vector<1x16xi32>,
    %swap3A_301 = vector.shape_cast %swap3A_300 : vector<1x16xi32> to vector<16xi32>
    %swap3A_302 = vector.shape_cast %add3A_296 : vector<16xi32> to vector<1x16xi32>
    tpu.vector_store %arg5[%swap3A_298, %swap3A_299], %swap3A_302 {strides = array<i32>} : memref<64x16xi32, #tpu.memory_space<vmem>>, vector<1x16xi32>,
    %get3A_303 = arith.constant 22 : i32
    %get3A_304 = arith.index_cast %get3A_303 : i32 to index
    %get3A_305 = arith.constant 0 : index
    %get3A_306 = tpu.vector_load %arg5[%get3A_304, %get3A_305] {strides = array<i32>} : memref<64x16xi32, #tpu.memory_space<vmem>>, vector<1x16xi32>,
    %get3A_307 = vector.shape_cast %get3A_306 : vector<1x16xi32> to vector<16xi32>
    %add3A_308 = vector.broadcast %mul3A_18 : i32 to vector<16xi32>
    %add3A_309 = arith.addi %get3A_307, %add3A_308 : vector<16xi32>
    %swap3A_310 = arith.constant 22 : i32
    %swap3A_311 = arith.index_cast %swap3A_310 : i32 to index
    %swap3A_312 = arith.constant 0 : index
    %swap3A_313 = tpu.vector_load %arg5[%swap3A_311, %swap3A_312] {strides = array<i32>} : memref<64x16xi32, #tpu.memory_space<vmem>>, vector<1x16xi32>,
    %swap3A_314 = vector.shape_cast %swap3A_313 : vector<1x16xi32> to vector<16xi32>
    %swap3A_315 = vector.shape_cast %add3A_309 : vector<16xi32> to vector<1x16xi32>
    tpu.vector_store %arg5[%swap3A_311, %swap3A_312], %swap3A_315 {strides = array<i32>} : memref<64x16xi32, #tpu.memory_space<vmem>>, vector<1x16xi32>,
    %get3A_316 = arith.constant 23 : i32
    %get3A_317 = arith.index_cast %get3A_316 : i32 to index
    %get3A_318 = arith.constant 0 : index
    %get3A_319 = tpu.vector_load %arg5[%get3A_317, %get3A_318] {strides = array<i32>} : memref<64x16xi32, #tpu.memory_space<vmem>>, vector<1x16xi32>,
    %get3A_320 = vector.shape_cast %get3A_319 : vector<1x16xi32> to vector<16xi32>
    %add3A_321 = vector.broadcast %mul3A_18 : i32 to vector<16xi32>
    %add3A_322 = arith.addi %get3A_320, %add3A_321 : vector<16xi32>
    %swap3A_323 = arith.constant 23 : i32
    %swap3A_324 = arith.index_cast %swap3A_323 : i32 to index
    %swap3A_325 = arith.constant 0 : index
    %swap3A_326 = tpu.vector_load %arg5[%swap3A_324, %swap3A_325] {strides = array<i32>} : memref<64x16xi32, #tpu.memory_space<vmem>>, vector<1x16xi32>,
    %swap3A_327 = vector.shape_cast %swap3A_326 : vector<1x16xi32> to vector<16xi32>
    %swap3A_328 = vector.shape_cast %add3A_322 : vector<16xi32> to vector<1x16xi32>
    tpu.vector_store %arg5[%swap3A_324, %swap3A_325], %swap3A_328 {strides = array<i32>} : memref<64x16xi32, #tpu.memory_space<vmem>>, vector<1x16xi32>,
    %get3A_329 = arith.constant 24 : i32
    %get3A_330 = arith.index_cast %get3A_329 : i32 to index
    %get3A_331 = arith.constant 0 : index
    %get3A_332 = tpu.vector_load %arg5[%get3A_330, %get3A_331] {strides = array<i32>} : memref<64x16xi32, #tpu.memory_space<vmem>>, vector<1x16xi32>,
    %get3A_333 = vector.shape_cast %get3A_332 : vector<1x16xi32> to vector<16xi32>
    %add3A_334 = vector.broadcast %mul3A_18 : i32 to vector<16xi32>
    %add3A_335 = arith.addi %get3A_333, %add3A_334 : vector<16xi32>
    %swap3A_336 = arith.constant 24 : i32
    %swap3A_337 = arith.index_cast %swap3A_336 : i32 to index
    %swap3A_338 = arith.constant 0 : index
    %swap3A_339 = tpu.vector_load %arg5[%swap3A_337, %swap3A_338] {strides = array<i32>} : memref<64x16xi32, #tpu.memory_space<vmem>>, vector<1x16xi32>,
    %swap3A_340 = vector.shape_cast %swap3A_339 : vector<1x16xi32> to vector<16xi32>
    %swap3A_341 = vector.shape_cast %add3A_335 : vector<16xi32> to vector<1x16xi32>
    tpu.vector_store %arg5[%swap3A_337, %swap3A_338], %swap3A_341 {strides = array<i32>} : memref<64x16xi32, #tpu.memory_space<vmem>>, vector<1x16xi32>,
    %get3A_342 = arith.constant 25 : i32
    %get3A_343 = arith.index_cast %get3A_342 : i32 to index
    %get3A_344 = arith.constant 0 : index
    %get3A_345 = tpu.vector_load %arg5[%get3A_343, %get3A_344] {strides = array<i32>} : memref<64x16xi32, #tpu.memory_space<vmem>>, vector<1x16xi32>,
    %get3A_346 = vector.shape_cast %get3A_345 : vector<1x16xi32> to vector<16xi32>
    %add3A_347 = vector.broadcast %mul3A_18 : i32 to vector<16xi32>
    %add3A_348 = arith.addi %get3A_346, %add3A_347 : vector<16xi32>
    %swap3A_349 = arith.constant 25 : i32
    %swap3A_350 = arith.index_cast %swap3A_349 : i32 to index
    %swap3A_351 = arith.constant 0 : index
    %swap3A_352 = tpu.vector_load %arg5[%swap3A_350, %swap3A_351] {strides = array<i32>} : memref<64x16xi32, #tpu.memory_space<vmem>>, vector<1x16xi32>,
    %swap3A_353 = vector.shape_cast %swap3A_352 : vector<1x16xi32> to vector<16xi32>
    %swap3A_354 = vector.shape_cast %add3A_348 : vector<16xi32> to vector<1x16xi32>
    tpu.vector_store %arg5[%swap3A_350, %swap3A_351], %swap3A_354 {strides = array<i32>} : memref<64x16xi32, #tpu.memory_space<vmem>>, vector<1x16xi32>,
    %get3A_355 = arith.constant 26 : i32
    %get3A_356 = arith.index_cast %get3A_355 : i32 to index
    %get3A_357 = arith.constant 0 : index
    %get3A_358 = tpu.vector_load %arg5[%get3A_356, %get3A_357] {strides = array<i32>} : memref<64x16xi32, #tpu.memory_space<vmem>>, vector<1x16xi32>,
    %get3A_359 = vector.shape_cast %get3A_358 : vector<1x16xi32> to vector<16xi32>
    %add3A_360 = vector.broadcast %mul3A_18 : i32 to vector<16xi32>
    %add3A_361 = arith.addi %get3A_359, %add3A_360 : vector<16xi32>
    %swap3A_362 = arith.constant 26 : i32
    %swap3A_363 = arith.index_cast %swap3A_362 : i32 to index
    %swap3A_364 = arith.constant 0 : index
    %swap3A_365 = tpu.vector_load %arg5[%swap3A_363, %swap3A_364] {strides = array<i32>} : memref<64x16xi32, #tpu.memory_space<vmem>>, vector<1x16xi32>,
    %swap3A_366 = vector.shape_cast %swap3A_365 : vector<1x16xi32> to vector<16xi32>
    %swap3A_367 = vector.shape_cast %add3A_361 : vector<16xi32> to vector<1x16xi32>
    tpu.vector_store %arg5[%swap3A_363, %swap3A_364], %swap3A_367 {strides = array<i32>} : memref<64x16xi32, #tpu.memory_space<vmem>>, vector<1x16xi32>,
    %get3A_368 = arith.constant 27 : i32
    %get3A_369 = arith.index_cast %get3A_368 : i32 to index
    %get3A_370 = arith.constant 0 : index
    %get3A_371 = tpu.vector_load %arg5[%get3A_369, %get3A_370] {strides = array<i32>} : memref<64x16xi32, #tpu.memory_space<vmem>>, vector<1x16xi32>,
    %get3A_372 = vector.shape_cast %get3A_371 : vector<1x16xi32> to vector<16xi32>
    %add3A_373 = vector.broadcast %mul3A_18 : i32 to vector<16xi32>
    %add3A_374 = arith.addi %get3A_372, %add3A_373 : vector<16xi32>
    %swap3A_375 = arith.constant 27 : i32
    %swap3A_376 = arith.index_cast %swap3A_375 : i32 to index
    %swap3A_377 = arith.constant 0 : index
    %swap3A_378 = tpu.vector_load %arg5[%swap3A_376, %swap3A_377] {strides = array<i32>} : memref<64x16xi32, #tpu.memory_space<vmem>>, vector<1x16xi32>,
    %swap3A_379 = vector.shape_cast %swap3A_378 : vector<1x16xi32> to vector<16xi32>
    %swap3A_380 = vector.shape_cast %add3A_374 : vector<16xi32> to vector<1x16xi32>
    tpu.vector_store %arg5[%swap3A_376, %swap3A_377], %swap3A_380 {strides = array<i32>} : memref<64x16xi32, #tpu.memory_space<vmem>>, vector<1x16xi32>,
    %get3A_381 = arith.constant 28 : i32
    %get3A_382 = arith.index_cast %get3A_381 : i32 to index
    %get3A_383 = arith.constant 0 : index
    %get3A_384 = tpu.vector_load %arg5[%get3A_382, %get3A_383] {strides = array<i32>} : memref<64x16xi32, #tpu.memory_space<vmem>>, vector<1x16xi32>,
    %get3A_385 = vector.shape_cast %get3A_384 : vector<1x16xi32> to vector<16xi32>
    %add3A_386 = vector.broadcast %mul3A_18 : i32 to vector<16xi32>
    %add3A_387 = arith.addi %get3A_385, %add3A_386 : vector<16xi32>
    %swap3A_388 = arith.constant 28 : i32
    %swap3A_389 = arith.index_cast %swap3A_388 : i32 to index
    %swap3A_390 = arith.constant 0 : index
    %swap3A_391 = tpu.vector_load %arg5[%swap3A_389, %swap3A_390] {strides = array<i32>} : memref<64x16xi32, #tpu.memory_space<vmem>>, vector<1x16xi32>,
    %swap3A_392 = vector.shape_cast %swap3A_391 : vector<1x16xi32> to vector<16xi32>
    %swap3A_393 = vector.shape_cast %add3A_387 : vector<16xi32> to vector<1x16xi32>
    tpu.vector_store %arg5[%swap3A_389, %swap3A_390], %swap3A_393 {strides = array<i32>} : memref<64x16xi32, #tpu.memory_space<vmem>>, vector<1x16xi32>,
    %get3A_394 = arith.constant 29 : i32
    %get3A_395 = arith.index_cast %get3A_394 : i32 to index
    %get3A_396 = arith.constant 0 : index
    %get3A_397 = tpu.vector_load %arg5[%get3A_395, %get3A_396] {strides = array<i32>} : memref<64x16xi32, #tpu.memory_space<vmem>>, vector<1x16xi32>,
    %get3A_398 = vector.shape_cast %get3A_397 : vector<1x16xi32> to vector<16xi32>
    %add3A_399 = vector.broadcast %mul3A_18 : i32 to vector<16xi32>
    %add3A_400 = arith.addi %get3A_398, %add3A_399 : vector<16xi32>
    %swap3A_401 = arith.constant 29 : i32
    %swap3A_402 = arith.index_cast %swap3A_401 : i32 to index
    %swap3A_403 = arith.constant 0 : index
    %swap3A_404 = tpu.vector_load %arg5[%swap3A_402, %swap3A_403] {strides = array<i32>} : memref<64x16xi32, #tpu.memory_space<vmem>>, vector<1x16xi32>,
    %swap3A_405 = vector.shape_cast %swap3A_404 : vector<1x16xi32> to vector<16xi32>
    %swap3A_406 = vector.shape_cast %add3A_400 : vector<16xi32> to vector<1x16xi32>
    tpu.vector_store %arg5[%swap3A_402, %swap3A_403], %swap3A_406 {strides = array<i32>} : memref<64x16xi32, #tpu.memory_space<vmem>>, vector<1x16xi32>,
    %get3A_407 = arith.constant 30 : i32
    %get3A_408 = arith.index_cast %get3A_407 : i32 to index
    %get3A_409 = arith.constant 0 : index
    %get3A_410 = tpu.vector_load %arg5[%get3A_408, %get3A_409] {strides = array<i32>} : memref<64x16xi32, #tpu.memory_space<vmem>>, vector<1x16xi32>,
    %get3A_411 = vector.shape_cast %get3A_410 : vector<1x16xi32> to vector<16xi32>
    %add3A_412 = vector.broadcast %mul3A_18 : i32 to vector<16xi32>
    %add3A_413 = arith.addi %get3A_411, %add3A_412 : vector<16xi32>
    %swap3A_414 = arith.constant 30 : i32
    %swap3A_415 = arith.index_cast %swap3A_414 : i32 to index
    %swap3A_416 = arith.constant 0 : index
    %swap3A_417 = tpu.vector_load %arg5[%swap3A_415, %swap3A_416] {strides = array<i32>} : memref<64x16xi32, #tpu.memory_space<vmem>>, vector<1x16xi32>,
    %swap3A_418 = vector.shape_cast %swap3A_417 : vector<1x16xi32> to vector<16xi32>
    %swap3A_419 = vector.shape_cast %add3A_413 : vector<16xi32> to vector<1x16xi32>
    tpu.vector_store %arg5[%swap3A_415, %swap3A_416], %swap3A_419 {strides = array<i32>} : memref<64x16xi32, #tpu.memory_space<vmem>>, vector<1x16xi32>,
    %get3A_420 = arith.constant 31 : i32
    %get3A_421 = arith.index_cast %get3A_420 : i32 to index
    %get3A_422 = arith.constant 0 : index
    %get3A_423 = tpu.vector_load %arg5[%get3A_421, %get3A_422] {strides = array<i32>} : memref<64x16xi32, #tpu.memory_space<vmem>>, vector<1x16xi32>,
    %get3A_424 = vector.shape_cast %get3A_423 : vector<1x16xi32> to vector<16xi32>
    %add3A_425 = vector.broadcast %mul3A_18 : i32 to vector<16xi32>
    %add3A_426 = arith.addi %get3A_424, %add3A_425 : vector<16xi32>
    %swap3A_427 = arith.constant 31 : i32
    %swap3A_428 = arith.index_cast %swap3A_427 : i32 to index
    %swap3A_429 = arith.constant 0 : index
    %swap3A_430 = tpu.vector_load %arg5[%swap3A_428, %swap3A_429] {strides = array<i32>} : memref<64x16xi32, #tpu.memory_space<vmem>>, vector<1x16xi32>,
    %swap3A_431 = vector.shape_cast %swap3A_430 : vector<1x16xi32> to vector<16xi32>
    %swap3A_432 = vector.shape_cast %add3A_426 : vector<16xi32> to vector<1x16xi32>
    tpu.vector_store %arg5[%swap3A_428, %swap3A_429], %swap3A_432 {strides = array<i32>} : memref<64x16xi32, #tpu.memory_space<vmem>>, vector<1x16xi32>,
    %get3A_433 = arith.constant 32 : i32
    %get3A_434 = arith.index_cast %get3A_433 : i32 to index
    %get3A_435 = arith.constant 0 : index
    %get3A_436 = tpu.vector_load %arg5[%get3A_434, %get3A_435] {strides = array<i32>} : memref<64x16xi32, #tpu.memory_space<vmem>>, vector<1x16xi32>,
    %get3A_437 = vector.shape_cast %get3A_436 : vector<1x16xi32> to vector<16xi32>
    %add3A_438 = vector.broadcast %mul3A_18 : i32 to vector<16xi32>
    %add3A_439 = arith.addi %get3A_437, %add3A_438 : vector<16xi32>
    %swap3A_440 = arith.constant 32 : i32
    %swap3A_441 = arith.index_cast %swap3A_440 : i32 to index
    %swap3A_442 = arith.constant 0 : index
    %swap3A_443 = tpu.vector_load %arg5[%swap3A_441, %swap3A_442] {strides = array<i32>} : memref<64x16xi32, #tpu.memory_space<vmem>>, vector<1x16xi32>,
    %swap3A_444 = vector.shape_cast %swap3A_443 : vector<1x16xi32> to vector<16xi32>
    %swap3A_445 = vector.shape_cast %add3A_439 : vector<16xi32> to vector<1x16xi32>
    tpu.vector_store %arg5[%swap3A_441, %swap3A_442], %swap3A_445 {strides = array<i32>} : memref<64x16xi32, #tpu.memory_space<vmem>>, vector<1x16xi32>,
    %get3A_446 = arith.constant 33 : i32
    %get3A_447 = arith.index_cast %get3A_446 : i32 to index
    %get3A_448 = arith.constant 0 : index
    %get3A_449 = tpu.vector_load %arg5[%get3A_447, %get3A_448] {strides = array<i32>} : memref<64x16xi32, #tpu.memory_space<vmem>>, vector<1x16xi32>,
    %get3A_450 = vector.shape_cast %get3A_449 : vector<1x16xi32> to vector<16xi32>
    %add3A_451 = vector.broadcast %mul3A_18 : i32 to vector<16xi32>
    %add3A_452 = arith.addi %get3A_450, %add3A_451 : vector<16xi32>
    %swap3A_453 = arith.constant 33 : i32
    %swap3A_454 = arith.index_cast %swap3A_453 : i32 to index
    %swap3A_455 = arith.constant 0 : index
    %swap3A_456 = tpu.vector_load %arg5[%swap3A_454, %swap3A_455] {strides = array<i32>} : memref<64x16xi32, #tpu.memory_space<vmem>>, vector<1x16xi32>,
    %swap3A_457 = vector.shape_cast %swap3A_456 : vector<1x16xi32> to vector<16xi32>
    %swap3A_458 = vector.shape_cast %add3A_452 : vector<16xi32> to vector<1x16xi32>
    tpu.vector_store %arg5[%swap3A_454, %swap3A_455], %swap3A_458 {strides = array<i32>} : memref<64x16xi32, #tpu.memory_space<vmem>>, vector<1x16xi32>,
    %get3A_459 = arith.constant 34 : i32
    %get3A_460 = arith.index_cast %get3A_459 : i32 to index
    %get3A_461 = arith.constant 0 : index
    %get3A_462 = tpu.vector_load %arg5[%get3A_460, %get3A_461] {strides = array<i32>} : memref<64x16xi32, #tpu.memory_space<vmem>>, vector<1x16xi32>,
    %get3A_463 = vector.shape_cast %get3A_462 : vector<1x16xi32> to vector<16xi32>
    %add3A_464 = vector.broadcast %mul3A_18 : i32 to vector<16xi32>
    %add3A_465 = arith.addi %get3A_463, %add3A_464 : vector<16xi32>
    %swap3A_466 = arith.constant 34 : i32
    %swap3A_467 = arith.index_cast %swap3A_466 : i32 to index
    %swap3A_468 = arith.constant 0 : index
    %swap3A_469 = tpu.vector_load %arg5[%swap3A_467, %swap3A_468] {strides = array<i32>} : memref<64x16xi32, #tpu.memory_space<vmem>>, vector<1x16xi32>,
    %swap3A_470 = vector.shape_cast %swap3A_469 : vector<1x16xi32> to vector<16xi32>
    %swap3A_471 = vector.shape_cast %add3A_465 : vector<16xi32> to vector<1x16xi32>
    tpu.vector_store %arg5[%swap3A_467, %swap3A_468], %swap3A_471 {strides = array<i32>} : memref<64x16xi32, #tpu.memory_space<vmem>>, vector<1x16xi32>,
    %get3A_472 = arith.constant 35 : i32
    %get3A_473 = arith.index_cast %get3A_472 : i32 to index
    %get3A_474 = arith.constant 0 : index
    %get3A_475 = tpu.vector_load %arg5[%get3A_473, %get3A_474] {strides = array<i32>} : memref<64x16xi32, #tpu.memory_space<vmem>>, vector<1x16xi32>,
    %get3A_476 = vector.shape_cast %get3A_475 : vector<1x16xi32> to vector<16xi32>
    %add3A_477 = vector.broadcast %mul3A_18 : i32 to vector<16xi32>
    %add3A_478 = arith.addi %get3A_476, %add3A_477 : vector<16xi32>
    %swap3A_479 = arith.constant 35 : i32
    %swap3A_480 = arith.index_cast %swap3A_479 : i32 to index
    %swap3A_481 = arith.constant 0 : index
    %swap3A_482 = tpu.vector_load %arg5[%swap3A_480, %swap3A_481] {strides = array<i32>} : memref<64x16xi32, #tpu.memory_space<vmem>>, vector<1x16xi32>,
    %swap3A_483 = vector.shape_cast %swap3A_482 : vector<1x16xi32> to vector<16xi32>
    %swap3A_484 = vector.shape_cast %add3A_478 : vector<16xi32> to vector<1x16xi32>
    tpu.vector_store %arg5[%swap3A_480, %swap3A_481], %swap3A_484 {strides = array<i32>} : memref<64x16xi32, #tpu.memory_space<vmem>>, vector<1x16xi32>,
    %get3A_485 = arith.constant 36 : i32
    %get3A_486 = arith.index_cast %get3A_485 : i32 to index
    %get3A_487 = arith.constant 0 : index
    %get3A_488 = tpu.vector_load %arg5[%get3A_486, %get3A_487] {strides = array<i32>} : memref<64x16xi32, #tpu.memory_space<vmem>>, vector<1x16xi32>,
    %get3A_489 = vector.shape_cast %get3A_488 : vector<1x16xi32> to vector<16xi32>
    %add3A_490 = vector.broadcast %mul3A_18 : i32 to vector<16xi32>
    %add3A_491 = arith.addi %get3A_489, %add3A_490 : vector<16xi32>
    %swap3A_492 = arith.constant 36 : i32
    %swap3A_493 = arith.index_cast %swap3A_492 : i32 to index
    %swap3A_494 = arith.constant 0 : index
    %swap3A_495 = tpu.vector_load %arg5[%swap3A_493, %swap3A_494] {strides = array<i32>} : memref<64x16xi32, #tpu.memory_space<vmem>>, vector<1x16xi32>,
    %swap3A_496 = vector.shape_cast %swap3A_495 : vector<1x16xi32> to vector<16xi32>
    %swap3A_497 = vector.shape_cast %add3A_491 : vector<16xi32> to vector<1x16xi32>
    tpu.vector_store %arg5[%swap3A_493, %swap3A_494], %swap3A_497 {strides = array<i32>} : memref<64x16xi32, #tpu.memory_space<vmem>>, vector<1x16xi32>,
    %get3A_498 = arith.constant 37 : i32
    %get3A_499 = arith.index_cast %get3A_498 : i32 to index
    %get3A_500 = arith.constant 0 : index
    %get3A_501 = tpu.vector_load %arg5[%get3A_499, %get3A_500] {strides = array<i32>} : memref<64x16xi32, #tpu.memory_space<vmem>>, vector<1x16xi32>,
    %get3A_502 = vector.shape_cast %get3A_501 : vector<1x16xi32> to vector<16xi32>
    %add3A_503 = vector.broadcast %mul3A_18 : i32 to vector<16xi32>
    %add3A_504 = arith.addi %get3A_502, %add3A_503 : vector<16xi32>
    %swap3A_505 = arith.constant 37 : i32
    %swap3A_506 = arith.index_cast %swap3A_505 : i32 to index
    %swap3A_507 = arith.constant 0 : index
    %swap3A_508 = tpu.vector_load %arg5[%swap3A_506, %swap3A_507] {strides = array<i32>} : memref<64x16xi32, #tpu.memory_space<vmem>>, vector<1x16xi32>,
    %swap3A_509 = vector.shape_cast %swap3A_508 : vector<1x16xi32> to vector<16xi32>
    %swap3A_510 = vector.shape_cast %add3A_504 : vector<16xi32> to vector<1x16xi32>
    tpu.vector_store %arg5[%swap3A_506, %swap3A_507], %swap3A_510 {strides = array<i32>} : memref<64x16xi32, #tpu.memory_space<vmem>>, vector<1x16xi32>,
    %get3A_511 = arith.constant 38 : i32
    %get3A_512 = arith.index_cast %get3A_511 : i32 to index
    %get3A_513 = arith.constant 0 : index
    %get3A_514 = tpu.vector_load %arg5[%get3A_512, %get3A_513] {strides = array<i32>} : memref<64x16xi32, #tpu.memory_space<vmem>>, vector<1x16xi32>,
    %get3A_515 = vector.shape_cast %get3A_514 : vector<1x16xi32> to vector<16xi32>
    %add3A_516 = vector.broadcast %mul3A_18 : i32 to vector<16xi32>
    %add3A_517 = arith.addi %get3A_515, %add3A_516 : vector<16xi32>
    %swap3A_518 = arith.constant 38 : i32
    %swap3A_519 = arith.index_cast %swap3A_518 : i32 to index
    %swap3A_520 = arith.constant 0 : index
    %swap3A_521 = tpu.vector_load %arg5[%swap3A_519, %swap3A_520] {strides = array<i32>} : memref<64x16xi32, #tpu.memory_space<vmem>>, vector<1x16xi32>,
    %swap3A_522 = vector.shape_cast %swap3A_521 : vector<1x16xi32> to vector<16xi32>
    %swap3A_523 = vector.shape_cast %add3A_517 : vector<16xi32> to vector<1x16xi32>
    tpu.vector_store %arg5[%swap3A_519, %swap3A_520], %swap3A_523 {strides = array<i32>} : memref<64x16xi32, #tpu.memory_space<vmem>>, vector<1x16xi32>,
    %get3A_524 = arith.constant 39 : i32
    %get3A_525 = arith.index_cast %get3A_524 : i32 to index
    %get3A_526 = arith.constant 0 : index
    %get3A_527 = tpu.vector_load %arg5[%get3A_525, %get3A_526] {strides = array<i32>} : memref<64x16xi32, #tpu.memory_space<vmem>>, vector<1x16xi32>,
    %get3A_528 = vector.shape_cast %get3A_527 : vector<1x16xi32> to vector<16xi32>
    %add3A_529 = vector.broadcast %mul3A_18 : i32 to vector<16xi32>
    %add3A_530 = arith.addi %get3A_528, %add3A_529 : vector<16xi32>
    %swap3A_531 = arith.constant 39 : i32
    %swap3A_532 = arith.index_cast %swap3A_531 : i32 to index
    %swap3A_533 = arith.constant 0 : index
    %swap3A_534 = tpu.vector_load %arg5[%swap3A_532, %swap3A_533] {strides = array<i32>} : memref<64x16xi32, #tpu.memory_space<vmem>>, vector<1x16xi32>,
    %swap3A_535 = vector.shape_cast %swap3A_534 : vector<1x16xi32> to vector<16xi32>
    %swap3A_536 = vector.shape_cast %add3A_530 : vector<16xi32> to vector<1x16xi32>
    tpu.vector_store %arg5[%swap3A_532, %swap3A_533], %swap3A_536 {strides = array<i32>} : memref<64x16xi32, #tpu.memory_space<vmem>>, vector<1x16xi32>,
    %get3A_537 = arith.constant 40 : i32
    %get3A_538 = arith.index_cast %get3A_537 : i32 to index
    %get3A_539 = arith.constant 0 : index
    %get3A_540 = tpu.vector_load %arg5[%get3A_538, %get3A_539] {strides = array<i32>} : memref<64x16xi32, #tpu.memory_space<vmem>>, vector<1x16xi32>,
    %get3A_541 = vector.shape_cast %get3A_540 : vector<1x16xi32> to vector<16xi32>
    %add3A_542 = vector.broadcast %mul3A_18 : i32 to vector<16xi32>
    %add3A_543 = arith.addi %get3A_541, %add3A_542 : vector<16xi32>
    %swap3A_544 = arith.constant 40 : i32
    %swap3A_545 = arith.index_cast %swap3A_544 : i32 to index
    %swap3A_546 = arith.constant 0 : index
    %swap3A_547 = tpu.vector_load %arg5[%swap3A_545, %swap3A_546] {strides = array<i32>} : memref<64x16xi32, #tpu.memory_space<vmem>>, vector<1x16xi32>,
    %swap3A_548 = vector.shape_cast %swap3A_547 : vector<1x16xi32> to vector<16xi32>
    %swap3A_549 = vector.shape_cast %add3A_543 : vector<16xi32> to vector<1x16xi32>
    tpu.vector_store %arg5[%swap3A_545, %swap3A_546], %swap3A_549 {strides = array<i32>} : memref<64x16xi32, #tpu.memory_space<vmem>>, vector<1x16xi32>,
    %get3A_550 = arith.constant 41 : i32
    %get3A_551 = arith.index_cast %get3A_550 : i32 to index
    %get3A_552 = arith.constant 0 : index
    %get3A_553 = tpu.vector_load %arg5[%get3A_551, %get3A_552] {strides = array<i32>} : memref<64x16xi32, #tpu.memory_space<vmem>>, vector<1x16xi32>,
    %get3A_554 = vector.shape_cast %get3A_553 : vector<1x16xi32> to vector<16xi32>
    %add3A_555 = vector.broadcast %mul3A_18 : i32 to vector<16xi32>
    %add3A_556 = arith.addi %get3A_554, %add3A_555 : vector<16xi32>
    %swap3A_557 = arith.constant 41 : i32
    %swap3A_558 = arith.index_cast %swap3A_557 : i32 to index
    %swap3A_559 = arith.constant 0 : index
    %swap3A_560 = tpu.vector_load %arg5[%swap3A_558, %swap3A_559] {strides = array<i32>} : memref<64x16xi32, #tpu.memory_space<vmem>>, vector<1x16xi32>,
    %swap3A_561 = vector.shape_cast %swap3A_560 : vector<1x16xi32> to vector<16xi32>
    %swap3A_562 = vector.shape_cast %add3A_556 : vector<16xi32> to vector<1x16xi32>
    tpu.vector_store %arg5[%swap3A_558, %swap3A_559], %swap3A_562 {strides = array<i32>} : memref<64x16xi32, #tpu.memory_space<vmem>>, vector<1x16xi32>,
    %get3A_563 = arith.constant 42 : i32
    %get3A_564 = arith.index_cast %get3A_563 : i32 to index
    %get3A_565 = arith.constant 0 : index
    %get3A_566 = tpu.vector_load %arg5[%get3A_564, %get3A_565] {strides = array<i32>} : memref<64x16xi32, #tpu.memory_space<vmem>>, vector<1x16xi32>,
    %get3A_567 = vector.shape_cast %get3A_566 : vector<1x16xi32> to vector<16xi32>
    %add3A_568 = vector.broadcast %mul3A_18 : i32 to vector<16xi32>
    %add3A_569 = arith.addi %get3A_567, %add3A_568 : vector<16xi32>
    %swap3A_570 = arith.constant 42 : i32
    %swap3A_571 = arith.index_cast %swap3A_570 : i32 to index
    %swap3A_572 = arith.constant 0 : index
    %swap3A_573 = tpu.vector_load %arg5[%swap3A_571, %swap3A_572] {strides = array<i32>} : memref<64x16xi32, #tpu.memory_space<vmem>>, vector<1x16xi32>,
    %swap3A_574 = vector.shape_cast %swap3A_573 : vector<1x16xi32> to vector<16xi32>
    %swap3A_575 = vector.shape_cast %add3A_569 : vector<16xi32> to vector<1x16xi32>
    tpu.vector_store %arg5[%swap3A_571, %swap3A_572], %swap3A_575 {strides = array<i32>} : memref<64x16xi32, #tpu.memory_space<vmem>>, vector<1x16xi32>,
    %get3A_576 = arith.constant 43 : i32
    %get3A_577 = arith.index_cast %get3A_576 : i32 to index
    %get3A_578 = arith.constant 0 : index
    %get3A_579 = tpu.vector_load %arg5[%get3A_577, %get3A_578] {strides = array<i32>} : memref<64x16xi32, #tpu.memory_space<vmem>>, vector<1x16xi32>,
    %get3A_580 = vector.shape_cast %get3A_579 : vector<1x16xi32> to vector<16xi32>
    %add3A_581 = vector.broadcast %mul3A_18 : i32 to vector<16xi32>
    %add3A_582 = arith.addi %get3A_580, %add3A_581 : vector<16xi32>
    %swap3A_583 = arith.constant 43 : i32
    %swap3A_584 = arith.index_cast %swap3A_583 : i32 to index
    %swap3A_585 = arith.constant 0 : index
    %swap3A_586 = tpu.vector_load %arg5[%swap3A_584, %swap3A_585] {strides = array<i32>} : memref<64x16xi32, #tpu.memory_space<vmem>>, vector<1x16xi32>,
    %swap3A_587 = vector.shape_cast %swap3A_586 : vector<1x16xi32> to vector<16xi32>
    %swap3A_588 = vector.shape_cast %add3A_582 : vector<16xi32> to vector<1x16xi32>
    tpu.vector_store %arg5[%swap3A_584, %swap3A_585], %swap3A_588 {strides = array<i32>} : memref<64x16xi32, #tpu.memory_space<vmem>>, vector<1x16xi32>,
    %get3A_589 = arith.constant 44 : i32
    %get3A_590 = arith.index_cast %get3A_589 : i32 to index
    %get3A_591 = arith.constant 0 : index
    %get3A_592 = tpu.vector_load %arg5[%get3A_590, %get3A_591] {strides = array<i32>} : memref<64x16xi32, #tpu.memory_space<vmem>>, vector<1x16xi32>,
    %get3A_593 = vector.shape_cast %get3A_592 : vector<1x16xi32> to vector<16xi32>
    %add3A_594 = vector.broadcast %mul3A_18 : i32 to vector<16xi32>
    %add3A_595 = arith.addi %get3A_593, %add3A_594 : vector<16xi32>
    %swap3A_596 = arith.constant 44 : i32
    %swap3A_597 = arith.index_cast %swap3A_596 : i32 to index
    %swap3A_598 = arith.constant 0 : index
    %swap3A_599 = tpu.vector_load %arg5[%swap3A_597, %swap3A_598] {strides = array<i32>} : memref<64x16xi32, #tpu.memory_space<vmem>>, vector<1x16xi32>,
    %swap3A_600 = vector.shape_cast %swap3A_599 : vector<1x16xi32> to vector<16xi32>
    %swap3A_601 = vector.shape_cast %add3A_595 : vector<16xi32> to vector<1x16xi32>
    tpu.vector_store %arg5[%swap3A_597, %swap3A_598], %swap3A_601 {strides = array<i32>} : memref<64x16xi32, #tpu.memory_space<vmem>>, vector<1x16xi32>,
    %get3A_602 = arith.constant 45 : i32
    %get3A_603 = arith.index_cast %get3A_602 : i32 to index
    %get3A_604 = arith.constant 0 : index
    %get3A_605 = tpu.vector_load %arg5[%get3A_603, %get3A_604] {strides = array<i32>} : memref<64x16xi32, #tpu.memory_space<vmem>>, vector<1x16xi32>,
    %get3A_606 = vector.shape_cast %get3A_605 : vector<1x16xi32> to vector<16xi32>
    %add3A_607 = vector.broadcast %mul3A_18 : i32 to vector<16xi32>
    %add3A_608 = arith.addi %get3A_606, %add3A_607 : vector<16xi32>
    %swap3A_609 = arith.constant 45 : i32
    %swap3A_610 = arith.index_cast %swap3A_609 : i32 to index
    %swap3A_611 = arith.constant 0 : index
    %swap3A_612 = tpu.vector_load %arg5[%swap3A_610, %swap3A_611] {strides = array<i32>} : memref<64x16xi32, #tpu.memory_space<vmem>>, vector<1x16xi32>,
    %swap3A_613 = vector.shape_cast %swap3A_612 : vector<1x16xi32> to vector<16xi32>
    %swap3A_614 = vector.shape_cast %add3A_608 : vector<16xi32> to vector<1x16xi32>
    tpu.vector_store %arg5[%swap3A_610, %swap3A_611], %swap3A_614 {strides = array<i32>} : memref<64x16xi32, #tpu.memory_space<vmem>>, vector<1x16xi32>,
    %get3A_615 = arith.constant 46 : i32
    %get3A_616 = arith.index_cast %get3A_615 : i32 to index
    %get3A_617 = arith.constant 0 : index
    %get3A_618 = tpu.vector_load %arg5[%get3A_616, %get3A_617] {strides = array<i32>} : memref<64x16xi32, #tpu.memory_space<vmem>>, vector<1x16xi32>,
    %get3A_619 = vector.shape_cast %get3A_618 : vector<1x16xi32> to vector<16xi32>
    %add3A_620 = vector.broadcast %mul3A_18 : i32 to vector<16xi32>
    %add3A_621 = arith.addi %get3A_619, %add3A_620 : vector<16xi32>
    %swap3A_622 = arith.constant 46 : i32
    %swap3A_623 = arith.index_cast %swap3A_622 : i32 to index
    %swap3A_624 = arith.constant 0 : index
    %swap3A_625 = tpu.vector_load %arg5[%swap3A_623, %swap3A_624] {strides = array<i32>} : memref<64x16xi32, #tpu.memory_space<vmem>>, vector<1x16xi32>,
    %swap3A_626 = vector.shape_cast %swap3A_625 : vector<1x16xi32> to vector<16xi32>
    %swap3A_627 = vector.shape_cast %add3A_621 : vector<16xi32> to vector<1x16xi32>
    tpu.vector_store %arg5[%swap3A_623, %swap3A_624], %swap3A_627 {strides = array<i32>} : memref<64x16xi32, #tpu.memory_space<vmem>>, vector<1x16xi32>,
    %get3A_628 = arith.constant 47 : i32
    %get3A_629 = arith.index_cast %get3A_628 : i32 to index
    %get3A_630 = arith.constant 0 : index
    %get3A_631 = tpu.vector_load %arg5[%get3A_629, %get3A_630] {strides = array<i32>} : memref<64x16xi32, #tpu.memory_space<vmem>>, vector<1x16xi32>,
    %get3A_632 = vector.shape_cast %get3A_631 : vector<1x16xi32> to vector<16xi32>
    %add3A_633 = vector.broadcast %mul3A_18 : i32 to vector<16xi32>
    %add3A_634 = arith.addi %get3A_632, %add3A_633 : vector<16xi32>
    %swap3A_635 = arith.constant 47 : i32
    %swap3A_636 = arith.index_cast %swap3A_635 : i32 to index
    %swap3A_637 = arith.constant 0 : index
    %swap3A_638 = tpu.vector_load %arg5[%swap3A_636, %swap3A_637] {strides = array<i32>} : memref<64x16xi32, #tpu.memory_space<vmem>>, vector<1x16xi32>,
    %swap3A_639 = vector.shape_cast %swap3A_638 : vector<1x16xi32> to vector<16xi32>
    %swap3A_640 = vector.shape_cast %add3A_634 : vector<16xi32> to vector<1x16xi32>
    tpu.vector_store %arg5[%swap3A_636, %swap3A_637], %swap3A_640 {strides = array<i32>} : memref<64x16xi32, #tpu.memory_space<vmem>>, vector<1x16xi32>,
    %get3A_641 = arith.constant 48 : i32
    %get3A_642 = arith.index_cast %get3A_641 : i32 to index
    %get3A_643 = arith.constant 0 : index
    %get3A_644 = tpu.vector_load %arg5[%get3A_642, %get3A_643] {strides = array<i32>} : memref<64x16xi32, #tpu.memory_space<vmem>>, vector<1x16xi32>,
    %get3A_645 = vector.shape_cast %get3A_644 : vector<1x16xi32> to vector<16xi32>
    %add3A_646 = vector.broadcast %mul3A_18 : i32 to vector<16xi32>
    %add3A_647 = arith.addi %get3A_645, %add3A_646 : vector<16xi32>
    %swap3A_648 = arith.constant 48 : i32
    %swap3A_649 = arith.index_cast %swap3A_648 : i32 to index
    %swap3A_650 = arith.constant 0 : index
    %swap3A_651 = tpu.vector_load %arg5[%swap3A_649, %swap3A_650] {strides = array<i32>} : memref<64x16xi32, #tpu.memory_space<vmem>>, vector<1x16xi32>,
    %swap3A_652 = vector.shape_cast %swap3A_651 : vector<1x16xi32> to vector<16xi32>
    %swap3A_653 = vector.shape_cast %add3A_647 : vector<16xi32> to vector<1x16xi32>
    tpu.vector_store %arg5[%swap3A_649, %swap3A_650], %swap3A_653 {strides = array<i32>} : memref<64x16xi32, #tpu.memory_space<vmem>>, vector<1x16xi32>,
    %get3A_654 = arith.constant 49 : i32
    %get3A_655 = arith.index_cast %get3A_654 : i32 to index
    %get3A_656 = arith.constant 0 : index
    %get3A_657 = tpu.vector_load %arg5[%get3A_655, %get3A_656] {strides = array<i32>} : memref<64x16xi32, #tpu.memory_space<vmem>>, vector<1x16xi32>,
    %get3A_658 = vector.shape_cast %get3A_657 : vector<1x16xi32> to vector<16xi32>
    %add3A_659 = vector.broadcast %mul3A_18 : i32 to vector<16xi32>
    %add3A_660 = arith.addi %get3A_658, %add3A_659 : vector<16xi32>
    %swap3A_661 = arith.constant 49 : i32
    %swap3A_662 = arith.index_cast %swap3A_661 : i32 to index
    %swap3A_663 = arith.constant 0 : index
    %swap3A_664 = tpu.vector_load %arg5[%swap3A_662, %swap3A_663] {strides = array<i32>} : memref<64x16xi32, #tpu.memory_space<vmem>>, vector<1x16xi32>,
    %swap3A_665 = vector.shape_cast %swap3A_664 : vector<1x16xi32> to vector<16xi32>
    %swap3A_666 = vector.shape_cast %add3A_660 : vector<16xi32> to vector<1x16xi32>
    tpu.vector_store %arg5[%swap3A_662, %swap3A_663], %swap3A_666 {strides = array<i32>} : memref<64x16xi32, #tpu.memory_space<vmem>>, vector<1x16xi32>,
    %get3A_667 = arith.constant 50 : i32
    %get3A_668 = arith.index_cast %get3A_667 : i32 to index
    %get3A_669 = arith.constant 0 : index
    %get3A_670 = tpu.vector_load %arg5[%get3A_668, %get3A_669] {strides = array<i32>} : memref<64x16xi32, #tpu.memory_space<vmem>>, vector<1x16xi32>,
    %get3A_671 = vector.shape_cast %get3A_670 : vector<1x16xi32> to vector<16xi32>
    %add3A_672 = vector.broadcast %mul3A_18 : i32 to vector<16xi32>
    %add3A_673 = arith.addi %get3A_671, %add3A_672 : vector<16xi32>
    %swap3A_674 = arith.constant 50 : i32
    %swap3A_675 = arith.index_cast %swap3A_674 : i32 to index
    %swap3A_676 = arith.constant 0 : index
    %swap3A_677 = tpu.vector_load %arg5[%swap3A_675, %swap3A_676] {strides = array<i32>} : memref<64x16xi32, #tpu.memory_space<vmem>>, vector<1x16xi32>,
    %swap3A_678 = vector.shape_cast %swap3A_677 : vector<1x16xi32> to vector<16xi32>
    %swap3A_679 = vector.shape_cast %add3A_673 : vector<16xi32> to vector<1x16xi32>
    tpu.vector_store %arg5[%swap3A_675, %swap3A_676], %swap3A_679 {strides = array<i32>} : memref<64x16xi32, #tpu.memory_space<vmem>>, vector<1x16xi32>,
    %get3A_680 = arith.constant 51 : i32
    %get3A_681 = arith.index_cast %get3A_680 : i32 to index
    %get3A_682 = arith.constant 0 : index
    %get3A_683 = tpu.vector_load %arg5[%get3A_681, %get3A_682] {strides = array<i32>} : memref<64x16xi32, #tpu.memory_space<vmem>>, vector<1x16xi32>,
    %get3A_684 = vector.shape_cast %get3A_683 : vector<1x16xi32> to vector<16xi32>
    %add3A_685 = vector.broadcast %mul3A_18 : i32 to vector<16xi32>
    %add3A_686 = arith.addi %get3A_684, %add3A_685 : vector<16xi32>
    %swap3A_687 = arith.constant 51 : i32
    %swap3A_688 = arith.index_cast %swap3A_687 : i32 to index
    %swap3A_689 = arith.constant 0 : index
    %swap3A_690 = tpu.vector_load %arg5[%swap3A_688, %swap3A_689] {strides = array<i32>} : memref<64x16xi32, #tpu.memory_space<vmem>>, vector<1x16xi32>,
    %swap3A_691 = vector.shape_cast %swap3A_690 : vector<1x16xi32> to vector<16xi32>
    %swap3A_692 = vector.shape_cast %add3A_686 : vector<16xi32> to vector<1x16xi32>
    tpu.vector_store %arg5[%swap3A_688, %swap3A_689], %swap3A_692 {strides = array<i32>} : memref<64x16xi32, #tpu.memory_space<vmem>>, vector<1x16xi32>,
    %get3A_693 = arith.constant 52 : i32
    %get3A_694 = arith.index_cast %get3A_693 : i32 to index
    %get3A_695 = arith.constant 0 : index
    %get3A_696 = tpu.vector_load %arg5[%get3A_694, %get3A_695] {strides = array<i32>} : memref<64x16xi32, #tpu.memory_space<vmem>>, vector<1x16xi32>,
    %get3A_697 = vector.shape_cast %get3A_696 : vector<1x16xi32> to vector<16xi32>
    %add3A_698 = vector.broadcast %mul3A_18 : i32 to vector<16xi32>
    %add3A_699 = arith.addi %get3A_697, %add3A_698 : vector<16xi32>
    %swap3A_700 = arith.constant 52 : i32
    %swap3A_701 = arith.index_cast %swap3A_700 : i32 to index
    %swap3A_702 = arith.constant 0 : index
    %swap3A_703 = tpu.vector_load %arg5[%swap3A_701, %swap3A_702] {strides = array<i32>} : memref<64x16xi32, #tpu.memory_space<vmem>>, vector<1x16xi32>,
    %swap3A_704 = vector.shape_cast %swap3A_703 : vector<1x16xi32> to vector<16xi32>
    %swap3A_705 = vector.shape_cast %add3A_699 : vector<16xi32> to vector<1x16xi32>
    tpu.vector_store %arg5[%swap3A_701, %swap3A_702], %swap3A_705 {strides = array<i32>} : memref<64x16xi32, #tpu.memory_space<vmem>>, vector<1x16xi32>,
    %get3A_706 = arith.constant 53 : i32
    %get3A_707 = arith.index_cast %get3A_706 : i32 to index
    %get3A_708 = arith.constant 0 : index
    %get3A_709 = tpu.vector_load %arg5[%get3A_707, %get3A_708] {strides = array<i32>} : memref<64x16xi32, #tpu.memory_space<vmem>>, vector<1x16xi32>,
    %get3A_710 = vector.shape_cast %get3A_709 : vector<1x16xi32> to vector<16xi32>
    %add3A_711 = vector.broadcast %mul3A_18 : i32 to vector<16xi32>
    %add3A_712 = arith.addi %get3A_710, %add3A_711 : vector<16xi32>
    %swap3A_713 = arith.constant 53 : i32
    %swap3A_714 = arith.index_cast %swap3A_713 : i32 to index
    %swap3A_715 = arith.constant 0 : index
    %swap3A_716 = tpu.vector_load %arg5[%swap3A_714, %swap3A_715] {strides = array<i32>} : memref<64x16xi32, #tpu.memory_space<vmem>>, vector<1x16xi32>,
    %swap3A_717 = vector.shape_cast %swap3A_716 : vector<1x16xi32> to vector<16xi32>
    %swap3A_718 = vector.shape_cast %add3A_712 : vector<16xi32> to vector<1x16xi32>
    tpu.vector_store %arg5[%swap3A_714, %swap3A_715], %swap3A_718 {strides = array<i32>} : memref<64x16xi32, #tpu.memory_space<vmem>>, vector<1x16xi32>,
    %get3A_719 = arith.constant 54 : i32
    %get3A_720 = arith.index_cast %get3A_719 : i32 to index
    %get3A_721 = arith.constant 0 : index
    %get3A_722 = tpu.vector_load %arg5[%get3A_720, %get3A_721] {strides = array<i32>} : memref<64x16xi32, #tpu.memory_space<vmem>>, vector<1x16xi32>,
    %get3A_723 = vector.shape_cast %get3A_722 : vector<1x16xi32> to vector<16xi32>
    %add3A_724 = vector.broadcast %mul3A_18 : i32 to vector<16xi32>
    %add3A_725 = arith.addi %get3A_723, %add3A_724 : vector<16xi32>
    %swap3A_726 = arith.constant 54 : i32
    %swap3A_727 = arith.index_cast %swap3A_726 : i32 to index
    %swap3A_728 = arith.constant 0 : index
    %swap3A_729 = tpu.vector_load %arg5[%swap3A_727, %swap3A_728] {strides = array<i32>} : memref<64x16xi32, #tpu.memory_space<vmem>>, vector<1x16xi32>,
    %swap3A_730 = vector.shape_cast %swap3A_729 : vector<1x16xi32> to vector<16xi32>
    %swap3A_731 = vector.shape_cast %add3A_725 : vector<16xi32> to vector<1x16xi32>
    tpu.vector_store %arg5[%swap3A_727, %swap3A_728], %swap3A_731 {strides = array<i32>} : memref<64x16xi32, #tpu.memory_space<vmem>>, vector<1x16xi32>,
    %get3A_732 = arith.constant 55 : i32
    %get3A_733 = arith.index_cast %get3A_732 : i32 to index
    %get3A_734 = arith.constant 0 : index
    %get3A_735 = tpu.vector_load %arg5[%get3A_733, %get3A_734] {strides = array<i32>} : memref<64x16xi32, #tpu.memory_space<vmem>>, vector<1x16xi32>,
    %get3A_736 = vector.shape_cast %get3A_735 : vector<1x16xi32> to vector<16xi32>
    %add3A_737 = vector.broadcast %mul3A_18 : i32 to vector<16xi32>
    %add3A_738 = arith.addi %get3A_736, %add3A_737 : vector<16xi32>
    %swap3A_739 = arith.constant 55 : i32
    %swap3A_740 = arith.index_cast %swap3A_739 : i32 to index
    %swap3A_741 = arith.constant 0 : index
    %swap3A_742 = tpu.vector_load %arg5[%swap3A_740, %swap3A_741] {strides = array<i32>} : memref<64x16xi32, #tpu.memory_space<vmem>>, vector<1x16xi32>,
    %swap3A_743 = vector.shape_cast %swap3A_742 : vector<1x16xi32> to vector<16xi32>
    %swap3A_744 = vector.shape_cast %add3A_738 : vector<16xi32> to vector<1x16xi32>
    tpu.vector_store %arg5[%swap3A_740, %swap3A_741], %swap3A_744 {strides = array<i32>} : memref<64x16xi32, #tpu.memory_space<vmem>>, vector<1x16xi32>,
    %get3A_745 = arith.constant 56 : i32
    %get3A_746 = arith.index_cast %get3A_745 : i32 to index
    %get3A_747 = arith.constant 0 : index
    %get3A_748 = tpu.vector_load %arg5[%get3A_746, %get3A_747] {strides = array<i32>} : memref<64x16xi32, #tpu.memory_space<vmem>>, vector<1x16xi32>,
    %get3A_749 = vector.shape_cast %get3A_748 : vector<1x16xi32> to vector<16xi32>
    %add3A_750 = vector.broadcast %mul3A_18 : i32 to vector<16xi32>
    %add3A_751 = arith.addi %get3A_749, %add3A_750 : vector<16xi32>
    %swap3A_752 = arith.constant 56 : i32
    %swap3A_753 = arith.index_cast %swap3A_752 : i32 to index
    %swap3A_754 = arith.constant 0 : index
    %swap3A_755 = tpu.vector_load %arg5[%swap3A_753, %swap3A_754] {strides = array<i32>} : memref<64x16xi32, #tpu.memory_space<vmem>>, vector<1x16xi32>,
    %swap3A_756 = vector.shape_cast %swap3A_755 : vector<1x16xi32> to vector<16xi32>
    %swap3A_757 = vector.shape_cast %add3A_751 : vector<16xi32> to vector<1x16xi32>
    tpu.vector_store %arg5[%swap3A_753, %swap3A_754], %swap3A_757 {strides = array<i32>} : memref<64x16xi32, #tpu.memory_space<vmem>>, vector<1x16xi32>,
    %get3A_758 = arith.constant 57 : i32
    %get3A_759 = arith.index_cast %get3A_758 : i32 to index
    %get3A_760 = arith.constant 0 : index
    %get3A_761 = tpu.vector_load %arg5[%get3A_759, %get3A_760] {strides = array<i32>} : memref<64x16xi32, #tpu.memory_space<vmem>>, vector<1x16xi32>,
    %get3A_762 = vector.shape_cast %get3A_761 : vector<1x16xi32> to vector<16xi32>
    %add3A_763 = vector.broadcast %mul3A_18 : i32 to vector<16xi32>
    %add3A_764 = arith.addi %get3A_762, %add3A_763 : vector<16xi32>
    %swap3A_765 = arith.constant 57 : i32
    %swap3A_766 = arith.index_cast %swap3A_765 : i32 to index
    %swap3A_767 = arith.constant 0 : index
    %swap3A_768 = tpu.vector_load %arg5[%swap3A_766, %swap3A_767] {strides = array<i32>} : memref<64x16xi32, #tpu.memory_space<vmem>>, vector<1x16xi32>,
    %swap3A_769 = vector.shape_cast %swap3A_768 : vector<1x16xi32> to vector<16xi32>
    %swap3A_770 = vector.shape_cast %add3A_764 : vector<16xi32> to vector<1x16xi32>
    tpu.vector_store %arg5[%swap3A_766, %swap3A_767], %swap3A_770 {strides = array<i32>} : memref<64x16xi32, #tpu.memory_space<vmem>>, vector<1x16xi32>,
    %get3A_771 = arith.constant 58 : i32
    %get3A_772 = arith.index_cast %get3A_771 : i32 to index
    %get3A_773 = arith.constant 0 : index
    %get3A_774 = tpu.vector_load %arg5[%get3A_772, %get3A_773] {strides = array<i32>} : memref<64x16xi32, #tpu.memory_space<vmem>>, vector<1x16xi32>,
    %get3A_775 = vector.shape_cast %get3A_774 : vector<1x16xi32> to vector<16xi32>
    %add3A_776 = vector.broadcast %mul3A_18 : i32 to vector<16xi32>
    %add3A_777 = arith.addi %get3A_775, %add3A_776 : vector<16xi32>
    %swap3A_778 = arith.constant 58 : i32
    %swap3A_779 = arith.index_cast %swap3A_778 : i32 to index
    %swap3A_780 = arith.constant 0 : index
    %swap3A_781 = tpu.vector_load %arg5[%swap3A_779, %swap3A_780] {strides = array<i32>} : memref<64x16xi32, #tpu.memory_space<vmem>>, vector<1x16xi32>,
    %swap3A_782 = vector.shape_cast %swap3A_781 : vector<1x16xi32> to vector<16xi32>
    %swap3A_783 = vector.shape_cast %add3A_777 : vector<16xi32> to vector<1x16xi32>
    tpu.vector_store %arg5[%swap3A_779, %swap3A_780], %swap3A_783 {strides = array<i32>} : memref<64x16xi32, #tpu.memory_space<vmem>>, vector<1x16xi32>,
    %get3A_784 = arith.constant 59 : i32
    %get3A_785 = arith.index_cast %get3A_784 : i32 to index
    %get3A_786 = arith.constant 0 : index
    %get3A_787 = tpu.vector_load %arg5[%get3A_785, %get3A_786] {strides = array<i32>} : memref<64x16xi32, #tpu.memory_space<vmem>>, vector<1x16xi32>,
    %get3A_788 = vector.shape_cast %get3A_787 : vector<1x16xi32> to vector<16xi32>
    %add3A_789 = vector.broadcast %mul3A_18 : i32 to vector<16xi32>
    %add3A_790 = arith.addi %get3A_788, %add3A_789 : vector<16xi32>
    %swap3A_791 = arith.constant 59 : i32
    %swap3A_792 = arith.index_cast %swap3A_791 : i32 to index
    %swap3A_793 = arith.constant 0 : index
    %swap3A_794 = tpu.vector_load %arg5[%swap3A_792, %swap3A_793] {strides = array<i32>} : memref<64x16xi32, #tpu.memory_space<vmem>>, vector<1x16xi32>,
    %swap3A_795 = vector.shape_cast %swap3A_794 : vector<1x16xi32> to vector<16xi32>
    %swap3A_796 = vector.shape_cast %add3A_790 : vector<16xi32> to vector<1x16xi32>
    tpu.vector_store %arg5[%swap3A_792, %swap3A_793], %swap3A_796 {strides = array<i32>} : memref<64x16xi32, #tpu.memory_space<vmem>>, vector<1x16xi32>,
    %get3A_797 = arith.constant 60 : i32
    %get3A_798 = arith.index_cast %get3A_797 : i32 to index
    %get3A_799 = arith.constant 0 : index
    %get3A_800 = tpu.vector_load %arg5[%get3A_798, %get3A_799] {strides = array<i32>} : memref<64x16xi32, #tpu.memory_space<vmem>>, vector<1x16xi32>,
    %get3A_801 = vector.shape_cast %get3A_800 : vector<1x16xi32> to vector<16xi32>
    %add3A_802 = vector.broadcast %mul3A_18 : i32 to vector<16xi32>
    %add3A_803 = arith.addi %get3A_801, %add3A_802 : vector<16xi32>
    %swap3A_804 = arith.constant 60 : i32
    %swap3A_805 = arith.index_cast %swap3A_804 : i32 to index
    %swap3A_806 = arith.constant 0 : index
    %swap3A_807 = tpu.vector_load %arg5[%swap3A_805, %swap3A_806] {strides = array<i32>} : memref<64x16xi32, #tpu.memory_space<vmem>>, vector<1x16xi32>,
    %swap3A_808 = vector.shape_cast %swap3A_807 : vector<1x16xi32> to vector<16xi32>
    %swap3A_809 = vector.shape_cast %add3A_803 : vector<16xi32> to vector<1x16xi32>
    tpu.vector_store %arg5[%swap3A_805, %swap3A_806], %swap3A_809 {strides = array<i32>} : memref<64x16xi32, #tpu.memory_space<vmem>>, vector<1x16xi32>,
    %get3A_810 = arith.constant 61 : i32
    %get3A_811 = arith.index_cast %get3A_810 : i32 to index
    %get3A_812 = arith.constant 0 : index
    %get3A_813 = tpu.vector_load %arg5[%get3A_811, %get3A_812] {strides = array<i32>} : memref<64x16xi32, #tpu.memory_space<vmem>>, vector<1x16xi32>,
    %get3A_814 = vector.shape_cast %get3A_813 : vector<1x16xi32> to vector<16xi32>
    %add3A_815 = vector.broadcast %mul3A_18 : i32 to vector<16xi32>
    %add3A_816 = arith.addi %get3A_814, %add3A_815 : vector<16xi32>
    %swap3A_817 = arith.constant 61 : i32
    %swap3A_818 = arith.index_cast %swap3A_817 : i32 to index
    %swap3A_819 = arith.constant 0 : index
    %swap3A_820 = tpu.vector_load %arg5[%swap3A_818, %swap3A_819] {strides = array<i32>} : memref<64x16xi32, #tpu.memory_space<vmem>>, vector<1x16xi32>,
    %swap3A_821 = vector.shape_cast %swap3A_820 : vector<1x16xi32> to vector<16xi32>
    %swap3A_822 = vector.shape_cast %add3A_816 : vector<16xi32> to vector<1x16xi32>
    tpu.vector_store %arg5[%swap3A_818, %swap3A_819], %swap3A_822 {strides = array<i32>} : memref<64x16xi32, #tpu.memory_space<vmem>>, vector<1x16xi32>,
    %get3A_823 = arith.constant 62 : i32
    %get3A_824 = arith.index_cast %get3A_823 : i32 to index
    %get3A_825 = arith.constant 0 : index
    %get3A_826 = tpu.vector_load %arg5[%get3A_824, %get3A_825] {strides = array<i32>} : memref<64x16xi32, #tpu.memory_space<vmem>>, vector<1x16xi32>,
    %get3A_827 = vector.shape_cast %get3A_826 : vector<1x16xi32> to vector<16xi32>
    %add3A_828 = vector.broadcast %mul3A_18 : i32 to vector<16xi32>
    %add3A_829 = arith.addi %get3A_827, %add3A_828 : vector<16xi32>
    %swap3A_830 = arith.constant 62 : i32
    %swap3A_831 = arith.index_cast %swap3A_830 : i32 to index
    %swap3A_832 = arith.constant 0 : index
    %swap3A_833 = tpu.vector_load %arg5[%swap3A_831, %swap3A_832] {strides = array<i32>} : memref<64x16xi32, #tpu.memory_space<vmem>>, vector<1x16xi32>,
    %swap3A_834 = vector.shape_cast %swap3A_833 : vector<1x16xi32> to vector<16xi32>
    %swap3A_835 = vector.shape_cast %add3A_829 : vector<16xi32> to vector<1x16xi32>
    tpu.vector_store %arg5[%swap3A_831, %swap3A_832], %swap3A_835 {strides = array<i32>} : memref<64x16xi32, #tpu.memory_space<vmem>>, vector<1x16xi32>,
    %get3A_836 = arith.constant 63 : i32
    %get3A_837 = arith.index_cast %get3A_836 : i32 to index
    %get3A_838 = arith.constant 0 : index
    %get3A_839 = tpu.vector_load %arg5[%get3A_837, %get3A_838] {strides = array<i32>} : memref<64x16xi32, #tpu.memory_space<vmem>>, vector<1x16xi32>,
    %get3A_840 = vector.shape_cast %get3A_839 : vector<1x16xi32> to vector<16xi32>
    %add3A_841 = vector.broadcast %mul3A_18 : i32 to vector<16xi32>
    %add3A_842 = arith.addi %get3A_840, %add3A_841 : vector<16xi32>
    %swap3A_843 = arith.constant 63 : i32
    %swap3A_844 = arith.index_cast %swap3A_843 : i32 to index
    %swap3A_845 = arith.constant 0 : index
    %swap3A_846 = tpu.vector_load %arg5[%swap3A_844, %swap3A_845] {strides = array<i32>} : memref<64x16xi32, #tpu.memory_space<vmem>>, vector<1x16xi32>,
    %swap3A_847 = vector.shape_cast %swap3A_846 : vector<1x16xi32> to vector<16xi32>
    %swap3A_848 = vector.shape_cast %add3A_842 : vector<16xi32> to vector<1x16xi32>
    tpu.vector_store %arg5[%swap3A_844, %swap3A_845], %swap3A_848 {strides = array<i32>} : memref<64x16xi32, #tpu.memory_space<vmem>>, vector<1x16xi32>,
    %broadcast_in_dim3A = arith.constant 0.000000e+00 : f32
    %broadcast_in_dim3A_849 = vector.broadcast %broadcast_in_dim3A : f32 to vector<16xf32>
    %swap3A_850 = arith.constant 0 : index
    %swap3A_851 = tpu.vector_load %arg10[%swap3A_850] {strides = array<i32>} : memref<1024xf32, #tpu.memory_space<vmem>>, vector<16xf32>,
    %swap3A_852 = vector.shape_cast %swap3A_851 : vector<16xf32> to vector<16xf32>
    %swap3A_853 = vector.shape_cast %broadcast_in_dim3A_849 : vector<16xf32> to vector<16xf32>
    tpu.vector_store %arg10[%swap3A_850], %swap3A_853 {strides = array<i32>} : memref<1024xf32, #tpu.memory_space<vmem>>, vector<16xf32>,
    %broadcast_in_dim3A_854 = arith.constant 0.000000e+00 : f32
    %broadcast_in_dim3A_855 = vector.broadcast %broadcast_in_dim3A_854 : f32 to vector<16xf32>
    %swap3A_856 = arith.constant 16 : index
    %swap3A_857 = tpu.vector_load %arg10[%swap3A_856] {strides = array<i32>} : memref<1024xf32, #tpu.memory_space<vmem>>, vector<16xf32>,
    %swap3A_858 = vector.shape_cast %swap3A_857 : vector<16xf32> to vector<16xf32>
    %swap3A_859 = vector.shape_cast %broadcast_in_dim3A_855 : vector<16xf32> to vector<16xf32>
    tpu.vector_store %arg10[%swap3A_856], %swap3A_859 {strides = array<i32>} : memref<1024xf32, #tpu.memory_space<vmem>>, vector<16xf32>,
    %broadcast_in_dim3A_860 = arith.constant 0.000000e+00 : f32
    %broadcast_in_dim3A_861 = vector.broadcast %broadcast_in_dim3A_860 : f32 to vector<16xf32>
    %swap3A_862 = arith.constant 32 : index
    %swap3A_863 = tpu.vector_load %arg10[%swap3A_862] {strides = array<i32>} : memref<1024xf32, #tpu.memory_space<vmem>>, vector<16xf32>,
    %swap3A_864 = vector.shape_cast %swap3A_863 : vector<16xf32> to vector<16xf32>
    %swap3A_865 = vector.shape_cast %broadcast_in_dim3A_861 : vector<16xf32> to vector<16xf32>
    tpu.vector_store %arg10[%swap3A_862], %swap3A_865 {strides = array<i32>} : memref<1024xf32, #tpu.memory_space<vmem>>, vector<16xf32>,
    %broadcast_in_dim3A_866 = arith.constant 0.000000e+00 : f32
    %broadcast_in_dim3A_867 = vector.broadcast %broadcast_in_dim3A_866 : f32 to vector<16xf32>
    %swap3A_868 = arith.constant 48 : index
    %swap3A_869 = tpu.vector_load %arg10[%swap3A_868] {strides = array<i32>} : memref<1024xf32, #tpu.memory_space<vmem>>, vector<16xf32>,
    %swap3A_870 = vector.shape_cast %swap3A_869 : vector<16xf32> to vector<16xf32>
    %swap3A_871 = vector.shape_cast %broadcast_in_dim3A_867 : vector<16xf32> to vector<16xf32>
    tpu.vector_store %arg10[%swap3A_868], %swap3A_871 {strides = array<i32>} : memref<1024xf32, #tpu.memory_space<vmem>>, vector<16xf32>,
    %broadcast_in_dim3A_872 = arith.constant 0.000000e+00 : f32
    %broadcast_in_dim3A_873 = vector.broadcast %broadcast_in_dim3A_872 : f32 to vector<16xf32>
    %swap3A_874 = arith.constant 64 : index
    %swap3A_875 = tpu.vector_load %arg10[%swap3A_874] {strides = array<i32>} : memref<1024xf32, #tpu.memory_space<vmem>>, vector<16xf32>,
    %swap3A_876 = vector.shape_cast %swap3A_875 : vector<16xf32> to vector<16xf32>
    %swap3A_877 = vector.shape_cast %broadcast_in_dim3A_873 : vector<16xf32> to vector<16xf32>
    tpu.vector_store %arg10[%swap3A_874], %swap3A_877 {strides = array<i32>} : memref<1024xf32, #tpu.memory_space<vmem>>, vector<16xf32>,
    %broadcast_in_dim3A_878 = arith.constant 0.000000e+00 : f32
    %broadcast_in_dim3A_879 = vector.broadcast %broadcast_in_dim3A_878 : f32 to vector<16xf32>
    %swap3A_880 = arith.constant 80 : index
    %swap3A_881 = tpu.vector_load %arg10[%swap3A_880] {strides = array<i32>} : memref<1024xf32, #tpu.memory_space<vmem>>, vector<16xf32>,
    %swap3A_882 = vector.shape_cast %swap3A_881 : vector<16xf32> to vector<16xf32>
    %swap3A_883 = vector.shape_cast %broadcast_in_dim3A_879 : vector<16xf32> to vector<16xf32>
    tpu.vector_store %arg10[%swap3A_880], %swap3A_883 {strides = array<i32>} : memref<1024xf32, #tpu.memory_space<vmem>>, vector<16xf32>,
    %broadcast_in_dim3A_884 = arith.constant 0.000000e+00 : f32
    %broadcast_in_dim3A_885 = vector.broadcast %broadcast_in_dim3A_884 : f32 to vector<16xf32>
    %swap3A_886 = arith.constant 96 : index
    %swap3A_887 = tpu.vector_load %arg10[%swap3A_886] {strides = array<i32>} : memref<1024xf32, #tpu.memory_space<vmem>>, vector<16xf32>,
    %swap3A_888 = vector.shape_cast %swap3A_887 : vector<16xf32> to vector<16xf32>
    %swap3A_889 = vector.shape_cast %broadcast_in_dim3A_885 : vector<16xf32> to vector<16xf32>
    tpu.vector_store %arg10[%swap3A_886], %swap3A_889 {strides = array<i32>} : memref<1024xf32, #tpu.memory_space<vmem>>, vector<16xf32>,
    %broadcast_in_dim3A_890 = arith.constant 0.000000e+00 : f32
    %broadcast_in_dim3A_891 = vector.broadcast %broadcast_in_dim3A_890 : f32 to vector<16xf32>
    %swap3A_892 = arith.constant 112 : index
    %swap3A_893 = tpu.vector_load %arg10[%swap3A_892] {strides = array<i32>} : memref<1024xf32, #tpu.memory_space<vmem>>, vector<16xf32>,
    %swap3A_894 = vector.shape_cast %swap3A_893 : vector<16xf32> to vector<16xf32>
    %swap3A_895 = vector.shape_cast %broadcast_in_dim3A_891 : vector<16xf32> to vector<16xf32>
    tpu.vector_store %arg10[%swap3A_892], %swap3A_895 {strides = array<i32>} : memref<1024xf32, #tpu.memory_space<vmem>>, vector<16xf32>,
    %broadcast_in_dim3A_896 = arith.constant 0.000000e+00 : f32
    %broadcast_in_dim3A_897 = vector.broadcast %broadcast_in_dim3A_896 : f32 to vector<16xf32>
    %swap3A_898 = arith.constant 128 : index
    %swap3A_899 = tpu.vector_load %arg10[%swap3A_898] {strides = array<i32>} : memref<1024xf32, #tpu.memory_space<vmem>>, vector<16xf32>,
    %swap3A_900 = vector.shape_cast %swap3A_899 : vector<16xf32> to vector<16xf32>
    %swap3A_901 = vector.shape_cast %broadcast_in_dim3A_897 : vector<16xf32> to vector<16xf32>
    tpu.vector_store %arg10[%swap3A_898], %swap3A_901 {strides = array<i32>} : memref<1024xf32, #tpu.memory_space<vmem>>, vector<16xf32>,
    %broadcast_in_dim3A_902 = arith.constant 0.000000e+00 : f32
    %broadcast_in_dim3A_903 = vector.broadcast %broadcast_in_dim3A_902 : f32 to vector<16xf32>
    %swap3A_904 = arith.constant 144 : index
    %swap3A_905 = tpu.vector_load %arg10[%swap3A_904] {strides = array<i32>} : memref<1024xf32, #tpu.memory_space<vmem>>, vector<16xf32>,
    %swap3A_906 = vector.shape_cast %swap3A_905 : vector<16xf32> to vector<16xf32>
    %swap3A_907 = vector.shape_cast %broadcast_in_dim3A_903 : vector<16xf32> to vector<16xf32>
    tpu.vector_store %arg10[%swap3A_904], %swap3A_907 {strides = array<i32>} : memref<1024xf32, #tpu.memory_space<vmem>>, vector<16xf32>,
    %broadcast_in_dim3A_908 = arith.constant 0.000000e+00 : f32
    %broadcast_in_dim3A_909 = vector.broadcast %broadcast_in_dim3A_908 : f32 to vector<16xf32>
    %swap3A_910 = arith.constant 160 : index
    %swap3A_911 = tpu.vector_load %arg10[%swap3A_910] {strides = array<i32>} : memref<1024xf32, #tpu.memory_space<vmem>>, vector<16xf32>,
    %swap3A_912 = vector.shape_cast %swap3A_911 : vector<16xf32> to vector<16xf32>
    %swap3A_913 = vector.shape_cast %broadcast_in_dim3A_909 : vector<16xf32> to vector<16xf32>
    tpu.vector_store %arg10[%swap3A_910], %swap3A_913 {strides = array<i32>} : memref<1024xf32, #tpu.memory_space<vmem>>, vector<16xf32>,
    %broadcast_in_dim3A_914 = arith.constant 0.000000e+00 : f32
    %broadcast_in_dim3A_915 = vector.broadcast %broadcast_in_dim3A_914 : f32 to vector<16xf32>
    %swap3A_916 = arith.constant 176 : index
    %swap3A_917 = tpu.vector_load %arg10[%swap3A_916] {strides = array<i32>} : memref<1024xf32, #tpu.memory_space<vmem>>, vector<16xf32>,
    %swap3A_918 = vector.shape_cast %swap3A_917 : vector<16xf32> to vector<16xf32>
    %swap3A_919 = vector.shape_cast %broadcast_in_dim3A_915 : vector<16xf32> to vector<16xf32>
    tpu.vector_store %arg10[%swap3A_916], %swap3A_919 {strides = array<i32>} : memref<1024xf32, #tpu.memory_space<vmem>>, vector<16xf32>,
    %broadcast_in_dim3A_920 = arith.constant 0.000000e+00 : f32
    %broadcast_in_dim3A_921 = vector.broadcast %broadcast_in_dim3A_920 : f32 to vector<16xf32>
    %swap3A_922 = arith.constant 192 : index
    %swap3A_923 = tpu.vector_load %arg10[%swap3A_922] {strides = array<i32>} : memref<1024xf32, #tpu.memory_space<vmem>>, vector<16xf32>,
    %swap3A_924 = vector.shape_cast %swap3A_923 : vector<16xf32> to vector<16xf32>
    %swap3A_925 = vector.shape_cast %broadcast_in_dim3A_921 : vector<16xf32> to vector<16xf32>
    tpu.vector_store %arg10[%swap3A_922], %swap3A_925 {strides = array<i32>} : memref<1024xf32, #tpu.memory_space<vmem>>, vector<16xf32>,
    %broadcast_in_dim3A_926 = arith.constant 0.000000e+00 : f32
    %broadcast_in_dim3A_927 = vector.broadcast %broadcast_in_dim3A_926 : f32 to vector<16xf32>
    %swap3A_928 = arith.constant 208 : index
    %swap3A_929 = tpu.vector_load %arg10[%swap3A_928] {strides = array<i32>} : memref<1024xf32, #tpu.memory_space<vmem>>, vector<16xf32>,
    %swap3A_930 = vector.shape_cast %swap3A_929 : vector<16xf32> to vector<16xf32>
    %swap3A_931 = vector.shape_cast %broadcast_in_dim3A_927 : vector<16xf32> to vector<16xf32>
    tpu.vector_store %arg10[%swap3A_928], %swap3A_931 {strides = array<i32>} : memref<1024xf32, #tpu.memory_space<vmem>>, vector<16xf32>,
    %broadcast_in_dim3A_932 = arith.constant 0.000000e+00 : f32
    %broadcast_in_dim3A_933 = vector.broadcast %broadcast_in_dim3A_932 : f32 to vector<16xf32>
    %swap3A_934 = arith.constant 224 : index
    %swap3A_935 = tpu.vector_load %arg10[%swap3A_934] {strides = array<i32>} : memref<1024xf32, #tpu.memory_space<vmem>>, vector<16xf32>,
    %swap3A_936 = vector.shape_cast %swap3A_935 : vector<16xf32> to vector<16xf32>
    %swap3A_937 = vector.shape_cast %broadcast_in_dim3A_933 : vector<16xf32> to vector<16xf32>
    tpu.vector_store %arg10[%swap3A_934], %swap3A_937 {strides = array<i32>} : memref<1024xf32, #tpu.memory_space<vmem>>, vector<16xf32>,
    %broadcast_in_dim3A_938 = arith.constant 0.000000e+00 : f32
    %broadcast_in_dim3A_939 = vector.broadcast %broadcast_in_dim3A_938 : f32 to vector<16xf32>
    %swap3A_940 = arith.constant 240 : index
    %swap3A_941 = tpu.vector_load %arg10[%swap3A_940] {strides = array<i32>} : memref<1024xf32, #tpu.memory_space<vmem>>, vector<16xf32>,
    %swap3A_942 = vector.shape_cast %swap3A_941 : vector<16xf32> to vector<16xf32>
    %swap3A_943 = vector.shape_cast %broadcast_in_dim3A_939 : vector<16xf32> to vector<16xf32>
    tpu.vector_store %arg10[%swap3A_940], %swap3A_943 {strides = array<i32>} : memref<1024xf32, #tpu.memory_space<vmem>>, vector<16xf32>,
    %broadcast_in_dim3A_944 = arith.constant 0.000000e+00 : f32
    %broadcast_in_dim3A_945 = vector.broadcast %broadcast_in_dim3A_944 : f32 to vector<16xf32>
    %swap3A_946 = arith.constant 256 : index
    %swap3A_947 = tpu.vector_load %arg10[%swap3A_946] {strides = array<i32>} : memref<1024xf32, #tpu.memory_space<vmem>>, vector<16xf32>,
    %swap3A_948 = vector.shape_cast %swap3A_947 : vector<16xf32> to vector<16xf32>
    %swap3A_949 = vector.shape_cast %broadcast_in_dim3A_945 : vector<16xf32> to vector<16xf32>
    tpu.vector_store %arg10[%swap3A_946], %swap3A_949 {strides = array<i32>} : memref<1024xf32, #tpu.memory_space<vmem>>, vector<16xf32>,
    %broadcast_in_dim3A_950 = arith.constant 0.000000e+00 : f32
    %broadcast_in_dim3A_951 = vector.broadcast %broadcast_in_dim3A_950 : f32 to vector<16xf32>
    %swap3A_952 = arith.constant 272 : index
    %swap3A_953 = tpu.vector_load %arg10[%swap3A_952] {strides = array<i32>} : memref<1024xf32, #tpu.memory_space<vmem>>, vector<16xf32>,
    %swap3A_954 = vector.shape_cast %swap3A_953 : vector<16xf32> to vector<16xf32>
    %swap3A_955 = vector.shape_cast %broadcast_in_dim3A_951 : vector<16xf32> to vector<16xf32>
    tpu.vector_store %arg10[%swap3A_952], %swap3A_955 {strides = array<i32>} : memref<1024xf32, #tpu.memory_space<vmem>>, vector<16xf32>,
    %broadcast_in_dim3A_956 = arith.constant 0.000000e+00 : f32
    %broadcast_in_dim3A_957 = vector.broadcast %broadcast_in_dim3A_956 : f32 to vector<16xf32>
    %swap3A_958 = arith.constant 288 : index
    %swap3A_959 = tpu.vector_load %arg10[%swap3A_958] {strides = array<i32>} : memref<1024xf32, #tpu.memory_space<vmem>>, vector<16xf32>,
    %swap3A_960 = vector.shape_cast %swap3A_959 : vector<16xf32> to vector<16xf32>
    %swap3A_961 = vector.shape_cast %broadcast_in_dim3A_957 : vector<16xf32> to vector<16xf32>
    tpu.vector_store %arg10[%swap3A_958], %swap3A_961 {strides = array<i32>} : memref<1024xf32, #tpu.memory_space<vmem>>, vector<16xf32>,
    %broadcast_in_dim3A_962 = arith.constant 0.000000e+00 : f32
    %broadcast_in_dim3A_963 = vector.broadcast %broadcast_in_dim3A_962 : f32 to vector<16xf32>
    %swap3A_964 = arith.constant 304 : index
    %swap3A_965 = tpu.vector_load %arg10[%swap3A_964] {strides = array<i32>} : memref<1024xf32, #tpu.memory_space<vmem>>, vector<16xf32>,
    %swap3A_966 = vector.shape_cast %swap3A_965 : vector<16xf32> to vector<16xf32>
    %swap3A_967 = vector.shape_cast %broadcast_in_dim3A_963 : vector<16xf32> to vector<16xf32>
    tpu.vector_store %arg10[%swap3A_964], %swap3A_967 {strides = array<i32>} : memref<1024xf32, #tpu.memory_space<vmem>>, vector<16xf32>,
    %broadcast_in_dim3A_968 = arith.constant 0.000000e+00 : f32
    %broadcast_in_dim3A_969 = vector.broadcast %broadcast_in_dim3A_968 : f32 to vector<16xf32>
    %swap3A_970 = arith.constant 320 : index
    %swap3A_971 = tpu.vector_load %arg10[%swap3A_970] {strides = array<i32>} : memref<1024xf32, #tpu.memory_space<vmem>>, vector<16xf32>,
    %swap3A_972 = vector.shape_cast %swap3A_971 : vector<16xf32> to vector<16xf32>
    %swap3A_973 = vector.shape_cast %broadcast_in_dim3A_969 : vector<16xf32> to vector<16xf32>
    tpu.vector_store %arg10[%swap3A_970], %swap3A_973 {strides = array<i32>} : memref<1024xf32, #tpu.memory_space<vmem>>, vector<16xf32>,
    %broadcast_in_dim3A_974 = arith.constant 0.000000e+00 : f32
    %broadcast_in_dim3A_975 = vector.broadcast %broadcast_in_dim3A_974 : f32 to vector<16xf32>
    %swap3A_976 = arith.constant 336 : index
    %swap3A_977 = tpu.vector_load %arg10[%swap3A_976] {strides = array<i32>} : memref<1024xf32, #tpu.memory_space<vmem>>, vector<16xf32>,
    %swap3A_978 = vector.shape_cast %swap3A_977 : vector<16xf32> to vector<16xf32>
    %swap3A_979 = vector.shape_cast %broadcast_in_dim3A_975 : vector<16xf32> to vector<16xf32>
    tpu.vector_store %arg10[%swap3A_976], %swap3A_979 {strides = array<i32>} : memref<1024xf32, #tpu.memory_space<vmem>>, vector<16xf32>,
    %broadcast_in_dim3A_980 = arith.constant 0.000000e+00 : f32
    %broadcast_in_dim3A_981 = vector.broadcast %broadcast_in_dim3A_980 : f32 to vector<16xf32>
    %swap3A_982 = arith.constant 352 : index
    %swap3A_983 = tpu.vector_load %arg10[%swap3A_982] {strides = array<i32>} : memref<1024xf32, #tpu.memory_space<vmem>>, vector<16xf32>,
    %swap3A_984 = vector.shape_cast %swap3A_983 : vector<16xf32> to vector<16xf32>
    %swap3A_985 = vector.shape_cast %broadcast_in_dim3A_981 : vector<16xf32> to vector<16xf32>
    tpu.vector_store %arg10[%swap3A_982], %swap3A_985 {strides = array<i32>} : memref<1024xf32, #tpu.memory_space<vmem>>, vector<16xf32>,
    %broadcast_in_dim3A_986 = arith.constant 0.000000e+00 : f32
    %broadcast_in_dim3A_987 = vector.broadcast %broadcast_in_dim3A_986 : f32 to vector<16xf32>
    %swap3A_988 = arith.constant 368 : index
    %swap3A_989 = tpu.vector_load %arg10[%swap3A_988] {strides = array<i32>} : memref<1024xf32, #tpu.memory_space<vmem>>, vector<16xf32>,
    %swap3A_990 = vector.shape_cast %swap3A_989 : vector<16xf32> to vector<16xf32>
    %swap3A_991 = vector.shape_cast %broadcast_in_dim3A_987 : vector<16xf32> to vector<16xf32>
    tpu.vector_store %arg10[%swap3A_988], %swap3A_991 {strides = array<i32>} : memref<1024xf32, #tpu.memory_space<vmem>>, vector<16xf32>,
    %broadcast_in_dim3A_992 = arith.constant 0.000000e+00 : f32
    %broadcast_in_dim3A_993 = vector.broadcast %broadcast_in_dim3A_992 : f32 to vector<16xf32>
    %swap3A_994 = arith.constant 384 : index
    %swap3A_995 = tpu.vector_load %arg10[%swap3A_994] {strides = array<i32>} : memref<1024xf32, #tpu.memory_space<vmem>>, vector<16xf32>,
    %swap3A_996 = vector.shape_cast %swap3A_995 : vector<16xf32> to vector<16xf32>
    %swap3A_997 = vector.shape_cast %broadcast_in_dim3A_993 : vector<16xf32> to vector<16xf32>
    tpu.vector_store %arg10[%swap3A_994], %swap3A_997 {strides = array<i32>} : memref<1024xf32, #tpu.memory_space<vmem>>, vector<16xf32>,
    %broadcast_in_dim3A_998 = arith.constant 0.000000e+00 : f32
    %broadcast_in_dim3A_999 = vector.broadcast %broadcast_in_dim3A_998 : f32 to vector<16xf32>
    %swap3A_1000 = arith.constant 400 : index
    %swap3A_1001 = tpu.vector_load %arg10[%swap3A_1000] {strides = array<i32>} : memref<1024xf32, #tpu.memory_space<vmem>>, vector<16xf32>,
    %swap3A_1002 = vector.shape_cast %swap3A_1001 : vector<16xf32> to vector<16xf32>
    %swap3A_1003 = vector.shape_cast %broadcast_in_dim3A_999 : vector<16xf32> to vector<16xf32>
    tpu.vector_store %arg10[%swap3A_1000], %swap3A_1003 {strides = array<i32>} : memref<1024xf32, #tpu.memory_space<vmem>>, vector<16xf32>,
    %broadcast_in_dim3A_1004 = arith.constant 0.000000e+00 : f32
    %broadcast_in_dim3A_1005 = vector.broadcast %broadcast_in_dim3A_1004 : f32 to vector<16xf32>
    %swap3A_1006 = arith.constant 416 : index
    %swap3A_1007 = tpu.vector_load %arg10[%swap3A_1006] {strides = array<i32>} : memref<1024xf32, #tpu.memory_space<vmem>>, vector<16xf32>,
    %swap3A_1008 = vector.shape_cast %swap3A_1007 : vector<16xf32> to vector<16xf32>
    %swap3A_1009 = vector.shape_cast %broadcast_in_dim3A_1005 : vector<16xf32> to vector<16xf32>
    tpu.vector_store %arg10[%swap3A_1006], %swap3A_1009 {strides = array<i32>} : memref<1024xf32, #tpu.memory_space<vmem>>, vector<16xf32>,
    %broadcast_in_dim3A_1010 = arith.constant 0.000000e+00 : f32
    %broadcast_in_dim3A_1011 = vector.broadcast %broadcast_in_dim3A_1010 : f32 to vector<16xf32>
    %swap3A_1012 = arith.constant 432 : index
    %swap3A_1013 = tpu.vector_load %arg10[%swap3A_1012] {strides = array<i32>} : memref<1024xf32, #tpu.memory_space<vmem>>, vector<16xf32>,
    %swap3A_1014 = vector.shape_cast %swap3A_1013 : vector<16xf32> to vector<16xf32>
    %swap3A_1015 = vector.shape_cast %broadcast_in_dim3A_1011 : vector<16xf32> to vector<16xf32>
    tpu.vector_store %arg10[%swap3A_1012], %swap3A_1015 {strides = array<i32>} : memref<1024xf32, #tpu.memory_space<vmem>>, vector<16xf32>,
    %broadcast_in_dim3A_1016 = arith.constant 0.000000e+00 : f32
    %broadcast_in_dim3A_1017 = vector.broadcast %broadcast_in_dim3A_1016 : f32 to vector<16xf32>
    %swap3A_1018 = arith.constant 448 : index
    %swap3A_1019 = tpu.vector_load %arg10[%swap3A_1018] {strides = array<i32>} : memref<1024xf32, #tpu.memory_space<vmem>>, vector<16xf32>,
    %swap3A_1020 = vector.shape_cast %swap3A_1019 : vector<16xf32> to vector<16xf32>
    %swap3A_1021 = vector.shape_cast %broadcast_in_dim3A_1017 : vector<16xf32> to vector<16xf32>
    tpu.vector_store %arg10[%swap3A_1018], %swap3A_1021 {strides = array<i32>} : memref<1024xf32, #tpu.memory_space<vmem>>, vector<16xf32>,
    %broadcast_in_dim3A_1022 = arith.constant 0.000000e+00 : f32
    %broadcast_in_dim3A_1023 = vector.broadcast %broadcast_in_dim3A_1022 : f32 to vector<16xf32>
    %swap3A_1024 = arith.constant 464 : index
    %swap3A_1025 = tpu.vector_load %arg10[%swap3A_1024] {strides = array<i32>} : memref<1024xf32, #tpu.memory_space<vmem>>, vector<16xf32>,
    %swap3A_1026 = vector.shape_cast %swap3A_1025 : vector<16xf32> to vector<16xf32>
    %swap3A_1027 = vector.shape_cast %broadcast_in_dim3A_1023 : vector<16xf32> to vector<16xf32>
    tpu.vector_store %arg10[%swap3A_1024], %swap3A_1027 {strides = array<i32>} : memref<1024xf32, #tpu.memory_space<vmem>>, vector<16xf32>,
    %broadcast_in_dim3A_1028 = arith.constant 0.000000e+00 : f32
    %broadcast_in_dim3A_1029 = vector.broadcast %broadcast_in_dim3A_1028 : f32 to vector<16xf32>
    %swap3A_1030 = arith.constant 480 : index
    %swap3A_1031 = tpu.vector_load %arg10[%swap3A_1030] {strides = array<i32>} : memref<1024xf32, #tpu.memory_space<vmem>>, vector<16xf32>,
    %swap3A_1032 = vector.shape_cast %swap3A_1031 : vector<16xf32> to vector<16xf32>
    %swap3A_1033 = vector.shape_cast %broadcast_in_dim3A_1029 : vector<16xf32> to vector<16xf32>
    tpu.vector_store %arg10[%swap3A_1030], %swap3A_1033 {strides = array<i32>} : memref<1024xf32, #tpu.memory_space<vmem>>, vector<16xf32>,
    %broadcast_in_dim3A_1034 = arith.constant 0.000000e+00 : f32
    %broadcast_in_dim3A_1035 = vector.broadcast %broadcast_in_dim3A_1034 : f32 to vector<16xf32>
    %swap3A_1036 = arith.constant 496 : index
    %swap3A_1037 = tpu.vector_load %arg10[%swap3A_1036] {strides = array<i32>} : memref<1024xf32, #tpu.memory_space<vmem>>, vector<16xf32>,
    %swap3A_1038 = vector.shape_cast %swap3A_1037 : vector<16xf32> to vector<16xf32>
    %swap3A_1039 = vector.shape_cast %broadcast_in_dim3A_1035 : vector<16xf32> to vector<16xf32>
    tpu.vector_store %arg10[%swap3A_1036], %swap3A_1039 {strides = array<i32>} : memref<1024xf32, #tpu.memory_space<vmem>>, vector<16xf32>,
    %broadcast_in_dim3A_1040 = arith.constant 0.000000e+00 : f32
    %broadcast_in_dim3A_1041 = vector.broadcast %broadcast_in_dim3A_1040 : f32 to vector<16xf32>
    %swap3A_1042 = arith.constant 512 : index
    %swap3A_1043 = tpu.vector_load %arg10[%swap3A_1042] {strides = array<i32>} : memref<1024xf32, #tpu.memory_space<vmem>>, vector<16xf32>,
    %swap3A_1044 = vector.shape_cast %swap3A_1043 : vector<16xf32> to vector<16xf32>
    %swap3A_1045 = vector.shape_cast %broadcast_in_dim3A_1041 : vector<16xf32> to vector<16xf32>
    tpu.vector_store %arg10[%swap3A_1042], %swap3A_1045 {strides = array<i32>} : memref<1024xf32, #tpu.memory_space<vmem>>, vector<16xf32>,
    %broadcast_in_dim3A_1046 = arith.constant 0.000000e+00 : f32
    %broadcast_in_dim3A_1047 = vector.broadcast %broadcast_in_dim3A_1046 : f32 to vector<16xf32>
    %swap3A_1048 = arith.constant 528 : index
    %swap3A_1049 = tpu.vector_load %arg10[%swap3A_1048] {strides = array<i32>} : memref<1024xf32, #tpu.memory_space<vmem>>, vector<16xf32>,
    %swap3A_1050 = vector.shape_cast %swap3A_1049 : vector<16xf32> to vector<16xf32>
    %swap3A_1051 = vector.shape_cast %broadcast_in_dim3A_1047 : vector<16xf32> to vector<16xf32>
    tpu.vector_store %arg10[%swap3A_1048], %swap3A_1051 {strides = array<i32>} : memref<1024xf32, #tpu.memory_space<vmem>>, vector<16xf32>,
    %broadcast_in_dim3A_1052 = arith.constant 0.000000e+00 : f32
    %broadcast_in_dim3A_1053 = vector.broadcast %broadcast_in_dim3A_1052 : f32 to vector<16xf32>
    %swap3A_1054 = arith.constant 544 : index
    %swap3A_1055 = tpu.vector_load %arg10[%swap3A_1054] {strides = array<i32>} : memref<1024xf32, #tpu.memory_space<vmem>>, vector<16xf32>,
    %swap3A_1056 = vector.shape_cast %swap3A_1055 : vector<16xf32> to vector<16xf32>
    %swap3A_1057 = vector.shape_cast %broadcast_in_dim3A_1053 : vector<16xf32> to vector<16xf32>
    tpu.vector_store %arg10[%swap3A_1054], %swap3A_1057 {strides = array<i32>} : memref<1024xf32, #tpu.memory_space<vmem>>, vector<16xf32>,
    %broadcast_in_dim3A_1058 = arith.constant 0.000000e+00 : f32
    %broadcast_in_dim3A_1059 = vector.broadcast %broadcast_in_dim3A_1058 : f32 to vector<16xf32>
    %swap3A_1060 = arith.constant 560 : index
    %swap3A_1061 = tpu.vector_load %arg10[%swap3A_1060] {strides = array<i32>} : memref<1024xf32, #tpu.memory_space<vmem>>, vector<16xf32>,
    %swap3A_1062 = vector.shape_cast %swap3A_1061 : vector<16xf32> to vector<16xf32>
    %swap3A_1063 = vector.shape_cast %broadcast_in_dim3A_1059 : vector<16xf32> to vector<16xf32>
    tpu.vector_store %arg10[%swap3A_1060], %swap3A_1063 {strides = array<i32>} : memref<1024xf32, #tpu.memory_space<vmem>>, vector<16xf32>,
    %broadcast_in_dim3A_1064 = arith.constant 0.000000e+00 : f32
    %broadcast_in_dim3A_1065 = vector.broadcast %broadcast_in_dim3A_1064 : f32 to vector<16xf32>
    %swap3A_1066 = arith.constant 576 : index
    %swap3A_1067 = tpu.vector_load %arg10[%swap3A_1066] {strides = array<i32>} : memref<1024xf32, #tpu.memory_space<vmem>>, vector<16xf32>,
    %swap3A_1068 = vector.shape_cast %swap3A_1067 : vector<16xf32> to vector<16xf32>
    %swap3A_1069 = vector.shape_cast %broadcast_in_dim3A_1065 : vector<16xf32> to vector<16xf32>
    tpu.vector_store %arg10[%swap3A_1066], %swap3A_1069 {strides = array<i32>} : memref<1024xf32, #tpu.memory_space<vmem>>, vector<16xf32>,
    %broadcast_in_dim3A_1070 = arith.constant 0.000000e+00 : f32
    %broadcast_in_dim3A_1071 = vector.broadcast %broadcast_in_dim3A_1070 : f32 to vector<16xf32>
    %swap3A_1072 = arith.constant 592 : index
    %swap3A_1073 = tpu.vector_load %arg10[%swap3A_1072] {strides = array<i32>} : memref<1024xf32, #tpu.memory_space<vmem>>, vector<16xf32>,
    %swap3A_1074 = vector.shape_cast %swap3A_1073 : vector<16xf32> to vector<16xf32>
    %swap3A_1075 = vector.shape_cast %broadcast_in_dim3A_1071 : vector<16xf32> to vector<16xf32>
    tpu.vector_store %arg10[%swap3A_1072], %swap3A_1075 {strides = array<i32>} : memref<1024xf32, #tpu.memory_space<vmem>>, vector<16xf32>,
    %broadcast_in_dim3A_1076 = arith.constant 0.000000e+00 : f32
    %broadcast_in_dim3A_1077 = vector.broadcast %broadcast_in_dim3A_1076 : f32 to vector<16xf32>
    %swap3A_1078 = arith.constant 608 : index
    %swap3A_1079 = tpu.vector_load %arg10[%swap3A_1078] {strides = array<i32>} : memref<1024xf32, #tpu.memory_space<vmem>>, vector<16xf32>,
    %swap3A_1080 = vector.shape_cast %swap3A_1079 : vector<16xf32> to vector<16xf32>
    %swap3A_1081 = vector.shape_cast %broadcast_in_dim3A_1077 : vector<16xf32> to vector<16xf32>
    tpu.vector_store %arg10[%swap3A_1078], %swap3A_1081 {strides = array<i32>} : memref<1024xf32, #tpu.memory_space<vmem>>, vector<16xf32>,
    %broadcast_in_dim3A_1082 = arith.constant 0.000000e+00 : f32
    %broadcast_in_dim3A_1083 = vector.broadcast %broadcast_in_dim3A_1082 : f32 to vector<16xf32>
    %swap3A_1084 = arith.constant 624 : index
    %swap3A_1085 = tpu.vector_load %arg10[%swap3A_1084] {strides = array<i32>} : memref<1024xf32, #tpu.memory_space<vmem>>, vector<16xf32>,
    %swap3A_1086 = vector.shape_cast %swap3A_1085 : vector<16xf32> to vector<16xf32>
    %swap3A_1087 = vector.shape_cast %broadcast_in_dim3A_1083 : vector<16xf32> to vector<16xf32>
    tpu.vector_store %arg10[%swap3A_1084], %swap3A_1087 {strides = array<i32>} : memref<1024xf32, #tpu.memory_space<vmem>>, vector<16xf32>,
    %broadcast_in_dim3A_1088 = arith.constant 0.000000e+00 : f32
    %broadcast_in_dim3A_1089 = vector.broadcast %broadcast_in_dim3A_1088 : f32 to vector<16xf32>
    %swap3A_1090 = arith.constant 640 : index
    %swap3A_1091 = tpu.vector_load %arg10[%swap3A_1090] {strides = array<i32>} : memref<1024xf32, #tpu.memory_space<vmem>>, vector<16xf32>,
    %swap3A_1092 = vector.shape_cast %swap3A_1091 : vector<16xf32> to vector<16xf32>
    %swap3A_1093 = vector.shape_cast %broadcast_in_dim3A_1089 : vector<16xf32> to vector<16xf32>
    tpu.vector_store %arg10[%swap3A_1090], %swap3A_1093 {strides = array<i32>} : memref<1024xf32, #tpu.memory_space<vmem>>, vector<16xf32>,
    %broadcast_in_dim3A_1094 = arith.constant 0.000000e+00 : f32
    %broadcast_in_dim3A_1095 = vector.broadcast %broadcast_in_dim3A_1094 : f32 to vector<16xf32>
    %swap3A_1096 = arith.constant 656 : index
    %swap3A_1097 = tpu.vector_load %arg10[%swap3A_1096] {strides = array<i32>} : memref<1024xf32, #tpu.memory_space<vmem>>, vector<16xf32>,
    %swap3A_1098 = vector.shape_cast %swap3A_1097 : vector<16xf32> to vector<16xf32>
    %swap3A_1099 = vector.shape_cast %broadcast_in_dim3A_1095 : vector<16xf32> to vector<16xf32>
    tpu.vector_store %arg10[%swap3A_1096], %swap3A_1099 {strides = array<i32>} : memref<1024xf32, #tpu.memory_space<vmem>>, vector<16xf32>,
    %broadcast_in_dim3A_1100 = arith.constant 0.000000e+00 : f32
    %broadcast_in_dim3A_1101 = vector.broadcast %broadcast_in_dim3A_1100 : f32 to vector<16xf32>
    %swap3A_1102 = arith.constant 672 : index
    %swap3A_1103 = tpu.vector_load %arg10[%swap3A_1102] {strides = array<i32>} : memref<1024xf32, #tpu.memory_space<vmem>>, vector<16xf32>,
    %swap3A_1104 = vector.shape_cast %swap3A_1103 : vector<16xf32> to vector<16xf32>
    %swap3A_1105 = vector.shape_cast %broadcast_in_dim3A_1101 : vector<16xf32> to vector<16xf32>
    tpu.vector_store %arg10[%swap3A_1102], %swap3A_1105 {strides = array<i32>} : memref<1024xf32, #tpu.memory_space<vmem>>, vector<16xf32>,
    %broadcast_in_dim3A_1106 = arith.constant 0.000000e+00 : f32
    %broadcast_in_dim3A_1107 = vector.broadcast %broadcast_in_dim3A_1106 : f32 to vector<16xf32>
    %swap3A_1108 = arith.constant 688 : index
    %swap3A_1109 = tpu.vector_load %arg10[%swap3A_1108] {strides = array<i32>} : memref<1024xf32, #tpu.memory_space<vmem>>, vector<16xf32>,
    %swap3A_1110 = vector.shape_cast %swap3A_1109 : vector<16xf32> to vector<16xf32>
    %swap3A_1111 = vector.shape_cast %broadcast_in_dim3A_1107 : vector<16xf32> to vector<16xf32>
    tpu.vector_store %arg10[%swap3A_1108], %swap3A_1111 {strides = array<i32>} : memref<1024xf32, #tpu.memory_space<vmem>>, vector<16xf32>,
    %broadcast_in_dim3A_1112 = arith.constant 0.000000e+00 : f32
    %broadcast_in_dim3A_1113 = vector.broadcast %broadcast_in_dim3A_1112 : f32 to vector<16xf32>
    %swap3A_1114 = arith.constant 704 : index
    %swap3A_1115 = tpu.vector_load %arg10[%swap3A_1114] {strides = array<i32>} : memref<1024xf32, #tpu.memory_space<vmem>>, vector<16xf32>,
    %swap3A_1116 = vector.shape_cast %swap3A_1115 : vector<16xf32> to vector<16xf32>
    %swap3A_1117 = vector.shape_cast %broadcast_in_dim3A_1113 : vector<16xf32> to vector<16xf32>
    tpu.vector_store %arg10[%swap3A_1114], %swap3A_1117 {strides = array<i32>} : memref<1024xf32, #tpu.memory_space<vmem>>, vector<16xf32>,
    %broadcast_in_dim3A_1118 = arith.constant 0.000000e+00 : f32
    %broadcast_in_dim3A_1119 = vector.broadcast %broadcast_in_dim3A_1118 : f32 to vector<16xf32>
    %swap3A_1120 = arith.constant 720 : index
    %swap3A_1121 = tpu.vector_load %arg10[%swap3A_1120] {strides = array<i32>} : memref<1024xf32, #tpu.memory_space<vmem>>, vector<16xf32>,
    %swap3A_1122 = vector.shape_cast %swap3A_1121 : vector<16xf32> to vector<16xf32>
    %swap3A_1123 = vector.shape_cast %broadcast_in_dim3A_1119 : vector<16xf32> to vector<16xf32>
    tpu.vector_store %arg10[%swap3A_1120], %swap3A_1123 {strides = array<i32>} : memref<1024xf32, #tpu.memory_space<vmem>>, vector<16xf32>,
    %broadcast_in_dim3A_1124 = arith.constant 0.000000e+00 : f32
    %broadcast_in_dim3A_1125 = vector.broadcast %broadcast_in_dim3A_1124 : f32 to vector<16xf32>
    %swap3A_1126 = arith.constant 736 : index
    %swap3A_1127 = tpu.vector_load %arg10[%swap3A_1126] {strides = array<i32>} : memref<1024xf32, #tpu.memory_space<vmem>>, vector<16xf32>,
    %swap3A_1128 = vector.shape_cast %swap3A_1127 : vector<16xf32> to vector<16xf32>
    %swap3A_1129 = vector.shape_cast %broadcast_in_dim3A_1125 : vector<16xf32> to vector<16xf32>
    tpu.vector_store %arg10[%swap3A_1126], %swap3A_1129 {strides = array<i32>} : memref<1024xf32, #tpu.memory_space<vmem>>, vector<16xf32>,
    %broadcast_in_dim3A_1130 = arith.constant 0.000000e+00 : f32
    %broadcast_in_dim3A_1131 = vector.broadcast %broadcast_in_dim3A_1130 : f32 to vector<16xf32>
    %swap3A_1132 = arith.constant 752 : index
    %swap3A_1133 = tpu.vector_load %arg10[%swap3A_1132] {strides = array<i32>} : memref<1024xf32, #tpu.memory_space<vmem>>, vector<16xf32>,
    %swap3A_1134 = vector.shape_cast %swap3A_1133 : vector<16xf32> to vector<16xf32>
    %swap3A_1135 = vector.shape_cast %broadcast_in_dim3A_1131 : vector<16xf32> to vector<16xf32>
    tpu.vector_store %arg10[%swap3A_1132], %swap3A_1135 {strides = array<i32>} : memref<1024xf32, #tpu.memory_space<vmem>>, vector<16xf32>,
    %broadcast_in_dim3A_1136 = arith.constant 0.000000e+00 : f32
    %broadcast_in_dim3A_1137 = vector.broadcast %broadcast_in_dim3A_1136 : f32 to vector<16xf32>
    %swap3A_1138 = arith.constant 768 : index
    %swap3A_1139 = tpu.vector_load %arg10[%swap3A_1138] {strides = array<i32>} : memref<1024xf32, #tpu.memory_space<vmem>>, vector<16xf32>,
    %swap3A_1140 = vector.shape_cast %swap3A_1139 : vector<16xf32> to vector<16xf32>
    %swap3A_1141 = vector.shape_cast %broadcast_in_dim3A_1137 : vector<16xf32> to vector<16xf32>
    tpu.vector_store %arg10[%swap3A_1138], %swap3A_1141 {strides = array<i32>} : memref<1024xf32, #tpu.memory_space<vmem>>, vector<16xf32>,
    %broadcast_in_dim3A_1142 = arith.constant 0.000000e+00 : f32
    %broadcast_in_dim3A_1143 = vector.broadcast %broadcast_in_dim3A_1142 : f32 to vector<16xf32>
    %swap3A_1144 = arith.constant 784 : index
    %swap3A_1145 = tpu.vector_load %arg10[%swap3A_1144] {strides = array<i32>} : memref<1024xf32, #tpu.memory_space<vmem>>, vector<16xf32>,
    %swap3A_1146 = vector.shape_cast %swap3A_1145 : vector<16xf32> to vector<16xf32>
    %swap3A_1147 = vector.shape_cast %broadcast_in_dim3A_1143 : vector<16xf32> to vector<16xf32>
    tpu.vector_store %arg10[%swap3A_1144], %swap3A_1147 {strides = array<i32>} : memref<1024xf32, #tpu.memory_space<vmem>>, vector<16xf32>,
    %broadcast_in_dim3A_1148 = arith.constant 0.000000e+00 : f32
    %broadcast_in_dim3A_1149 = vector.broadcast %broadcast_in_dim3A_1148 : f32 to vector<16xf32>
    %swap3A_1150 = arith.constant 800 : index
    %swap3A_1151 = tpu.vector_load %arg10[%swap3A_1150] {strides = array<i32>} : memref<1024xf32, #tpu.memory_space<vmem>>, vector<16xf32>,
    %swap3A_1152 = vector.shape_cast %swap3A_1151 : vector<16xf32> to vector<16xf32>
    %swap3A_1153 = vector.shape_cast %broadcast_in_dim3A_1149 : vector<16xf32> to vector<16xf32>
    tpu.vector_store %arg10[%swap3A_1150], %swap3A_1153 {strides = array<i32>} : memref<1024xf32, #tpu.memory_space<vmem>>, vector<16xf32>,
    %broadcast_in_dim3A_1154 = arith.constant 0.000000e+00 : f32
    %broadcast_in_dim3A_1155 = vector.broadcast %broadcast_in_dim3A_1154 : f32 to vector<16xf32>
    %swap3A_1156 = arith.constant 816 : index
    %swap3A_1157 = tpu.vector_load %arg10[%swap3A_1156] {strides = array<i32>} : memref<1024xf32, #tpu.memory_space<vmem>>, vector<16xf32>,
    %swap3A_1158 = vector.shape_cast %swap3A_1157 : vector<16xf32> to vector<16xf32>
    %swap3A_1159 = vector.shape_cast %broadcast_in_dim3A_1155 : vector<16xf32> to vector<16xf32>
    tpu.vector_store %arg10[%swap3A_1156], %swap3A_1159 {strides = array<i32>} : memref<1024xf32, #tpu.memory_space<vmem>>, vector<16xf32>,
    %broadcast_in_dim3A_1160 = arith.constant 0.000000e+00 : f32
    %broadcast_in_dim3A_1161 = vector.broadcast %broadcast_in_dim3A_1160 : f32 to vector<16xf32>
    %swap3A_1162 = arith.constant 832 : index
    %swap3A_1163 = tpu.vector_load %arg10[%swap3A_1162] {strides = array<i32>} : memref<1024xf32, #tpu.memory_space<vmem>>, vector<16xf32>,
    %swap3A_1164 = vector.shape_cast %swap3A_1163 : vector<16xf32> to vector<16xf32>
    %swap3A_1165 = vector.shape_cast %broadcast_in_dim3A_1161 : vector<16xf32> to vector<16xf32>
    tpu.vector_store %arg10[%swap3A_1162], %swap3A_1165 {strides = array<i32>} : memref<1024xf32, #tpu.memory_space<vmem>>, vector<16xf32>,
    %broadcast_in_dim3A_1166 = arith.constant 0.000000e+00 : f32
    %broadcast_in_dim3A_1167 = vector.broadcast %broadcast_in_dim3A_1166 : f32 to vector<16xf32>
    %swap3A_1168 = arith.constant 848 : index
    %swap3A_1169 = tpu.vector_load %arg10[%swap3A_1168] {strides = array<i32>} : memref<1024xf32, #tpu.memory_space<vmem>>, vector<16xf32>,
    %swap3A_1170 = vector.shape_cast %swap3A_1169 : vector<16xf32> to vector<16xf32>
    %swap3A_1171 = vector.shape_cast %broadcast_in_dim3A_1167 : vector<16xf32> to vector<16xf32>
    tpu.vector_store %arg10[%swap3A_1168], %swap3A_1171 {strides = array<i32>} : memref<1024xf32, #tpu.memory_space<vmem>>, vector<16xf32>,
    %broadcast_in_dim3A_1172 = arith.constant 0.000000e+00 : f32
    %broadcast_in_dim3A_1173 = vector.broadcast %broadcast_in_dim3A_1172 : f32 to vector<16xf32>
    %swap3A_1174 = arith.constant 864 : index
    %swap3A_1175 = tpu.vector_load %arg10[%swap3A_1174] {strides = array<i32>} : memref<1024xf32, #tpu.memory_space<vmem>>, vector<16xf32>,
    %swap3A_1176 = vector.shape_cast %swap3A_1175 : vector<16xf32> to vector<16xf32>
    %swap3A_1177 = vector.shape_cast %broadcast_in_dim3A_1173 : vector<16xf32> to vector<16xf32>
    tpu.vector_store %arg10[%swap3A_1174], %swap3A_1177 {strides = array<i32>} : memref<1024xf32, #tpu.memory_space<vmem>>, vector<16xf32>,
    %broadcast_in_dim3A_1178 = arith.constant 0.000000e+00 : f32
    %broadcast_in_dim3A_1179 = vector.broadcast %broadcast_in_dim3A_1178 : f32 to vector<16xf32>
    %swap3A_1180 = arith.constant 880 : index
    %swap3A_1181 = tpu.vector_load %arg10[%swap3A_1180] {strides = array<i32>} : memref<1024xf32, #tpu.memory_space<vmem>>, vector<16xf32>,
    %swap3A_1182 = vector.shape_cast %swap3A_1181 : vector<16xf32> to vector<16xf32>
    %swap3A_1183 = vector.shape_cast %broadcast_in_dim3A_1179 : vector<16xf32> to vector<16xf32>
    tpu.vector_store %arg10[%swap3A_1180], %swap3A_1183 {strides = array<i32>} : memref<1024xf32, #tpu.memory_space<vmem>>, vector<16xf32>,
    %broadcast_in_dim3A_1184 = arith.constant 0.000000e+00 : f32
    %broadcast_in_dim3A_1185 = vector.broadcast %broadcast_in_dim3A_1184 : f32 to vector<16xf32>
    %swap3A_1186 = arith.constant 896 : index
    %swap3A_1187 = tpu.vector_load %arg10[%swap3A_1186] {strides = array<i32>} : memref<1024xf32, #tpu.memory_space<vmem>>, vector<16xf32>,
    %swap3A_1188 = vector.shape_cast %swap3A_1187 : vector<16xf32> to vector<16xf32>
    %swap3A_1189 = vector.shape_cast %broadcast_in_dim3A_1185 : vector<16xf32> to vector<16xf32>
    tpu.vector_store %arg10[%swap3A_1186], %swap3A_1189 {strides = array<i32>} : memref<1024xf32, #tpu.memory_space<vmem>>, vector<16xf32>,
    %broadcast_in_dim3A_1190 = arith.constant 0.000000e+00 : f32
    %broadcast_in_dim3A_1191 = vector.broadcast %broadcast_in_dim3A_1190 : f32 to vector<16xf32>
    %swap3A_1192 = arith.constant 912 : index
    %swap3A_1193 = tpu.vector_load %arg10[%swap3A_1192] {strides = array<i32>} : memref<1024xf32, #tpu.memory_space<vmem>>, vector<16xf32>,
    %swap3A_1194 = vector.shape_cast %swap3A_1193 : vector<16xf32> to vector<16xf32>
    %swap3A_1195 = vector.shape_cast %broadcast_in_dim3A_1191 : vector<16xf32> to vector<16xf32>
    tpu.vector_store %arg10[%swap3A_1192], %swap3A_1195 {strides = array<i32>} : memref<1024xf32, #tpu.memory_space<vmem>>, vector<16xf32>,
    %broadcast_in_dim3A_1196 = arith.constant 0.000000e+00 : f32
    %broadcast_in_dim3A_1197 = vector.broadcast %broadcast_in_dim3A_1196 : f32 to vector<16xf32>
    %swap3A_1198 = arith.constant 928 : index
    %swap3A_1199 = tpu.vector_load %arg10[%swap3A_1198] {strides = array<i32>} : memref<1024xf32, #tpu.memory_space<vmem>>, vector<16xf32>,
    %swap3A_1200 = vector.shape_cast %swap3A_1199 : vector<16xf32> to vector<16xf32>
    %swap3A_1201 = vector.shape_cast %broadcast_in_dim3A_1197 : vector<16xf32> to vector<16xf32>
    tpu.vector_store %arg10[%swap3A_1198], %swap3A_1201 {strides = array<i32>} : memref<1024xf32, #tpu.memory_space<vmem>>, vector<16xf32>,
    %broadcast_in_dim3A_1202 = arith.constant 0.000000e+00 : f32
    %broadcast_in_dim3A_1203 = vector.broadcast %broadcast_in_dim3A_1202 : f32 to vector<16xf32>
    %swap3A_1204 = arith.constant 944 : index
    %swap3A_1205 = tpu.vector_load %arg10[%swap3A_1204] {strides = array<i32>} : memref<1024xf32, #tpu.memory_space<vmem>>, vector<16xf32>,
    %swap3A_1206 = vector.shape_cast %swap3A_1205 : vector<16xf32> to vector<16xf32>
    %swap3A_1207 = vector.shape_cast %broadcast_in_dim3A_1203 : vector<16xf32> to vector<16xf32>
    tpu.vector_store %arg10[%swap3A_1204], %swap3A_1207 {strides = array<i32>} : memref<1024xf32, #tpu.memory_space<vmem>>, vector<16xf32>,
    %broadcast_in_dim3A_1208 = arith.constant 0.000000e+00 : f32
    %broadcast_in_dim3A_1209 = vector.broadcast %broadcast_in_dim3A_1208 : f32 to vector<16xf32>
    %swap3A_1210 = arith.constant 960 : index
    %swap3A_1211 = tpu.vector_load %arg10[%swap3A_1210] {strides = array<i32>} : memref<1024xf32, #tpu.memory_space<vmem>>, vector<16xf32>,
    %swap3A_1212 = vector.shape_cast %swap3A_1211 : vector<16xf32> to vector<16xf32>
    %swap3A_1213 = vector.shape_cast %broadcast_in_dim3A_1209 : vector<16xf32> to vector<16xf32>
    tpu.vector_store %arg10[%swap3A_1210], %swap3A_1213 {strides = array<i32>} : memref<1024xf32, #tpu.memory_space<vmem>>, vector<16xf32>,
    %broadcast_in_dim3A_1214 = arith.constant 0.000000e+00 : f32
    %broadcast_in_dim3A_1215 = vector.broadcast %broadcast_in_dim3A_1214 : f32 to vector<16xf32>
    %swap3A_1216 = arith.constant 976 : index
    %swap3A_1217 = tpu.vector_load %arg10[%swap3A_1216] {strides = array<i32>} : memref<1024xf32, #tpu.memory_space<vmem>>, vector<16xf32>,
    %swap3A_1218 = vector.shape_cast %swap3A_1217 : vector<16xf32> to vector<16xf32>
    %swap3A_1219 = vector.shape_cast %broadcast_in_dim3A_1215 : vector<16xf32> to vector<16xf32>
    tpu.vector_store %arg10[%swap3A_1216], %swap3A_1219 {strides = array<i32>} : memref<1024xf32, #tpu.memory_space<vmem>>, vector<16xf32>,
    %broadcast_in_dim3A_1220 = arith.constant 0.000000e+00 : f32
    %broadcast_in_dim3A_1221 = vector.broadcast %broadcast_in_dim3A_1220 : f32 to vector<16xf32>
    %swap3A_1222 = arith.constant 992 : index
    %swap3A_1223 = tpu.vector_load %arg10[%swap3A_1222] {strides = array<i32>} : memref<1024xf32, #tpu.memory_space<vmem>>, vector<16xf32>,
    %swap3A_1224 = vector.shape_cast %swap3A_1223 : vector<16xf32> to vector<16xf32>
    %swap3A_1225 = vector.shape_cast %broadcast_in_dim3A_1221 : vector<16xf32> to vector<16xf32>
    tpu.vector_store %arg10[%swap3A_1222], %swap3A_1225 {strides = array<i32>} : memref<1024xf32, #tpu.memory_space<vmem>>, vector<16xf32>,
    %broadcast_in_dim3A_1226 = arith.constant 0.000000e+00 : f32
    %broadcast_in_dim3A_1227 = vector.broadcast %broadcast_in_dim3A_1226 : f32 to vector<16xf32>
    %swap3A_1228 = arith.constant 1008 : index
    %swap3A_1229 = tpu.vector_load %arg10[%swap3A_1228] {strides = array<i32>} : memref<1024xf32, #tpu.memory_space<vmem>>, vector<16xf32>,
    %swap3A_1230 = vector.shape_cast %swap3A_1229 : vector<16xf32> to vector<16xf32>
    %swap3A_1231 = vector.shape_cast %broadcast_in_dim3A_1227 : vector<16xf32> to vector<16xf32>
    tpu.vector_store %arg10[%swap3A_1228], %swap3A_1231 {strides = array<i32>} : memref<1024xf32, #tpu.memory_space<vmem>>, vector<16xf32>,
    %dma_start3A = arith.constant 0 : i32
    %dma_start3A_1232 = arith.constant 0 : i32
    %dma_start3A_1233 = tpu.memref_slice %arg5[%dma_start3A, %dma_start3A_1232] : memref<64x16xi32, #tpu.memory_space<vmem>> -> memref<1x16xi32, #tpu.memory_space<vmem>>
    %dma_start3A_1234 = tpu.memref_squeeze %dma_start3A_1233 : memref<1x16xi32, #tpu.memory_space<vmem>> -> memref<16xi32, #tpu.memory_space<vmem>>
    %dma_start3A_1235 = arith.constant 0 : i32
    %dma_start3A_1236 = arith.constant 0 : i32
    %dma_start3A_1237 = tpu.memref_slice %arg3[%dma_start3A_1235, %dma_start3A_1236] : memref<65536x1024xf32, #tpu.memory_space<hbm>> -> memref<65536x1024xf32, #tpu.memory_space<hbm>>
    tpu.enqueue_indirect_dma source(%dma_start3A_1237 : memref<65536x1024xf32, #tpu.memory_space<hbm>>) target(%arg6 : memref<16x1024xf32, #tpu.memory_space<vmem>>) offsets(%dma_start3A_1234 : memref<16xi32, #tpu.memory_space<vmem>>) semaphore(%arg11 : memref<!tpu.dma_semaphore, #tpu.memory_space<semaphore_mem>>)
    %dma_start3A_1238 = arith.constant 1 : i32
    %dma_start3A_1239 = arith.constant 0 : i32
    %dma_start3A_1240 = tpu.memref_slice %arg5[%dma_start3A_1238, %dma_start3A_1239] : memref<64x16xi32, #tpu.memory_space<vmem>> -> memref<1x16xi32, #tpu.memory_space<vmem>>
    %dma_start3A_1241 = tpu.memref_squeeze %dma_start3A_1240 : memref<1x16xi32, #tpu.memory_space<vmem>> -> memref<16xi32, #tpu.memory_space<vmem>>
    %dma_start3A_1242 = arith.constant 0 : i32
    %dma_start3A_1243 = arith.constant 0 : i32
    %dma_start3A_1244 = tpu.memref_slice %arg3[%dma_start3A_1242, %dma_start3A_1243] : memref<65536x1024xf32, #tpu.memory_space<hbm>> -> memref<65536x1024xf32, #tpu.memory_space<hbm>>
    tpu.enqueue_indirect_dma source(%dma_start3A_1244 : memref<65536x1024xf32, #tpu.memory_space<hbm>>) target(%arg7 : memref<16x1024xf32, #tpu.memory_space<vmem>>) offsets(%dma_start3A_1241 : memref<16xi32, #tpu.memory_space<vmem>>) semaphore(%arg12 : memref<!tpu.dma_semaphore, #tpu.memory_space<semaphore_mem>>)
    %dma_start3A_1245 = arith.constant 2 : i32
    %dma_start3A_1246 = arith.constant 0 : i32
    %dma_start3A_1247 = tpu.memref_slice %arg5[%dma_start3A_1245, %dma_start3A_1246] : memref<64x16xi32, #tpu.memory_space<vmem>> -> memref<1x16xi32, #tpu.memory_space<vmem>>
    %dma_start3A_1248 = tpu.memref_squeeze %dma_start3A_1247 : memref<1x16xi32, #tpu.memory_space<vmem>> -> memref<16xi32, #tpu.memory_space<vmem>>
    %dma_start3A_1249 = arith.constant 0 : i32
    %dma_start3A_1250 = arith.constant 0 : i32
    %dma_start3A_1251 = tpu.memref_slice %arg3[%dma_start3A_1249, %dma_start3A_1250] : memref<65536x1024xf32, #tpu.memory_space<hbm>> -> memref<65536x1024xf32, #tpu.memory_space<hbm>>
    tpu.enqueue_indirect_dma source(%dma_start3A_1251 : memref<65536x1024xf32, #tpu.memory_space<hbm>>) target(%arg8 : memref<16x1024xf32, #tpu.memory_space<vmem>>) offsets(%dma_start3A_1248 : memref<16xi32, #tpu.memory_space<vmem>>) semaphore(%arg13 : memref<!tpu.dma_semaphore, #tpu.memory_space<semaphore_mem>>)
    %dma_start3A_1252 = arith.constant 3 : i32
    %dma_start3A_1253 = arith.constant 0 : i32
    %dma_start3A_1254 = tpu.memref_slice %arg5[%dma_start3A_1252, %dma_start3A_1253] : memref<64x16xi32, #tpu.memory_space<vmem>> -> memref<1x16xi32, #tpu.memory_space<vmem>>
    %dma_start3A_1255 = tpu.memref_squeeze %dma_start3A_1254 : memref<1x16xi32, #tpu.memory_space<vmem>> -> memref<16xi32, #tpu.memory_space<vmem>>
    %dma_start3A_1256 = arith.constant 0 : i32
    %dma_start3A_1257 = arith.constant 0 : i32
    %dma_start3A_1258 = tpu.memref_slice %arg3[%dma_start3A_1256, %dma_start3A_1257] : memref<65536x1024xf32, #tpu.memory_space<hbm>> -> memref<65536x1024xf32, #tpu.memory_space<hbm>>
    tpu.enqueue_indirect_dma source(%dma_start3A_1258 : memref<65536x1024xf32, #tpu.memory_space<hbm>>) target(%arg9 : memref<16x1024xf32, #tpu.memory_space<vmem>>) offsets(%dma_start3A_1255 : memref<16xi32, #tpu.memory_space<vmem>>) semaphore(%arg14 : memref<!tpu.dma_semaphore, #tpu.memory_space<semaphore_mem>>)
    %scan3A = arith.constant 0 : i32
    %scan3A_1259 = arith.constant 16 : i32
    %scan3A_1260 = arith.addi %scan3A, %scan3A_1259 : i32
    %scan3A_1261 = arith.constant 1 : i32
    scf.for %scan3A_1263 = %scan3A to %scan3A_1260 step %scan3A_1261  : i32 {
      %mul3A_1264 = arith.constant 1 : i32
      %mul3A_1265 = arith.muli %scan3A_1263, %mul3A_1264 : i32
      %add3A_1266 = arith.constant 0 : i32
      %add3A_1267 = arith.addi %add3A_1266, %mul3A_1265 : i32
      %mul3A_1268 = arith.constant 4 : i32
      %mul3A_1269 = arith.muli %add3A_1267, %mul3A_1268 : i32
      %add3A_1270 = arith.constant 0 : i32
      %add3A_1271 = arith.addi %mul3A_1269, %add3A_1270 : i32
      %dma_wait3A = arith.constant 0 : i32
      %dma_wait3A_1272 = arith.constant 0 : i32
      %dma_wait3A_1273 = tpu.memref_slice %arg5[%dma_wait3A, %dma_wait3A_1272] : memref<64x16xi32, #tpu.memory_space<vmem>> -> memref<1x16xi32, #tpu.memory_space<vmem>>
      %dma_wait3A_1274 = tpu.memref_squeeze %dma_wait3A_1273 : memref<1x16xi32, #tpu.memory_space<vmem>> -> memref<16xi32, #tpu.memory_space<vmem>>
      %dma_wait3A_1275 = arith.constant 0 : i32
      %dma_wait3A_1276 = arith.constant 0 : i32
      %dma_wait3A_1277 = tpu.memref_slice %arg3[%dma_wait3A_1275, %dma_wait3A_1276] : memref<65536x1024xf32, #tpu.memory_space<hbm>> -> memref<65536x1024xf32, #tpu.memory_space<hbm>>
      tpu.wait_indirect_dma semaphore(%arg11 : memref<!tpu.dma_semaphore, #tpu.memory_space<semaphore_mem>>) src(%dma_wait3A_1277 : memref<65536x1024xf32, #tpu.memory_space<hbm>>) dst(%arg6 : memref<16x1024xf32, #tpu.memory_space<vmem>>)
      %parallel_loop3A = arith.constant 0 : i32
      %parallel_loop3A_1278 = arith.constant 64 : i32
      %parallel_loop3A_1279 = arith.constant 1 : i32
      scf.for %parallel_loop3A_1347 = %parallel_loop3A to %parallel_loop3A_1278 step %parallel_loop3A_1279  : i32 {
        %parallel_loop3A_1348 = arith.constant 16 : i32
        %parallel_loop3A_1349 = arith.muli %parallel_loop3A_1347, %parallel_loop3A_1348 : i32
        %parallel_loop3A_1350 = arith.constant 0 : i32
        %parallel_loop3A_1351 = arith.index_cast %parallel_loop3A_1350 : i32 to index
        %parallel_loop3A_1352 = arith.index_cast %parallel_loop3A_1349 : i32 to index
        %parallel_loop3A_1353 = tpu.vector_load %arg6[%parallel_loop3A_1351, %parallel_loop3A_1352] {strides = array<i32>} : memref<16x1024xf32, #tpu.memory_space<vmem>>, vector<1x16xf32>,
        %parallel_loop3A_1354 = vector.shape_cast %parallel_loop3A_1353 : vector<1x16xf32> to vector<16xf32>
        %parallel_loop3A_1355 = arith.constant 1 : i32
        %parallel_loop3A_1356 = arith.index_cast %parallel_loop3A_1355 : i32 to index
        %parallel_loop3A_1357 = arith.index_cast %parallel_loop3A_1349 : i32 to index
        %parallel_loop3A_1358 = tpu.vector_load %arg6[%parallel_loop3A_1356, %parallel_loop3A_1357] {strides = array<i32>} : memref<16x1024xf32, #tpu.memory_space<vmem>>, vector<1x16xf32>,
        %parallel_loop3A_1359 = vector.shape_cast %parallel_loop3A_1358 : vector<1x16xf32> to vector<16xf32>
        %parallel_loop3A_1360 = arith.addf %parallel_loop3A_1354, %parallel_loop3A_1359 : vector<16xf32>
        %parallel_loop3A_1361 = arith.constant 2 : i32
        %parallel_loop3A_1362 = arith.index_cast %parallel_loop3A_1361 : i32 to index
        %parallel_loop3A_1363 = arith.index_cast %parallel_loop3A_1349 : i32 to index
        %parallel_loop3A_1364 = tpu.vector_load %arg6[%parallel_loop3A_1362, %parallel_loop3A_1363] {strides = array<i32>} : memref<16x1024xf32, #tpu.memory_space<vmem>>, vector<1x16xf32>,
        %parallel_loop3A_1365 = vector.shape_cast %parallel_loop3A_1364 : vector<1x16xf32> to vector<16xf32>
        %parallel_loop3A_1366 = arith.addf %parallel_loop3A_1360, %parallel_loop3A_1365 : vector<16xf32>
        %parallel_loop3A_1367 = arith.constant 3 : i32
        %parallel_loop3A_1368 = arith.index_cast %parallel_loop3A_1367 : i32 to index
        %parallel_loop3A_1369 = arith.index_cast %parallel_loop3A_1349 : i32 to index
        %parallel_loop3A_1370 = tpu.vector_load %arg6[%parallel_loop3A_1368, %parallel_loop3A_1369] {strides = array<i32>} : memref<16x1024xf32, #tpu.memory_space<vmem>>, vector<1x16xf32>,
        %parallel_loop3A_1371 = vector.shape_cast %parallel_loop3A_1370 : vector<1x16xf32> to vector<16xf32>
        %parallel_loop3A_1372 = arith.addf %parallel_loop3A_1366, %parallel_loop3A_1371 : vector<16xf32>
        %parallel_loop3A_1373 = arith.constant 4 : i32
        %parallel_loop3A_1374 = arith.index_cast %parallel_loop3A_1373 : i32 to index
        %parallel_loop3A_1375 = arith.index_cast %parallel_loop3A_1349 : i32 to index
        %parallel_loop3A_1376 = tpu.vector_load %arg6[%parallel_loop3A_1374, %parallel_loop3A_1375] {strides = array<i32>} : memref<16x1024xf32, #tpu.memory_space<vmem>>, vector<1x16xf32>,
        %parallel_loop3A_1377 = vector.shape_cast %parallel_loop3A_1376 : vector<1x16xf32> to vector<16xf32>
        %parallel_loop3A_1378 = arith.addf %parallel_loop3A_1372, %parallel_loop3A_1377 : vector<16xf32>
        %parallel_loop3A_1379 = arith.constant 5 : i32
        %parallel_loop3A_1380 = arith.index_cast %parallel_loop3A_1379 : i32 to index
        %parallel_loop3A_1381 = arith.index_cast %parallel_loop3A_1349 : i32 to index
        %parallel_loop3A_1382 = tpu.vector_load %arg6[%parallel_loop3A_1380, %parallel_loop3A_1381] {strides = array<i32>} : memref<16x1024xf32, #tpu.memory_space<vmem>>, vector<1x16xf32>,
        %parallel_loop3A_1383 = vector.shape_cast %parallel_loop3A_1382 : vector<1x16xf32> to vector<16xf32>
        %parallel_loop3A_1384 = arith.addf %parallel_loop3A_1378, %parallel_loop3A_1383 : vector<16xf32>
        %parallel_loop3A_1385 = arith.constant 6 : i32
        %parallel_loop3A_1386 = arith.index_cast %parallel_loop3A_1385 : i32 to index
        %parallel_loop3A_1387 = arith.index_cast %parallel_loop3A_1349 : i32 to index
        %parallel_loop3A_1388 = tpu.vector_load %arg6[%parallel_loop3A_1386, %parallel_loop3A_1387] {strides = array<i32>} : memref<16x1024xf32, #tpu.memory_space<vmem>>, vector<1x16xf32>,
        %parallel_loop3A_1389 = vector.shape_cast %parallel_loop3A_1388 : vector<1x16xf32> to vector<16xf32>
        %parallel_loop3A_1390 = arith.addf %parallel_loop3A_1384, %parallel_loop3A_1389 : vector<16xf32>
        %parallel_loop3A_1391 = arith.constant 7 : i32
        %parallel_loop3A_1392 = arith.index_cast %parallel_loop3A_1391 : i32 to index
        %parallel_loop3A_1393 = arith.index_cast %parallel_loop3A_1349 : i32 to index
        %parallel_loop3A_1394 = tpu.vector_load %arg6[%parallel_loop3A_1392, %parallel_loop3A_1393] {strides = array<i32>} : memref<16x1024xf32, #tpu.memory_space<vmem>>, vector<1x16xf32>,
        %parallel_loop3A_1395 = vector.shape_cast %parallel_loop3A_1394 : vector<1x16xf32> to vector<16xf32>
        %parallel_loop3A_1396 = arith.addf %parallel_loop3A_1390, %parallel_loop3A_1395 : vector<16xf32>
        %parallel_loop3A_1397 = arith.constant 8 : i32
        %parallel_loop3A_1398 = arith.index_cast %parallel_loop3A_1397 : i32 to index
        %parallel_loop3A_1399 = arith.index_cast %parallel_loop3A_1349 : i32 to index
        %parallel_loop3A_1400 = tpu.vector_load %arg6[%parallel_loop3A_1398, %parallel_loop3A_1399] {strides = array<i32>} : memref<16x1024xf32, #tpu.memory_space<vmem>>, vector<1x16xf32>,
        %parallel_loop3A_1401 = vector.shape_cast %parallel_loop3A_1400 : vector<1x16xf32> to vector<16xf32>
        %parallel_loop3A_1402 = arith.addf %parallel_loop3A_1396, %parallel_loop3A_1401 : vector<16xf32>
        %parallel_loop3A_1403 = arith.constant 9 : i32
        %parallel_loop3A_1404 = arith.index_cast %parallel_loop3A_1403 : i32 to index
        %parallel_loop3A_1405 = arith.index_cast %parallel_loop3A_1349 : i32 to index
        %parallel_loop3A_1406 = tpu.vector_load %arg6[%parallel_loop3A_1404, %parallel_loop3A_1405] {strides = array<i32>} : memref<16x1024xf32, #tpu.memory_space<vmem>>, vector<1x16xf32>,
        %parallel_loop3A_1407 = vector.shape_cast %parallel_loop3A_1406 : vector<1x16xf32> to vector<16xf32>
        %parallel_loop3A_1408 = arith.addf %parallel_loop3A_1402, %parallel_loop3A_1407 : vector<16xf32>
        %parallel_loop3A_1409 = arith.constant 10 : i32
        %parallel_loop3A_1410 = arith.index_cast %parallel_loop3A_1409 : i32 to index
        %parallel_loop3A_1411 = arith.index_cast %parallel_loop3A_1349 : i32 to index
        %parallel_loop3A_1412 = tpu.vector_load %arg6[%parallel_loop3A_1410, %parallel_loop3A_1411] {strides = array<i32>} : memref<16x1024xf32, #tpu.memory_space<vmem>>, vector<1x16xf32>,
        %parallel_loop3A_1413 = vector.shape_cast %parallel_loop3A_1412 : vector<1x16xf32> to vector<16xf32>
        %parallel_loop3A_1414 = arith.addf %parallel_loop3A_1408, %parallel_loop3A_1413 : vector<16xf32>
        %parallel_loop3A_1415 = arith.constant 11 : i32
        %parallel_loop3A_1416 = arith.index_cast %parallel_loop3A_1415 : i32 to index
        %parallel_loop3A_1417 = arith.index_cast %parallel_loop3A_1349 : i32 to index
        %parallel_loop3A_1418 = tpu.vector_load %arg6[%parallel_loop3A_1416, %parallel_loop3A_1417] {strides = array<i32>} : memref<16x1024xf32, #tpu.memory_space<vmem>>, vector<1x16xf32>,
        %parallel_loop3A_1419 = vector.shape_cast %parallel_loop3A_1418 : vector<1x16xf32> to vector<16xf32>
        %parallel_loop3A_1420 = arith.addf %parallel_loop3A_1414, %parallel_loop3A_1419 : vector<16xf32>
        %parallel_loop3A_1421 = arith.constant 12 : i32
        %parallel_loop3A_1422 = arith.index_cast %parallel_loop3A_1421 : i32 to index
        %parallel_loop3A_1423 = arith.index_cast %parallel_loop3A_1349 : i32 to index
        %parallel_loop3A_1424 = tpu.vector_load %arg6[%parallel_loop3A_1422, %parallel_loop3A_1423] {strides = array<i32>} : memref<16x1024xf32, #tpu.memory_space<vmem>>, vector<1x16xf32>,
        %parallel_loop3A_1425 = vector.shape_cast %parallel_loop3A_1424 : vector<1x16xf32> to vector<16xf32>
        %parallel_loop3A_1426 = arith.addf %parallel_loop3A_1420, %parallel_loop3A_1425 : vector<16xf32>
        %parallel_loop3A_1427 = arith.constant 13 : i32
        %parallel_loop3A_1428 = arith.index_cast %parallel_loop3A_1427 : i32 to index
        %parallel_loop3A_1429 = arith.index_cast %parallel_loop3A_1349 : i32 to index
        %parallel_loop3A_1430 = tpu.vector_load %arg6[%parallel_loop3A_1428, %parallel_loop3A_1429] {strides = array<i32>} : memref<16x1024xf32, #tpu.memory_space<vmem>>, vector<1x16xf32>,
        %parallel_loop3A_1431 = vector.shape_cast %parallel_loop3A_1430 : vector<1x16xf32> to vector<16xf32>
        %parallel_loop3A_1432 = arith.addf %parallel_loop3A_1426, %parallel_loop3A_1431 : vector<16xf32>
        %parallel_loop3A_1433 = arith.constant 14 : i32
        %parallel_loop3A_1434 = arith.index_cast %parallel_loop3A_1433 : i32 to index
        %parallel_loop3A_1435 = arith.index_cast %parallel_loop3A_1349 : i32 to index
        %parallel_loop3A_1436 = tpu.vector_load %arg6[%parallel_loop3A_1434, %parallel_loop3A_1435] {strides = array<i32>} : memref<16x1024xf32, #tpu.memory_space<vmem>>, vector<1x16xf32>,
        %parallel_loop3A_1437 = vector.shape_cast %parallel_loop3A_1436 : vector<1x16xf32> to vector<16xf32>
        %parallel_loop3A_1438 = arith.addf %parallel_loop3A_1432, %parallel_loop3A_1437 : vector<16xf32>
        %parallel_loop3A_1439 = arith.constant 15 : i32
        %parallel_loop3A_1440 = arith.index_cast %parallel_loop3A_1439 : i32 to index
        %parallel_loop3A_1441 = arith.index_cast %parallel_loop3A_1349 : i32 to index
        %parallel_loop3A_1442 = tpu.vector_load %arg6[%parallel_loop3A_1440, %parallel_loop3A_1441] {strides = array<i32>} : memref<16x1024xf32, #tpu.memory_space<vmem>>, vector<1x16xf32>,
        %parallel_loop3A_1443 = vector.shape_cast %parallel_loop3A_1442 : vector<1x16xf32> to vector<16xf32>
        %parallel_loop3A_1444 = arith.addf %parallel_loop3A_1438, %parallel_loop3A_1443 : vector<16xf32>
        %parallel_loop3A_1445 = arith.index_cast %parallel_loop3A_1349 : i32 to index
        %parallel_loop3A_1446 = tpu.vector_load %arg10[%parallel_loop3A_1445] {strides = array<i32>} : memref<1024xf32, #tpu.memory_space<vmem>>, vector<16xf32>,
        %parallel_loop3A_1447 = vector.shape_cast %parallel_loop3A_1446 : vector<16xf32> to vector<16xf32>
        %parallel_loop3A_1448 = arith.addf %parallel_loop3A_1447, %parallel_loop3A_1444 : vector<16xf32>
        %parallel_loop3A_1449 = arith.index_cast %parallel_loop3A_1349 : i32 to index
        %parallel_loop3A_1450 = tpu.vector_load %arg10[%parallel_loop3A_1449] {strides = array<i32>} : memref<1024xf32, #tpu.memory_space<vmem>>, vector<16xf32>,
        %parallel_loop3A_1451 = vector.shape_cast %parallel_loop3A_1450 : vector<16xf32> to vector<16xf32>
        %parallel_loop3A_1452 = vector.shape_cast %parallel_loop3A_1448 : vector<16xf32> to vector<16xf32>
        tpu.vector_store %arg10[%parallel_loop3A_1449], %parallel_loop3A_1452 {strides = array<i32>} : memref<1024xf32, #tpu.memory_space<vmem>>, vector<16xf32>,
      } {sc.loop_unroll_factor = 1 : i64, sc.parallel_access}
      %add3A_1280 = arith.constant 4 : i32
      %add3A_1281 = arith.addi %add3A_1271, %add3A_1280 : i32
      %lt3A = arith.constant 64 : i32
      %lt3A_1282 = arith.cmpi slt, %add3A_1281, %lt3A : i32
      %convert_element_type3A = arith.extui %lt3A_1282 : i1 to i32
      %cond3A = arith.constant 0 : i32
      %cond3A_1283 = arith.cmpi ne, %convert_element_type3A, %cond3A : i32
      scf.if %cond3A_1283 {
        %add3A_1347 = arith.constant 4 : i32
        %add3A_1348 = arith.addi %add3A_1271, %add3A_1347 : i32
        %dma_start3A_1349 = arith.constant 0 : i32
        %dma_start3A_1350 = tpu.memref_slice %arg5[%add3A_1348, %dma_start3A_1349] : memref<64x16xi32, #tpu.memory_space<vmem>> -> memref<1x16xi32, #tpu.memory_space<vmem>>
        %dma_start3A_1351 = tpu.memref_squeeze %dma_start3A_1350 : memref<1x16xi32, #tpu.memory_space<vmem>> -> memref<16xi32, #tpu.memory_space<vmem>>
        %dma_start3A_1352 = arith.constant 0 : i32
        %dma_start3A_1353 = arith.constant 0 : i32
        %dma_start3A_1354 = tpu.memref_slice %arg3[%dma_start3A_1352, %dma_start3A_1353] : memref<65536x1024xf32, #tpu.memory_space<hbm>> -> memref<65536x1024xf32, #tpu.memory_space<hbm>>
        tpu.enqueue_indirect_dma source(%dma_start3A_1354 : memref<65536x1024xf32, #tpu.memory_space<hbm>>) target(%arg6 : memref<16x1024xf32, #tpu.memory_space<vmem>>) offsets(%dma_start3A_1351 : memref<16xi32, #tpu.memory_space<vmem>>) semaphore(%arg11 : memref<!tpu.dma_semaphore, #tpu.memory_space<semaphore_mem>>)
      } else {
      }
      %mul3A_1284 = arith.constant 4 : i32
      %mul3A_1285 = arith.muli %add3A_1267, %mul3A_1284 : i32
      %add3A_1286 = arith.constant 1 : i32
      %add3A_1287 = arith.addi %mul3A_1285, %add3A_1286 : i32
      %dma_wait3A_1288 = arith.constant 1 : i32
      %dma_wait3A_1289 = arith.constant 0 : i32
      %dma_wait3A_1290 = tpu.memref_slice %arg5[%dma_wait3A_1288, %dma_wait3A_1289] : memref<64x16xi32, #tpu.memory_space<vmem>> -> memref<1x16xi32, #tpu.memory_space<vmem>>
      %dma_wait3A_1291 = tpu.memref_squeeze %dma_wait3A_1290 : memref<1x16xi32, #tpu.memory_space<vmem>> -> memref<16xi32, #tpu.memory_space<vmem>>
      %dma_wait3A_1292 = arith.constant 0 : i32
      %dma_wait3A_1293 = arith.constant 0 : i32
      %dma_wait3A_1294 = tpu.memref_slice %arg3[%dma_wait3A_1292, %dma_wait3A_1293] : memref<65536x1024xf32, #tpu.memory_space<hbm>> -> memref<65536x1024xf32, #tpu.memory_space<hbm>>
      tpu.wait_indirect_dma semaphore(%arg12 : memref<!tpu.dma_semaphore, #tpu.memory_space<semaphore_mem>>) src(%dma_wait3A_1294 : memref<65536x1024xf32, #tpu.memory_space<hbm>>) dst(%arg7 : memref<16x1024xf32, #tpu.memory_space<vmem>>)
      %parallel_loop3A_1295 = arith.constant 0 : i32
      %parallel_loop3A_1296 = arith.constant 64 : i32
      %parallel_loop3A_1297 = arith.constant 1 : i32
      scf.for %parallel_loop3A_1347 = %parallel_loop3A_1295 to %parallel_loop3A_1296 step %parallel_loop3A_1297  : i32 {
        %parallel_loop3A_1348 = arith.constant 16 : i32
        %parallel_loop3A_1349 = arith.muli %parallel_loop3A_1347, %parallel_loop3A_1348 : i32
        %parallel_loop3A_1350 = arith.constant 0 : i32
        %parallel_loop3A_1351 = arith.index_cast %parallel_loop3A_1350 : i32 to index
        %parallel_loop3A_1352 = arith.index_cast %parallel_loop3A_1349 : i32 to index
        %parallel_loop3A_1353 = tpu.vector_load %arg7[%parallel_loop3A_1351, %parallel_loop3A_1352] {strides = array<i32>} : memref<16x1024xf32, #tpu.memory_space<vmem>>, vector<1x16xf32>,
        %parallel_loop3A_1354 = vector.shape_cast %parallel_loop3A_1353 : vector<1x16xf32> to vector<16xf32>
        %parallel_loop3A_1355 = arith.constant 1 : i32
        %parallel_loop3A_1356 = arith.index_cast %parallel_loop3A_1355 : i32 to index
        %parallel_loop3A_1357 = arith.index_cast %parallel_loop3A_1349 : i32 to index
        %parallel_loop3A_1358 = tpu.vector_load %arg7[%parallel_loop3A_1356, %parallel_loop3A_1357] {strides = array<i32>} : memref<16x1024xf32, #tpu.memory_space<vmem>>, vector<1x16xf32>,
        %parallel_loop3A_1359 = vector.shape_cast %parallel_loop3A_1358 : vector<1x16xf32> to vector<16xf32>
        %parallel_loop3A_1360 = arith.addf %parallel_loop3A_1354, %parallel_loop3A_1359 : vector<16xf32>
        %parallel_loop3A_1361 = arith.constant 2 : i32
        %parallel_loop3A_1362 = arith.index_cast %parallel_loop3A_1361 : i32 to index
        %parallel_loop3A_1363 = arith.index_cast %parallel_loop3A_1349 : i32 to index
        %parallel_loop3A_1364 = tpu.vector_load %arg7[%parallel_loop3A_1362, %parallel_loop3A_1363] {strides = array<i32>} : memref<16x1024xf32, #tpu.memory_space<vmem>>, vector<1x16xf32>,
        %parallel_loop3A_1365 = vector.shape_cast %parallel_loop3A_1364 : vector<1x16xf32> to vector<16xf32>
        %parallel_loop3A_1366 = arith.addf %parallel_loop3A_1360, %parallel_loop3A_1365 : vector<16xf32>
        %parallel_loop3A_1367 = arith.constant 3 : i32
        %parallel_loop3A_1368 = arith.index_cast %parallel_loop3A_1367 : i32 to index
        %parallel_loop3A_1369 = arith.index_cast %parallel_loop3A_1349 : i32 to index
        %parallel_loop3A_1370 = tpu.vector_load %arg7[%parallel_loop3A_1368, %parallel_loop3A_1369] {strides = array<i32>} : memref<16x1024xf32, #tpu.memory_space<vmem>>, vector<1x16xf32>,
        %parallel_loop3A_1371 = vector.shape_cast %parallel_loop3A_1370 : vector<1x16xf32> to vector<16xf32>
        %parallel_loop3A_1372 = arith.addf %parallel_loop3A_1366, %parallel_loop3A_1371 : vector<16xf32>
        %parallel_loop3A_1373 = arith.constant 4 : i32
        %parallel_loop3A_1374 = arith.index_cast %parallel_loop3A_1373 : i32 to index
        %parallel_loop3A_1375 = arith.index_cast %parallel_loop3A_1349 : i32 to index
        %parallel_loop3A_1376 = tpu.vector_load %arg7[%parallel_loop3A_1374, %parallel_loop3A_1375] {strides = array<i32>} : memref<16x1024xf32, #tpu.memory_space<vmem>>, vector<1x16xf32>,
        %parallel_loop3A_1377 = vector.shape_cast %parallel_loop3A_1376 : vector<1x16xf32> to vector<16xf32>
        %parallel_loop3A_1378 = arith.addf %parallel_loop3A_1372, %parallel_loop3A_1377 : vector<16xf32>
        %parallel_loop3A_1379 = arith.constant 5 : i32
        %parallel_loop3A_1380 = arith.index_cast %parallel_loop3A_1379 : i32 to index
        %parallel_loop3A_1381 = arith.index_cast %parallel_loop3A_1349 : i32 to index
        %parallel_loop3A_1382 = tpu.vector_load %arg7[%parallel_loop3A_1380, %parallel_loop3A_1381] {strides = array<i32>} : memref<16x1024xf32, #tpu.memory_space<vmem>>, vector<1x16xf32>,
        %parallel_loop3A_1383 = vector.shape_cast %parallel_loop3A_1382 : vector<1x16xf32> to vector<16xf32>
        %parallel_loop3A_1384 = arith.addf %parallel_loop3A_1378, %parallel_loop3A_1383 : vector<16xf32>
        %parallel_loop3A_1385 = arith.constant 6 : i32
        %parallel_loop3A_1386 = arith.index_cast %parallel_loop3A_1385 : i32 to index
        %parallel_loop3A_1387 = arith.index_cast %parallel_loop3A_1349 : i32 to index
        %parallel_loop3A_1388 = tpu.vector_load %arg7[%parallel_loop3A_1386, %parallel_loop3A_1387] {strides = array<i32>} : memref<16x1024xf32, #tpu.memory_space<vmem>>, vector<1x16xf32>,
        %parallel_loop3A_1389 = vector.shape_cast %parallel_loop3A_1388 : vector<1x16xf32> to vector<16xf32>
        %parallel_loop3A_1390 = arith.addf %parallel_loop3A_1384, %parallel_loop3A_1389 : vector<16xf32>
        %parallel_loop3A_1391 = arith.constant 7 : i32
        %parallel_loop3A_1392 = arith.index_cast %parallel_loop3A_1391 : i32 to index
        %parallel_loop3A_1393 = arith.index_cast %parallel_loop3A_1349 : i32 to index
        %parallel_loop3A_1394 = tpu.vector_load %arg7[%parallel_loop3A_1392, %parallel_loop3A_1393] {strides = array<i32>} : memref<16x1024xf32, #tpu.memory_space<vmem>>, vector<1x16xf32>,
        %parallel_loop3A_1395 = vector.shape_cast %parallel_loop3A_1394 : vector<1x16xf32> to vector<16xf32>
        %parallel_loop3A_1396 = arith.addf %parallel_loop3A_1390, %parallel_loop3A_1395 : vector<16xf32>
        %parallel_loop3A_1397 = arith.constant 8 : i32
        %parallel_loop3A_1398 = arith.index_cast %parallel_loop3A_1397 : i32 to index
        %parallel_loop3A_1399 = arith.index_cast %parallel_loop3A_1349 : i32 to index
        %parallel_loop3A_1400 = tpu.vector_load %arg7[%parallel_loop3A_1398, %parallel_loop3A_1399] {strides = array<i32>} : memref<16x1024xf32, #tpu.memory_space<vmem>>, vector<1x16xf32>,
        %parallel_loop3A_1401 = vector.shape_cast %parallel_loop3A_1400 : vector<1x16xf32> to vector<16xf32>
        %parallel_loop3A_1402 = arith.addf %parallel_loop3A_1396, %parallel_loop3A_1401 : vector<16xf32>
        %parallel_loop3A_1403 = arith.constant 9 : i32
        %parallel_loop3A_1404 = arith.index_cast %parallel_loop3A_1403 : i32 to index
        %parallel_loop3A_1405 = arith.index_cast %parallel_loop3A_1349 : i32 to index
        %parallel_loop3A_1406 = tpu.vector_load %arg7[%parallel_loop3A_1404, %parallel_loop3A_1405] {strides = array<i32>} : memref<16x1024xf32, #tpu.memory_space<vmem>>, vector<1x16xf32>,
        %parallel_loop3A_1407 = vector.shape_cast %parallel_loop3A_1406 : vector<1x16xf32> to vector<16xf32>
        %parallel_loop3A_1408 = arith.addf %parallel_loop3A_1402, %parallel_loop3A_1407 : vector<16xf32>
        %parallel_loop3A_1409 = arith.constant 10 : i32
        %parallel_loop3A_1410 = arith.index_cast %parallel_loop3A_1409 : i32 to index
        %parallel_loop3A_1411 = arith.index_cast %parallel_loop3A_1349 : i32 to index
        %parallel_loop3A_1412 = tpu.vector_load %arg7[%parallel_loop3A_1410, %parallel_loop3A_1411] {strides = array<i32>} : memref<16x1024xf32, #tpu.memory_space<vmem>>, vector<1x16xf32>,
        %parallel_loop3A_1413 = vector.shape_cast %parallel_loop3A_1412 : vector<1x16xf32> to vector<16xf32>
        %parallel_loop3A_1414 = arith.addf %parallel_loop3A_1408, %parallel_loop3A_1413 : vector<16xf32>
        %parallel_loop3A_1415 = arith.constant 11 : i32
        %parallel_loop3A_1416 = arith.index_cast %parallel_loop3A_1415 : i32 to index
        %parallel_loop3A_1417 = arith.index_cast %parallel_loop3A_1349 : i32 to index
        %parallel_loop3A_1418 = tpu.vector_load %arg7[%parallel_loop3A_1416, %parallel_loop3A_1417] {strides = array<i32>} : memref<16x1024xf32, #tpu.memory_space<vmem>>, vector<1x16xf32>,
        %parallel_loop3A_1419 = vector.shape_cast %parallel_loop3A_1418 : vector<1x16xf32> to vector<16xf32>
        %parallel_loop3A_1420 = arith.addf %parallel_loop3A_1414, %parallel_loop3A_1419 : vector<16xf32>
        %parallel_loop3A_1421 = arith.constant 12 : i32
        %parallel_loop3A_1422 = arith.index_cast %parallel_loop3A_1421 : i32 to index
        %parallel_loop3A_1423 = arith.index_cast %parallel_loop3A_1349 : i32 to index
        %parallel_loop3A_1424 = tpu.vector_load %arg7[%parallel_loop3A_1422, %parallel_loop3A_1423] {strides = array<i32>} : memref<16x1024xf32, #tpu.memory_space<vmem>>, vector<1x16xf32>,
        %parallel_loop3A_1425 = vector.shape_cast %parallel_loop3A_1424 : vector<1x16xf32> to vector<16xf32>
        %parallel_loop3A_1426 = arith.addf %parallel_loop3A_1420, %parallel_loop3A_1425 : vector<16xf32>
        %parallel_loop3A_1427 = arith.constant 13 : i32
        %parallel_loop3A_1428 = arith.index_cast %parallel_loop3A_1427 : i32 to index
        %parallel_loop3A_1429 = arith.index_cast %parallel_loop3A_1349 : i32 to index
        %parallel_loop3A_1430 = tpu.vector_load %arg7[%parallel_loop3A_1428, %parallel_loop3A_1429] {strides = array<i32>} : memref<16x1024xf32, #tpu.memory_space<vmem>>, vector<1x16xf32>,
        %parallel_loop3A_1431 = vector.shape_cast %parallel_loop3A_1430 : vector<1x16xf32> to vector<16xf32>
        %parallel_loop3A_1432 = arith.addf %parallel_loop3A_1426, %parallel_loop3A_1431 : vector<16xf32>
        %parallel_loop3A_1433 = arith.constant 14 : i32
        %parallel_loop3A_1434 = arith.index_cast %parallel_loop3A_1433 : i32 to index
        %parallel_loop3A_1435 = arith.index_cast %parallel_loop3A_1349 : i32 to index
        %parallel_loop3A_1436 = tpu.vector_load %arg7[%parallel_loop3A_1434, %parallel_loop3A_1435] {strides = array<i32>} : memref<16x1024xf32, #tpu.memory_space<vmem>>, vector<1x16xf32>,
        %parallel_loop3A_1437 = vector.shape_cast %parallel_loop3A_1436 : vector<1x16xf32> to vector<16xf32>
        %parallel_loop3A_1438 = arith.addf %parallel_loop3A_1432, %parallel_loop3A_1437 : vector<16xf32>
        %parallel_loop3A_1439 = arith.constant 15 : i32
        %parallel_loop3A_1440 = arith.index_cast %parallel_loop3A_1439 : i32 to index
        %parallel_loop3A_1441 = arith.index_cast %parallel_loop3A_1349 : i32 to index
        %parallel_loop3A_1442 = tpu.vector_load %arg7[%parallel_loop3A_1440, %parallel_loop3A_1441] {strides = array<i32>} : memref<16x1024xf32, #tpu.memory_space<vmem>>, vector<1x16xf32>,
        %parallel_loop3A_1443 = vector.shape_cast %parallel_loop3A_1442 : vector<1x16xf32> to vector<16xf32>
        %parallel_loop3A_1444 = arith.addf %parallel_loop3A_1438, %parallel_loop3A_1443 : vector<16xf32>
        %parallel_loop3A_1445 = arith.index_cast %parallel_loop3A_1349 : i32 to index
        %parallel_loop3A_1446 = tpu.vector_load %arg10[%parallel_loop3A_1445] {strides = array<i32>} : memref<1024xf32, #tpu.memory_space<vmem>>, vector<16xf32>,
        %parallel_loop3A_1447 = vector.shape_cast %parallel_loop3A_1446 : vector<16xf32> to vector<16xf32>
        %parallel_loop3A_1448 = arith.addf %parallel_loop3A_1447, %parallel_loop3A_1444 : vector<16xf32>
        %parallel_loop3A_1449 = arith.index_cast %parallel_loop3A_1349 : i32 to index
        %parallel_loop3A_1450 = tpu.vector_load %arg10[%parallel_loop3A_1449] {strides = array<i32>} : memref<1024xf32, #tpu.memory_space<vmem>>, vector<16xf32>,
        %parallel_loop3A_1451 = vector.shape_cast %parallel_loop3A_1450 : vector<16xf32> to vector<16xf32>
        %parallel_loop3A_1452 = vector.shape_cast %parallel_loop3A_1448 : vector<16xf32> to vector<16xf32>
        tpu.vector_store %arg10[%parallel_loop3A_1449], %parallel_loop3A_1452 {strides = array<i32>} : memref<1024xf32, #tpu.memory_space<vmem>>, vector<16xf32>,
      } {sc.loop_unroll_factor = 1 : i64, sc.parallel_access}
      %add3A_1298 = arith.constant 4 : i32
      %add3A_1299 = arith.addi %add3A_1287, %add3A_1298 : i32
      %lt3A_1300 = arith.constant 64 : i32
      %lt3A_1301 = arith.cmpi slt, %add3A_1299, %lt3A_1300 : i32
      %convert_element_type3A_1302 = arith.extui %lt3A_1301 : i1 to i32
      %cond3A_1303 = arith.constant 0 : i32
      %cond3A_1304 = arith.cmpi ne, %convert_element_type3A_1302, %cond3A_1303 : i32
      scf.if %cond3A_1304 {
        %add3A_1347 = arith.constant 4 : i32
        %add3A_1348 = arith.addi %add3A_1287, %add3A_1347 : i32
        %dma_start3A_1349 = arith.constant 0 : i32
        %dma_start3A_1350 = tpu.memref_slice %arg5[%add3A_1348, %dma_start3A_1349] : memref<64x16xi32, #tpu.memory_space<vmem>> -> memref<1x16xi32, #tpu.memory_space<vmem>>
        %dma_start3A_1351 = tpu.memref_squeeze %dma_start3A_1350 : memref<1x16xi32, #tpu.memory_space<vmem>> -> memref<16xi32, #tpu.memory_space<vmem>>
        %dma_start3A_1352 = arith.constant 0 : i32
        %dma_start3A_1353 = arith.constant 0 : i32
        %dma_start3A_1354 = tpu.memref_slice %arg3[%dma_start3A_1352, %dma_start3A_1353] : memref<65536x1024xf32, #tpu.memory_space<hbm>> -> memref<65536x1024xf32, #tpu.memory_space<hbm>>
        tpu.enqueue_indirect_dma source(%dma_start3A_1354 : memref<65536x1024xf32, #tpu.memory_space<hbm>>) target(%arg7 : memref<16x1024xf32, #tpu.memory_space<vmem>>) offsets(%dma_start3A_1351 : memref<16xi32, #tpu.memory_space<vmem>>) semaphore(%arg12 : memref<!tpu.dma_semaphore, #tpu.memory_space<semaphore_mem>>)
      } else {
      }
      %mul3A_1305 = arith.constant 4 : i32
      %mul3A_1306 = arith.muli %add3A_1267, %mul3A_1305 : i32
      %add3A_1307 = arith.constant 2 : i32
      %add3A_1308 = arith.addi %mul3A_1306, %add3A_1307 : i32
      %dma_wait3A_1309 = arith.constant 2 : i32
      %dma_wait3A_1310 = arith.constant 0 : i32
      %dma_wait3A_1311 = tpu.memref_slice %arg5[%dma_wait3A_1309, %dma_wait3A_1310] : memref<64x16xi32, #tpu.memory_space<vmem>> -> memref<1x16xi32, #tpu.memory_space<vmem>>
      %dma_wait3A_1312 = tpu.memref_squeeze %dma_wait3A_1311 : memref<1x16xi32, #tpu.memory_space<vmem>> -> memref<16xi32, #tpu.memory_space<vmem>>
      %dma_wait3A_1313 = arith.constant 0 : i32
      %dma_wait3A_1314 = arith.constant 0 : i32
      %dma_wait3A_1315 = tpu.memref_slice %arg3[%dma_wait3A_1313, %dma_wait3A_1314] : memref<65536x1024xf32, #tpu.memory_space<hbm>> -> memref<65536x1024xf32, #tpu.memory_space<hbm>>
      tpu.wait_indirect_dma semaphore(%arg13 : memref<!tpu.dma_semaphore, #tpu.memory_space<semaphore_mem>>) src(%dma_wait3A_1315 : memref<65536x1024xf32, #tpu.memory_space<hbm>>) dst(%arg8 : memref<16x1024xf32, #tpu.memory_space<vmem>>)
      %parallel_loop3A_1316 = arith.constant 0 : i32
      %parallel_loop3A_1317 = arith.constant 64 : i32
      %parallel_loop3A_1318 = arith.constant 1 : i32
      scf.for %parallel_loop3A_1347 = %parallel_loop3A_1316 to %parallel_loop3A_1317 step %parallel_loop3A_1318  : i32 {
        %parallel_loop3A_1348 = arith.constant 16 : i32
        %parallel_loop3A_1349 = arith.muli %parallel_loop3A_1347, %parallel_loop3A_1348 : i32
        %parallel_loop3A_1350 = arith.constant 0 : i32
        %parallel_loop3A_1351 = arith.index_cast %parallel_loop3A_1350 : i32 to index
        %parallel_loop3A_1352 = arith.index_cast %parallel_loop3A_1349 : i32 to index
        %parallel_loop3A_1353 = tpu.vector_load %arg8[%parallel_loop3A_1351, %parallel_loop3A_1352] {strides = array<i32>} : memref<16x1024xf32, #tpu.memory_space<vmem>>, vector<1x16xf32>,
        %parallel_loop3A_1354 = vector.shape_cast %parallel_loop3A_1353 : vector<1x16xf32> to vector<16xf32>
        %parallel_loop3A_1355 = arith.constant 1 : i32
        %parallel_loop3A_1356 = arith.index_cast %parallel_loop3A_1355 : i32 to index
        %parallel_loop3A_1357 = arith.index_cast %parallel_loop3A_1349 : i32 to index
        %parallel_loop3A_1358 = tpu.vector_load %arg8[%parallel_loop3A_1356, %parallel_loop3A_1357] {strides = array<i32>} : memref<16x1024xf32, #tpu.memory_space<vmem>>, vector<1x16xf32>,
        %parallel_loop3A_1359 = vector.shape_cast %parallel_loop3A_1358 : vector<1x16xf32> to vector<16xf32>
        %parallel_loop3A_1360 = arith.addf %parallel_loop3A_1354, %parallel_loop3A_1359 : vector<16xf32>
        %parallel_loop3A_1361 = arith.constant 2 : i32
        %parallel_loop3A_1362 = arith.index_cast %parallel_loop3A_1361 : i32 to index
        %parallel_loop3A_1363 = arith.index_cast %parallel_loop3A_1349 : i32 to index
        %parallel_loop3A_1364 = tpu.vector_load %arg8[%parallel_loop3A_1362, %parallel_loop3A_1363] {strides = array<i32>} : memref<16x1024xf32, #tpu.memory_space<vmem>>, vector<1x16xf32>,
        %parallel_loop3A_1365 = vector.shape_cast %parallel_loop3A_1364 : vector<1x16xf32> to vector<16xf32>
        %parallel_loop3A_1366 = arith.addf %parallel_loop3A_1360, %parallel_loop3A_1365 : vector<16xf32>
        %parallel_loop3A_1367 = arith.constant 3 : i32
        %parallel_loop3A_1368 = arith.index_cast %parallel_loop3A_1367 : i32 to index
        %parallel_loop3A_1369 = arith.index_cast %parallel_loop3A_1349 : i32 to index
        %parallel_loop3A_1370 = tpu.vector_load %arg8[%parallel_loop3A_1368, %parallel_loop3A_1369] {strides = array<i32>} : memref<16x1024xf32, #tpu.memory_space<vmem>>, vector<1x16xf32>,
        %parallel_loop3A_1371 = vector.shape_cast %parallel_loop3A_1370 : vector<1x16xf32> to vector<16xf32>
        %parallel_loop3A_1372 = arith.addf %parallel_loop3A_1366, %parallel_loop3A_1371 : vector<16xf32>
        %parallel_loop3A_1373 = arith.constant 4 : i32
        %parallel_loop3A_1374 = arith.index_cast %parallel_loop3A_1373 : i32 to index
        %parallel_loop3A_1375 = arith.index_cast %parallel_loop3A_1349 : i32 to index
        %parallel_loop3A_1376 = tpu.vector_load %arg8[%parallel_loop3A_1374, %parallel_loop3A_1375] {strides = array<i32>} : memref<16x1024xf32, #tpu.memory_space<vmem>>, vector<1x16xf32>,
        %parallel_loop3A_1377 = vector.shape_cast %parallel_loop3A_1376 : vector<1x16xf32> to vector<16xf32>
        %parallel_loop3A_1378 = arith.addf %parallel_loop3A_1372, %parallel_loop3A_1377 : vector<16xf32>
        %parallel_loop3A_1379 = arith.constant 5 : i32
        %parallel_loop3A_1380 = arith.index_cast %parallel_loop3A_1379 : i32 to index
        %parallel_loop3A_1381 = arith.index_cast %parallel_loop3A_1349 : i32 to index
        %parallel_loop3A_1382 = tpu.vector_load %arg8[%parallel_loop3A_1380, %parallel_loop3A_1381] {strides = array<i32>} : memref<16x1024xf32, #tpu.memory_space<vmem>>, vector<1x16xf32>,
        %parallel_loop3A_1383 = vector.shape_cast %parallel_loop3A_1382 : vector<1x16xf32> to vector<16xf32>
        %parallel_loop3A_1384 = arith.addf %parallel_loop3A_1378, %parallel_loop3A_1383 : vector<16xf32>
        %parallel_loop3A_1385 = arith.constant 6 : i32
        %parallel_loop3A_1386 = arith.index_cast %parallel_loop3A_1385 : i32 to index
        %parallel_loop3A_1387 = arith.index_cast %parallel_loop3A_1349 : i32 to index
        %parallel_loop3A_1388 = tpu.vector_load %arg8[%parallel_loop3A_1386, %parallel_loop3A_1387] {strides = array<i32>} : memref<16x1024xf32, #tpu.memory_space<vmem>>, vector<1x16xf32>,
        %parallel_loop3A_1389 = vector.shape_cast %parallel_loop3A_1388 : vector<1x16xf32> to vector<16xf32>
        %parallel_loop3A_1390 = arith.addf %parallel_loop3A_1384, %parallel_loop3A_1389 : vector<16xf32>
        %parallel_loop3A_1391 = arith.constant 7 : i32
        %parallel_loop3A_1392 = arith.index_cast %parallel_loop3A_1391 : i32 to index
        %parallel_loop3A_1393 = arith.index_cast %parallel_loop3A_1349 : i32 to index
        %parallel_loop3A_1394 = tpu.vector_load %arg8[%parallel_loop3A_1392, %parallel_loop3A_1393] {strides = array<i32>} : memref<16x1024xf32, #tpu.memory_space<vmem>>, vector<1x16xf32>,
        %parallel_loop3A_1395 = vector.shape_cast %parallel_loop3A_1394 : vector<1x16xf32> to vector<16xf32>
        %parallel_loop3A_1396 = arith.addf %parallel_loop3A_1390, %parallel_loop3A_1395 : vector<16xf32>
        %parallel_loop3A_1397 = arith.constant 8 : i32
        %parallel_loop3A_1398 = arith.index_cast %parallel_loop3A_1397 : i32 to index
        %parallel_loop3A_1399 = arith.index_cast %parallel_loop3A_1349 : i32 to index
        %parallel_loop3A_1400 = tpu.vector_load %arg8[%parallel_loop3A_1398, %parallel_loop3A_1399] {strides = array<i32>} : memref<16x1024xf32, #tpu.memory_space<vmem>>, vector<1x16xf32>,
        %parallel_loop3A_1401 = vector.shape_cast %parallel_loop3A_1400 : vector<1x16xf32> to vector<16xf32>
        %parallel_loop3A_1402 = arith.addf %parallel_loop3A_1396, %parallel_loop3A_1401 : vector<16xf32>
        %parallel_loop3A_1403 = arith.constant 9 : i32
        %parallel_loop3A_1404 = arith.index_cast %parallel_loop3A_1403 : i32 to index
        %parallel_loop3A_1405 = arith.index_cast %parallel_loop3A_1349 : i32 to index
        %parallel_loop3A_1406 = tpu.vector_load %arg8[%parallel_loop3A_1404, %parallel_loop3A_1405] {strides = array<i32>} : memref<16x1024xf32, #tpu.memory_space<vmem>>, vector<1x16xf32>,
        %parallel_loop3A_1407 = vector.shape_cast %parallel_loop3A_1406 : vector<1x16xf32> to vector<16xf32>
        %parallel_loop3A_1408 = arith.addf %parallel_loop3A_1402, %parallel_loop3A_1407 : vector<16xf32>
        %parallel_loop3A_1409 = arith.constant 10 : i32
        %parallel_loop3A_1410 = arith.index_cast %parallel_loop3A_1409 : i32 to index
        %parallel_loop3A_1411 = arith.index_cast %parallel_loop3A_1349 : i32 to index
        %parallel_loop3A_1412 = tpu.vector_load %arg8[%parallel_loop3A_1410, %parallel_loop3A_1411] {strides = array<i32>} : memref<16x1024xf32, #tpu.memory_space<vmem>>, vector<1x16xf32>,
        %parallel_loop3A_1413 = vector.shape_cast %parallel_loop3A_1412 : vector<1x16xf32> to vector<16xf32>
        %parallel_loop3A_1414 = arith.addf %parallel_loop3A_1408, %parallel_loop3A_1413 : vector<16xf32>
        %parallel_loop3A_1415 = arith.constant 11 : i32
        %parallel_loop3A_1416 = arith.index_cast %parallel_loop3A_1415 : i32 to index
        %parallel_loop3A_1417 = arith.index_cast %parallel_loop3A_1349 : i32 to index
        %parallel_loop3A_1418 = tpu.vector_load %arg8[%parallel_loop3A_1416, %parallel_loop3A_1417] {strides = array<i32>} : memref<16x1024xf32, #tpu.memory_space<vmem>>, vector<1x16xf32>,
        %parallel_loop3A_1419 = vector.shape_cast %parallel_loop3A_1418 : vector<1x16xf32> to vector<16xf32>
        %parallel_loop3A_1420 = arith.addf %parallel_loop3A_1414, %parallel_loop3A_1419 : vector<16xf32>
        %parallel_loop3A_1421 = arith.constant 12 : i32
        %parallel_loop3A_1422 = arith.index_cast %parallel_loop3A_1421 : i32 to index
        %parallel_loop3A_1423 = arith.index_cast %parallel_loop3A_1349 : i32 to index
        %parallel_loop3A_1424 = tpu.vector_load %arg8[%parallel_loop3A_1422, %parallel_loop3A_1423] {strides = array<i32>} : memref<16x1024xf32, #tpu.memory_space<vmem>>, vector<1x16xf32>,
        %parallel_loop3A_1425 = vector.shape_cast %parallel_loop3A_1424 : vector<1x16xf32> to vector<16xf32>
        %parallel_loop3A_1426 = arith.addf %parallel_loop3A_1420, %parallel_loop3A_1425 : vector<16xf32>
        %parallel_loop3A_1427 = arith.constant 13 : i32
        %parallel_loop3A_1428 = arith.index_cast %parallel_loop3A_1427 : i32 to index
        %parallel_loop3A_1429 = arith.index_cast %parallel_loop3A_1349 : i32 to index
        %parallel_loop3A_1430 = tpu.vector_load %arg8[%parallel_loop3A_1428, %parallel_loop3A_1429] {strides = array<i32>} : memref<16x1024xf32, #tpu.memory_space<vmem>>, vector<1x16xf32>,
        %parallel_loop3A_1431 = vector.shape_cast %parallel_loop3A_1430 : vector<1x16xf32> to vector<16xf32>
        %parallel_loop3A_1432 = arith.addf %parallel_loop3A_1426, %parallel_loop3A_1431 : vector<16xf32>
        %parallel_loop3A_1433 = arith.constant 14 : i32
        %parallel_loop3A_1434 = arith.index_cast %parallel_loop3A_1433 : i32 to index
        %parallel_loop3A_1435 = arith.index_cast %parallel_loop3A_1349 : i32 to index
        %parallel_loop3A_1436 = tpu.vector_load %arg8[%parallel_loop3A_1434, %parallel_loop3A_1435] {strides = array<i32>} : memref<16x1024xf32, #tpu.memory_space<vmem>>, vector<1x16xf32>,
        %parallel_loop3A_1437 = vector.shape_cast %parallel_loop3A_1436 : vector<1x16xf32> to vector<16xf32>
        %parallel_loop3A_1438 = arith.addf %parallel_loop3A_1432, %parallel_loop3A_1437 : vector<16xf32>
        %parallel_loop3A_1439 = arith.constant 15 : i32
        %parallel_loop3A_1440 = arith.index_cast %parallel_loop3A_1439 : i32 to index
        %parallel_loop3A_1441 = arith.index_cast %parallel_loop3A_1349 : i32 to index
        %parallel_loop3A_1442 = tpu.vector_load %arg8[%parallel_loop3A_1440, %parallel_loop3A_1441] {strides = array<i32>} : memref<16x1024xf32, #tpu.memory_space<vmem>>, vector<1x16xf32>,
        %parallel_loop3A_1443 = vector.shape_cast %parallel_loop3A_1442 : vector<1x16xf32> to vector<16xf32>
        %parallel_loop3A_1444 = arith.addf %parallel_loop3A_1438, %parallel_loop3A_1443 : vector<16xf32>
        %parallel_loop3A_1445 = arith.index_cast %parallel_loop3A_1349 : i32 to index
        %parallel_loop3A_1446 = tpu.vector_load %arg10[%parallel_loop3A_1445] {strides = array<i32>} : memref<1024xf32, #tpu.memory_space<vmem>>, vector<16xf32>,
        %parallel_loop3A_1447 = vector.shape_cast %parallel_loop3A_1446 : vector<16xf32> to vector<16xf32>
        %parallel_loop3A_1448 = arith.addf %parallel_loop3A_1447, %parallel_loop3A_1444 : vector<16xf32>
        %parallel_loop3A_1449 = arith.index_cast %parallel_loop3A_1349 : i32 to index
        %parallel_loop3A_1450 = tpu.vector_load %arg10[%parallel_loop3A_1449] {strides = array<i32>} : memref<1024xf32, #tpu.memory_space<vmem>>, vector<16xf32>,
        %parallel_loop3A_1451 = vector.shape_cast %parallel_loop3A_1450 : vector<16xf32> to vector<16xf32>
        %parallel_loop3A_1452 = vector.shape_cast %parallel_loop3A_1448 : vector<16xf32> to vector<16xf32>
        tpu.vector_store %arg10[%parallel_loop3A_1449], %parallel_loop3A_1452 {strides = array<i32>} : memref<1024xf32, #tpu.memory_space<vmem>>, vector<16xf32>,
      } {sc.loop_unroll_factor = 1 : i64, sc.parallel_access}
      %add3A_1319 = arith.constant 4 : i32
      %add3A_1320 = arith.addi %add3A_1308, %add3A_1319 : i32
      %lt3A_1321 = arith.constant 64 : i32
      %lt3A_1322 = arith.cmpi slt, %add3A_1320, %lt3A_1321 : i32
      %convert_element_type3A_1323 = arith.extui %lt3A_1322 : i1 to i32
      %cond3A_1324 = arith.constant 0 : i32
      %cond3A_1325 = arith.cmpi ne, %convert_element_type3A_1323, %cond3A_1324 : i32
      scf.if %cond3A_1325 {
        %add3A_1347 = arith.constant 4 : i32
        %add3A_1348 = arith.addi %add3A_1308, %add3A_1347 : i32
        %dma_start3A_1349 = arith.constant 0 : i32
        %dma_start3A_1350 = tpu.memref_slice %arg5[%add3A_1348, %dma_start3A_1349] : memref<64x16xi32, #tpu.memory_space<vmem>> -> memref<1x16xi32, #tpu.memory_space<vmem>>
        %dma_start3A_1351 = tpu.memref_squeeze %dma_start3A_1350 : memref<1x16xi32, #tpu.memory_space<vmem>> -> memref<16xi32, #tpu.memory_space<vmem>>
        %dma_start3A_1352 = arith.constant 0 : i32
        %dma_start3A_1353 = arith.constant 0 : i32
        %dma_start3A_1354 = tpu.memref_slice %arg3[%dma_start3A_1352, %dma_start3A_1353] : memref<65536x1024xf32, #tpu.memory_space<hbm>> -> memref<65536x1024xf32, #tpu.memory_space<hbm>>
        tpu.enqueue_indirect_dma source(%dma_start3A_1354 : memref<65536x1024xf32, #tpu.memory_space<hbm>>) target(%arg8 : memref<16x1024xf32, #tpu.memory_space<vmem>>) offsets(%dma_start3A_1351 : memref<16xi32, #tpu.memory_space<vmem>>) semaphore(%arg13 : memref<!tpu.dma_semaphore, #tpu.memory_space<semaphore_mem>>)
      } else {
      }
      %mul3A_1326 = arith.constant 4 : i32
      %mul3A_1327 = arith.muli %add3A_1267, %mul3A_1326 : i32
      %add3A_1328 = arith.constant 3 : i32
      %add3A_1329 = arith.addi %mul3A_1327, %add3A_1328 : i32
      %dma_wait3A_1330 = arith.constant 3 : i32
      %dma_wait3A_1331 = arith.constant 0 : i32
      %dma_wait3A_1332 = tpu.memref_slice %arg5[%dma_wait3A_1330, %dma_wait3A_1331] : memref<64x16xi32, #tpu.memory_space<vmem>> -> memref<1x16xi32, #tpu.memory_space<vmem>>
      %dma_wait3A_1333 = tpu.memref_squeeze %dma_wait3A_1332 : memref<1x16xi32, #tpu.memory_space<vmem>> -> memref<16xi32, #tpu.memory_space<vmem>>
      %dma_wait3A_1334 = arith.constant 0 : i32
      %dma_wait3A_1335 = arith.constant 0 : i32
      %dma_wait3A_1336 = tpu.memref_slice %arg3[%dma_wait3A_1334, %dma_wait3A_1335] : memref<65536x1024xf32, #tpu.memory_space<hbm>> -> memref<65536x1024xf32, #tpu.memory_space<hbm>>
      tpu.wait_indirect_dma semaphore(%arg14 : memref<!tpu.dma_semaphore, #tpu.memory_space<semaphore_mem>>) src(%dma_wait3A_1336 : memref<65536x1024xf32, #tpu.memory_space<hbm>>) dst(%arg9 : memref<16x1024xf32, #tpu.memory_space<vmem>>)
      %parallel_loop3A_1337 = arith.constant 0 : i32
      %parallel_loop3A_1338 = arith.constant 64 : i32
      %parallel_loop3A_1339 = arith.constant 1 : i32
      scf.for %parallel_loop3A_1347 = %parallel_loop3A_1337 to %parallel_loop3A_1338 step %parallel_loop3A_1339  : i32 {
        %parallel_loop3A_1348 = arith.constant 16 : i32
        %parallel_loop3A_1349 = arith.muli %parallel_loop3A_1347, %parallel_loop3A_1348 : i32
        %parallel_loop3A_1350 = arith.constant 0 : i32
        %parallel_loop3A_1351 = arith.index_cast %parallel_loop3A_1350 : i32 to index
        %parallel_loop3A_1352 = arith.index_cast %parallel_loop3A_1349 : i32 to index
        %parallel_loop3A_1353 = tpu.vector_load %arg9[%parallel_loop3A_1351, %parallel_loop3A_1352] {strides = array<i32>} : memref<16x1024xf32, #tpu.memory_space<vmem>>, vector<1x16xf32>,
        %parallel_loop3A_1354 = vector.shape_cast %parallel_loop3A_1353 : vector<1x16xf32> to vector<16xf32>
        %parallel_loop3A_1355 = arith.constant 1 : i32
        %parallel_loop3A_1356 = arith.index_cast %parallel_loop3A_1355 : i32 to index
        %parallel_loop3A_1357 = arith.index_cast %parallel_loop3A_1349 : i32 to index
        %parallel_loop3A_1358 = tpu.vector_load %arg9[%parallel_loop3A_1356, %parallel_loop3A_1357] {strides = array<i32>} : memref<16x1024xf32, #tpu.memory_space<vmem>>, vector<1x16xf32>,
        %parallel_loop3A_1359 = vector.shape_cast %parallel_loop3A_1358 : vector<1x16xf32> to vector<16xf32>
        %parallel_loop3A_1360 = arith.addf %parallel_loop3A_1354, %parallel_loop3A_1359 : vector<16xf32>
        %parallel_loop3A_1361 = arith.constant 2 : i32
        %parallel_loop3A_1362 = arith.index_cast %parallel_loop3A_1361 : i32 to index
        %parallel_loop3A_1363 = arith.index_cast %parallel_loop3A_1349 : i32 to index
        %parallel_loop3A_1364 = tpu.vector_load %arg9[%parallel_loop3A_1362, %parallel_loop3A_1363] {strides = array<i32>} : memref<16x1024xf32, #tpu.memory_space<vmem>>, vector<1x16xf32>,
        %parallel_loop3A_1365 = vector.shape_cast %parallel_loop3A_1364 : vector<1x16xf32> to vector<16xf32>
        %parallel_loop3A_1366 = arith.addf %parallel_loop3A_1360, %parallel_loop3A_1365 : vector<16xf32>
        %parallel_loop3A_1367 = arith.constant 3 : i32
        %parallel_loop3A_1368 = arith.index_cast %parallel_loop3A_1367 : i32 to index
        %parallel_loop3A_1369 = arith.index_cast %parallel_loop3A_1349 : i32 to index
        %parallel_loop3A_1370 = tpu.vector_load %arg9[%parallel_loop3A_1368, %parallel_loop3A_1369] {strides = array<i32>} : memref<16x1024xf32, #tpu.memory_space<vmem>>, vector<1x16xf32>,
        %parallel_loop3A_1371 = vector.shape_cast %parallel_loop3A_1370 : vector<1x16xf32> to vector<16xf32>
        %parallel_loop3A_1372 = arith.addf %parallel_loop3A_1366, %parallel_loop3A_1371 : vector<16xf32>
        %parallel_loop3A_1373 = arith.constant 4 : i32
        %parallel_loop3A_1374 = arith.index_cast %parallel_loop3A_1373 : i32 to index
        %parallel_loop3A_1375 = arith.index_cast %parallel_loop3A_1349 : i32 to index
        %parallel_loop3A_1376 = tpu.vector_load %arg9[%parallel_loop3A_1374, %parallel_loop3A_1375] {strides = array<i32>} : memref<16x1024xf32, #tpu.memory_space<vmem>>, vector<1x16xf32>,
        %parallel_loop3A_1377 = vector.shape_cast %parallel_loop3A_1376 : vector<1x16xf32> to vector<16xf32>
        %parallel_loop3A_1378 = arith.addf %parallel_loop3A_1372, %parallel_loop3A_1377 : vector<16xf32>
        %parallel_loop3A_1379 = arith.constant 5 : i32
        %parallel_loop3A_1380 = arith.index_cast %parallel_loop3A_1379 : i32 to index
        %parallel_loop3A_1381 = arith.index_cast %parallel_loop3A_1349 : i32 to index
        %parallel_loop3A_1382 = tpu.vector_load %arg9[%parallel_loop3A_1380, %parallel_loop3A_1381] {strides = array<i32>} : memref<16x1024xf32, #tpu.memory_space<vmem>>, vector<1x16xf32>,
        %parallel_loop3A_1383 = vector.shape_cast %parallel_loop3A_1382 : vector<1x16xf32> to vector<16xf32>
        %parallel_loop3A_1384 = arith.addf %parallel_loop3A_1378, %parallel_loop3A_1383 : vector<16xf32>
        %parallel_loop3A_1385 = arith.constant 6 : i32
        %parallel_loop3A_1386 = arith.index_cast %parallel_loop3A_1385 : i32 to index
        %parallel_loop3A_1387 = arith.index_cast %parallel_loop3A_1349 : i32 to index
        %parallel_loop3A_1388 = tpu.vector_load %arg9[%parallel_loop3A_1386, %parallel_loop3A_1387] {strides = array<i32>} : memref<16x1024xf32, #tpu.memory_space<vmem>>, vector<1x16xf32>,
        %parallel_loop3A_1389 = vector.shape_cast %parallel_loop3A_1388 : vector<1x16xf32> to vector<16xf32>
        %parallel_loop3A_1390 = arith.addf %parallel_loop3A_1384, %parallel_loop3A_1389 : vector<16xf32>
        %parallel_loop3A_1391 = arith.constant 7 : i32
        %parallel_loop3A_1392 = arith.index_cast %parallel_loop3A_1391 : i32 to index
        %parallel_loop3A_1393 = arith.index_cast %parallel_loop3A_1349 : i32 to index
        %parallel_loop3A_1394 = tpu.vector_load %arg9[%parallel_loop3A_1392, %parallel_loop3A_1393] {strides = array<i32>} : memref<16x1024xf32, #tpu.memory_space<vmem>>, vector<1x16xf32>,
        %parallel_loop3A_1395 = vector.shape_cast %parallel_loop3A_1394 : vector<1x16xf32> to vector<16xf32>
        %parallel_loop3A_1396 = arith.addf %parallel_loop3A_1390, %parallel_loop3A_1395 : vector<16xf32>
        %parallel_loop3A_1397 = arith.constant 8 : i32
        %parallel_loop3A_1398 = arith.index_cast %parallel_loop3A_1397 : i32 to index
        %parallel_loop3A_1399 = arith.index_cast %parallel_loop3A_1349 : i32 to index
        %parallel_loop3A_1400 = tpu.vector_load %arg9[%parallel_loop3A_1398, %parallel_loop3A_1399] {strides = array<i32>} : memref<16x1024xf32, #tpu.memory_space<vmem>>, vector<1x16xf32>,
        %parallel_loop3A_1401 = vector.shape_cast %parallel_loop3A_1400 : vector<1x16xf32> to vector<16xf32>
        %parallel_loop3A_1402 = arith.addf %parallel_loop3A_1396, %parallel_loop3A_1401 : vector<16xf32>
        %parallel_loop3A_1403 = arith.constant 9 : i32
        %parallel_loop3A_1404 = arith.index_cast %parallel_loop3A_1403 : i32 to index
        %parallel_loop3A_1405 = arith.index_cast %parallel_loop3A_1349 : i32 to index
        %parallel_loop3A_1406 = tpu.vector_load %arg9[%parallel_loop3A_1404, %parallel_loop3A_1405] {strides = array<i32>} : memref<16x1024xf32, #tpu.memory_space<vmem>>, vector<1x16xf32>,
        %parallel_loop3A_1407 = vector.shape_cast %parallel_loop3A_1406 : vector<1x16xf32> to vector<16xf32>
        %parallel_loop3A_1408 = arith.addf %parallel_loop3A_1402, %parallel_loop3A_1407 : vector<16xf32>
        %parallel_loop3A_1409 = arith.constant 10 : i32
        %parallel_loop3A_1410 = arith.index_cast %parallel_loop3A_1409 : i32 to index
        %parallel_loop3A_1411 = arith.index_cast %parallel_loop3A_1349 : i32 to index
        %parallel_loop3A_1412 = tpu.vector_load %arg9[%parallel_loop3A_1410, %parallel_loop3A_1411] {strides = array<i32>} : memref<16x1024xf32, #tpu.memory_space<vmem>>, vector<1x16xf32>,
        %parallel_loop3A_1413 = vector.shape_cast %parallel_loop3A_1412 : vector<1x16xf32> to vector<16xf32>
        %parallel_loop3A_1414 = arith.addf %parallel_loop3A_1408, %parallel_loop3A_1413 : vector<16xf32>
        %parallel_loop3A_1415 = arith.constant 11 : i32
        %parallel_loop3A_1416 = arith.index_cast %parallel_loop3A_1415 : i32 to index
        %parallel_loop3A_1417 = arith.index_cast %parallel_loop3A_1349 : i32 to index
        %parallel_loop3A_1418 = tpu.vector_load %arg9[%parallel_loop3A_1416, %parallel_loop3A_1417] {strides = array<i32>} : memref<16x1024xf32, #tpu.memory_space<vmem>>, vector<1x16xf32>,
        %parallel_loop3A_1419 = vector.shape_cast %parallel_loop3A_1418 : vector<1x16xf32> to vector<16xf32>
        %parallel_loop3A_1420 = arith.addf %parallel_loop3A_1414, %parallel_loop3A_1419 : vector<16xf32>
        %parallel_loop3A_1421 = arith.constant 12 : i32
        %parallel_loop3A_1422 = arith.index_cast %parallel_loop3A_1421 : i32 to index
        %parallel_loop3A_1423 = arith.index_cast %parallel_loop3A_1349 : i32 to index
        %parallel_loop3A_1424 = tpu.vector_load %arg9[%parallel_loop3A_1422, %parallel_loop3A_1423] {strides = array<i32>} : memref<16x1024xf32, #tpu.memory_space<vmem>>, vector<1x16xf32>,
        %parallel_loop3A_1425 = vector.shape_cast %parallel_loop3A_1424 : vector<1x16xf32> to vector<16xf32>
        %parallel_loop3A_1426 = arith.addf %parallel_loop3A_1420, %parallel_loop3A_1425 : vector<16xf32>
        %parallel_loop3A_1427 = arith.constant 13 : i32
        %parallel_loop3A_1428 = arith.index_cast %parallel_loop3A_1427 : i32 to index
        %parallel_loop3A_1429 = arith.index_cast %parallel_loop3A_1349 : i32 to index
        %parallel_loop3A_1430 = tpu.vector_load %arg9[%parallel_loop3A_1428, %parallel_loop3A_1429] {strides = array<i32>} : memref<16x1024xf32, #tpu.memory_space<vmem>>, vector<1x16xf32>,
        %parallel_loop3A_1431 = vector.shape_cast %parallel_loop3A_1430 : vector<1x16xf32> to vector<16xf32>
        %parallel_loop3A_1432 = arith.addf %parallel_loop3A_1426, %parallel_loop3A_1431 : vector<16xf32>
        %parallel_loop3A_1433 = arith.constant 14 : i32
        %parallel_loop3A_1434 = arith.index_cast %parallel_loop3A_1433 : i32 to index
        %parallel_loop3A_1435 = arith.index_cast %parallel_loop3A_1349 : i32 to index
        %parallel_loop3A_1436 = tpu.vector_load %arg9[%parallel_loop3A_1434, %parallel_loop3A_1435] {strides = array<i32>} : memref<16x1024xf32, #tpu.memory_space<vmem>>, vector<1x16xf32>,
        %parallel_loop3A_1437 = vector.shape_cast %parallel_loop3A_1436 : vector<1x16xf32> to vector<16xf32>
        %parallel_loop3A_1438 = arith.addf %parallel_loop3A_1432, %parallel_loop3A_1437 : vector<16xf32>
        %parallel_loop3A_1439 = arith.constant 15 : i32
        %parallel_loop3A_1440 = arith.index_cast %parallel_loop3A_1439 : i32 to index
        %parallel_loop3A_1441 = arith.index_cast %parallel_loop3A_1349 : i32 to index
        %parallel_loop3A_1442 = tpu.vector_load %arg9[%parallel_loop3A_1440, %parallel_loop3A_1441] {strides = array<i32>} : memref<16x1024xf32, #tpu.memory_space<vmem>>, vector<1x16xf32>,
        %parallel_loop3A_1443 = vector.shape_cast %parallel_loop3A_1442 : vector<1x16xf32> to vector<16xf32>
        %parallel_loop3A_1444 = arith.addf %parallel_loop3A_1438, %parallel_loop3A_1443 : vector<16xf32>
        %parallel_loop3A_1445 = arith.index_cast %parallel_loop3A_1349 : i32 to index
        %parallel_loop3A_1446 = tpu.vector_load %arg10[%parallel_loop3A_1445] {strides = array<i32>} : memref<1024xf32, #tpu.memory_space<vmem>>, vector<16xf32>,
        %parallel_loop3A_1447 = vector.shape_cast %parallel_loop3A_1446 : vector<16xf32> to vector<16xf32>
        %parallel_loop3A_1448 = arith.addf %parallel_loop3A_1447, %parallel_loop3A_1444 : vector<16xf32>
        %parallel_loop3A_1449 = arith.index_cast %parallel_loop3A_1349 : i32 to index
        %parallel_loop3A_1450 = tpu.vector_load %arg10[%parallel_loop3A_1449] {strides = array<i32>} : memref<1024xf32, #tpu.memory_space<vmem>>, vector<16xf32>,
        %parallel_loop3A_1451 = vector.shape_cast %parallel_loop3A_1450 : vector<16xf32> to vector<16xf32>
        %parallel_loop3A_1452 = vector.shape_cast %parallel_loop3A_1448 : vector<16xf32> to vector<16xf32>
        tpu.vector_store %arg10[%parallel_loop3A_1449], %parallel_loop3A_1452 {strides = array<i32>} : memref<1024xf32, #tpu.memory_space<vmem>>, vector<16xf32>,
      } {sc.loop_unroll_factor = 1 : i64, sc.parallel_access}
      %add3A_1340 = arith.constant 4 : i32
      %add3A_1341 = arith.addi %add3A_1329, %add3A_1340 : i32
      %lt3A_1342 = arith.constant 64 : i32
      %lt3A_1343 = arith.cmpi slt, %add3A_1341, %lt3A_1342 : i32
      %convert_element_type3A_1344 = arith.extui %lt3A_1343 : i1 to i32
      %cond3A_1345 = arith.constant 0 : i32
      %cond3A_1346 = arith.cmpi ne, %convert_element_type3A_1344, %cond3A_1345 : i32
      scf.if %cond3A_1346 {
        %add3A_1347 = arith.constant 4 : i32
        %add3A_1348 = arith.addi %add3A_1329, %add3A_1347 : i32
        %dma_start3A_1349 = arith.constant 0 : i32
        %dma_start3A_1350 = tpu.memref_slice %arg5[%add3A_1348, %dma_start3A_1349] : memref<64x16xi32, #tpu.memory_space<vmem>> -> memref<1x16xi32, #tpu.memory_space<vmem>>
        %dma_start3A_1351 = tpu.memref_squeeze %dma_start3A_1350 : memref<1x16xi32, #tpu.memory_space<vmem>> -> memref<16xi32, #tpu.memory_space<vmem>>
        %dma_start3A_1352 = arith.constant 0 : i32
        %dma_start3A_1353 = arith.constant 0 : i32
        %dma_start3A_1354 = tpu.memref_slice %arg3[%dma_start3A_1352, %dma_start3A_1353] : memref<65536x1024xf32, #tpu.memory_space<hbm>> -> memref<65536x1024xf32, #tpu.memory_space<hbm>>
        tpu.enqueue_indirect_dma source(%dma_start3A_1354 : memref<65536x1024xf32, #tpu.memory_space<hbm>>) target(%arg9 : memref<16x1024xf32, #tpu.memory_space<vmem>>) offsets(%dma_start3A_1351 : memref<16xi32, #tpu.memory_space<vmem>>) semaphore(%arg14 : memref<!tpu.dma_semaphore, #tpu.memory_space<semaphore_mem>>)
      } else {
      }
    }
    %scan3A_1262 = arith.constant 16 : i32
    "tpu.region"() ({
      %run_scoped3A = tpu.sem_alloc : memref<!tpu.dma_semaphore, #tpu.memory_space<semaphore_mem>>
      %dma_start3A_1263 = arith.constant 0 : i32
      %dma_start3A_1264 = tpu.memref_slice %arg4[%add3A, %dma_start3A_1263] : memref<32x1024xf32, #tpu.memory_space<hbm>> -> memref<1x1024xf32, #tpu.memory_space<hbm>>
      %dma_start3A_1265 = tpu.memref_squeeze %dma_start3A_1264 : memref<1x1024xf32, #tpu.memory_space<hbm>> -> memref<1024xf32, #tpu.memory_space<hbm>>
      %dma_start3A_1266 = arith.constant 0 : i32
      %dma_start3A_1267 = tpu.memref_slice %arg4[%add3A, %dma_start3A_1266] : memref<32x1024xf32, #tpu.memory_space<hbm>> -> memref<1x1024xf32, #tpu.memory_space<hbm>>
      %dma_start3A_1268 = tpu.memref_squeeze %dma_start3A_1267 : memref<1x1024xf32, #tpu.memory_space<hbm>> -> memref<1024xf32, #tpu.memory_space<hbm>>
      tpu.enqueue_dma source(%arg10 : memref<1024xf32, #tpu.memory_space<vmem>>) target(%dma_start3A_1268 : memref<1024xf32, #tpu.memory_space<hbm>>) target_semaphore(%run_scoped3A : memref<!tpu.dma_semaphore, #tpu.memory_space<semaphore_mem>>)
      %dma_wait3A = arith.constant 0 : i32
      %dma_wait3A_1269 = tpu.memref_slice %arg4[%add3A, %dma_wait3A] : memref<32x1024xf32, #tpu.memory_space<hbm>> -> memref<1x1024xf32, #tpu.memory_space<hbm>>
      %dma_wait3A_1270 = tpu.memref_squeeze %dma_wait3A_1269 : memref<1x1024xf32, #tpu.memory_space<hbm>> -> memref<1024xf32, #tpu.memory_space<hbm>>
      %dma_wait3A_1271 = arith.constant 0 : i32
      %dma_wait3A_1272 = tpu.memref_slice %arg4[%add3A, %dma_wait3A_1271] : memref<32x1024xf32, #tpu.memory_space<hbm>> -> memref<1x1024xf32, #tpu.memory_space<hbm>>
      %dma_wait3A_1273 = tpu.memref_squeeze %dma_wait3A_1272 : memref<1x1024xf32, #tpu.memory_space<hbm>> -> memref<1024xf32, #tpu.memory_space<hbm>>
      tpu.wait_dma2 semaphore(%run_scoped3A : memref<!tpu.dma_semaphore, #tpu.memory_space<semaphore_mem>>) src(%arg10 : memref<1024xf32, #tpu.memory_space<vmem>>) dst(%dma_wait3A_1273 : memref<1024xf32, #tpu.memory_space<hbm>>)
      tpu.yield
    }) : () -> ()
    return
  }
}

module attributes {stable_mosaic.version = 14 : i64} {
  func.func @_dense_body(%arg0: memref<16x2x1024xf32, #tpu.memory_space<vmem>>, %arg1: memref<1024x1024xf32, #tpu.memory_space<vmem>>, %arg2: memref<1x1024xf32, #tpu.memory_space<vmem>>, %arg3: memref<16x1024xf32, #tpu.memory_space<vmem>>) attributes {dimension_semantics = [], scalar_prefetch = 0 : i64, scratch_operands = 0 : i64, tpu.core_type = #tpu.core_type<tc>} {
    %get3A = arith.constant 0 : index
    %get3A_0 = arith.constant 0 : index
    %get3A_1 = arith.constant 0 : index
    %get3A_2 = vector.load %arg0[%get3A, %get3A_0, %get3A_1] : memref<16x2x1024xf32, #tpu.memory_space<vmem>>, vector<16x1x1024xf32>
    %get3A_3 = vector.shape_cast %get3A_2 : vector<16x1x1024xf32> to vector<16x1024xf32>
    %get3A_4 = arith.constant 0 : index
    %get3A_5 = arith.constant 1 : index
    %get3A_6 = arith.constant 0 : index
    %get3A_7 = vector.load %arg0[%get3A_4, %get3A_5, %get3A_6] : memref<16x2x1024xf32, #tpu.memory_space<vmem>>, vector<16x1x1024xf32>
    %get3A_8 = vector.shape_cast %get3A_7 : vector<16x1x1024xf32> to vector<16x1024xf32>
    %add3A = arith.addf %get3A_3, %get3A_8 : vector<16x1024xf32>
    %mul3A = arith.constant 4.8828125E-4 : f32
    %mul3A_9 = vector.broadcast %mul3A : f32 to vector<16x1024xf32>
    %mul3A_10 = arith.mulf %add3A, %mul3A_9 : vector<16x1024xf32>
    %get3A_11 = arith.constant 0 : index
    %get3A_12 = arith.constant 0 : index
    %get3A_13 = vector.load %arg1[%get3A_11, %get3A_12] : memref<1024x1024xf32, #tpu.memory_space<vmem>>, vector<1024x1024xf32>
    %dot_general3A = arith.constant dense<0.000000e+00> : vector<16x1024xf32>
    %dot_general3A_14 = tpu.matmul %mul3A_10, %get3A_13, %dot_general3A {dimension_numbers = #tpu.dot_dimension_numbers<[1], [1], [0], [0], [0, 0, 1, 0], [], []>, transpose_lhs_hint = false} : vector<16x1024xf32>, vector<1024x1024xf32>, vector<16x1024xf32> -> vector<16x1024xf32>
    %get3A_15 = arith.constant 0 : index
    %get3A_16 = arith.constant 0 : index
    %get3A_17 = vector.load %arg2[%get3A_15, %get3A_16] : memref<1x1024xf32, #tpu.memory_space<vmem>>, vector<1x1024xf32>
    %add3A_18 = vector.broadcast %get3A_17 : vector<1x1024xf32> to vector<16x1024xf32>
    %add3A_19 = arith.addf %dot_general3A_14, %add3A_18 : vector<16x1024xf32>
    %tanh3A = math.tanh %add3A_19 : vector<16x1024xf32>
    %swap3A = arith.constant 0 : index
    %swap3A_20 = arith.constant 0 : index
    %swap3A_21 = vector.load %arg3[%swap3A, %swap3A_20] : memref<16x1024xf32, #tpu.memory_space<vmem>>, vector<16x1024xf32>
    tpu.vector_store %arg3[%swap3A, %swap3A_20], %tanh3A {strides = array<i32>} : memref<16x1024xf32, #tpu.memory_space<vmem>>, vector<16x1024xf32>,
    return
  }
}

</mosaic_0001>

<sc_bundles>
// kernel: kernel.4.cloned.1.call-start
scs
__scs_entry_jumppad:
0x0: {  	(pc) =	sbr.rel $0x88, $3  }
0x1: {  	(tag) =	ssettag $0x0;
	lr =	simm.s32 $0x1  }
0x2: {  	[smem:$0x3F9D] =	sst lr;
	_ =	strace $0xD0000000  }
0x3: {  	_ = 	snop  }
0x4: {  	_ = 	snop  }
0x5: {  	_ = 	snop  }
0x6: {  	_ = 	snop  }
0x7: {  	_ = 	snop  }
__scs_overlays_trampoline_lowered:
0x8: {  	[smem:$0x3FAC] =	sst s0  }
0x9: {  	[smem:$0x3FAD] =	sst s1  }
0xa: {  	[smem:$0x3FAE] =	sst s2  }
0xb: {  	[smem:$0x3FAF] =	sst s3  }
0xc: {  	[smem:$0x3FB0] =	sst s4  }
0xd: {  	[smem:$0x3FB1] =	sst s5  }
0xe: {  	[smem:$0x3FB2] =	sst s6  }
0xf: {  	[smem:$0x3FB3] =	sst s7  }
0x10: {  	[smem:$0x3FB4] =	sst s8  }
0x11: {  	[smem:$0x3FB5] =	sst s9;
	s0 =	simm.s32 @!p0 $0x0  }
0x12: {  	s1 =	sld [smem:$0x3F9B];
	s0 =	simm.s32 @p0 $0x1  }
0x13: {  	[smem:$0x3FB6] =	sst s0;
	s0 =	simm.s32 @!p1 $0x0  }
0x14: {  	s2 =	sld [smem:$0x3F9A];
	s0 =	simm.s32 @p1 $0x1  }
0x15: {  	[smem:$0x3FB7] =	sst s0;
	s0 =	simm.s32 @!p2 $0x0  }
0x16: {  	s3 =	sld [smem:$0x3FDB];
	s0 =	simm.s32 @p2 $0x1  }
0x17: {  	s4 =	simm.s32 $0x1BF5;
	[smem:$0x3FB9] =	sst s0  }
0x18: {  	s0 =	sld [smem:$0x3F9C];
	_ =	swait.ge [sflag:s4], $0x0  }
0x19: {  	s7 =	sld [smem:$0x3F9D]  }
0x1a: {  	s8 =	sadd.s32 $0xFFFFE003, lr  }
0x1b: {  	s9 =	sadd.s32 $0xFFFFFEF7, lr;
	s5 =	simm.s32 $0xFFFFFFFF;
	p2 =	slt.u32 s8, $0xFFFFF086  }
0x1c: {  	p1 =	slt.u32 s9, $0xF7A;
	s5 =	simm.s32 @!p2 $0x0  }
0x1d: {  	s5 =	simm.s32 @p1 $0x1;
	p0 =	seq.s32 s7, s2  }
0x1e: {  	s7 =	smul.u32 @!p0 $0xF7A, s2;
	p2 =	seq.s32 @!p0 s5, $0x0  }
0x1f: {  	s9 =	smul.u32 $0xF7A, s1;
	s8 =	simm.s32 @!p0 $0x1BF5;
	p2 =	por !p2, p0  }
0x20: {  	[sflag:s8] =	ssyncset.s32 @!p0 $0xFFFFF086;
	s6 =	sadd.s32 @!p0 s3, s7;
	s7 =	simm.s32 @!p0 $0x108  }
0x21: {  	s3 =	sadd.s32 s3, s9;
	s6 =	sadd.s32 @!p0 $0x88, s6;
	s7 =	simm.s32 @p2 $0x1082  }
0x22: {  	[simem:s7], [sflag:s8] =	dma.local @!p0 [hbm:s6], $0xF7A  }
0x23: {  	s9 =	sor.u32 $0xD0000000, s2;
	s6 =	simm.s32 $0x108;
	_ =	swait.ge @!p0 [sflag:s8], $0x0  }
0x24: {  	s3 =	sadd.s32 $0x88, s3;
	s6 =	simm.s32 @!p1 $0x1082;
	[sflag:s4] =	ssyncset.s32 $0xFFFFF086  }
0x25: {  	[simem:s6], [sflag:s4] =	dma.local [hbm:s3], $0xF7A  }
0x26: {  	[smem:$0x3F9D] =	sst s1;
	(tag) =	ssettag s2;
	_ =	strace s9  }
0x27: {  	s1 =	sld [smem:$0x3FAD]  }
0x28: {  	s2 =	sld [smem:$0x3FAE]  }
0x29: {  	s4 =	sld [smem:$0x3FB0]  }
0x2a: {  	p0 =	seq.s32 s5, $0x0;
	s5 =	sld [smem:$0x3FB1]  }
0x2b: {  	s6 =	sld [smem:$0x3FB2]  }
0x2c: {  	s7 =	sld [smem:$0x3FB3]  }
0x2d: {  	s3 =	simm.s32 $0x108;
	s8 =	sld [smem:$0x3FB4]  }
0x2e: {  	s3 =	simm.s32 @!p0 $0x1082;
	s9 =	sld [smem:$0x3FB5]  }
0x2f: {  	lr =	sadd.s32 s0, s3;
	s0 =	sld [smem:$0x3FAC]  }
0x30: {  	s3 =	sld [smem:$0x3FAF]  }
0x31: {  	[smem:$0x3FB8] =	sst s10  }
0x32: {  	s10 =	sld [smem:$0x3FB6];
	_ =	sdelay $0x3  }
0x33: {  	p0 =	seq.s32 s10, $0x1;
	s10 =	sld [smem:$0x3FB8];
	_ =	sdelay $0x3  }
0x34: {  	[smem:$0x3FB8] =	sst s10  }
0x35: {  	s10 =	sld [smem:$0x3FB7];
	_ =	sdelay $0x3  }
0x36: {  	p1 =	seq.s32 s10, $0x1;
	s10 =	sld [smem:$0x3FB8];
	_ =	sdelay $0x3  }
0x37: {  	[smem:$0x3FB8] =	sst s10  }
0x38: {  	s10 =	sld [smem:$0x3FB9]  }
0x39: {  	_ = 	snop;
	(pc) =	sbr.ind lr, $3  }
0x3a: {  	_ = 	snop  }
0x3b: {  	_ = 	snop  }
0x3c: {  	p2 =	seq.s32 s10, $0x1;
	s10 =	sld [smem:$0x3FB8]  }
0x3d: {  	_ =	shalt  }
0x3e: {  	_ =	shalt  }
0x3f: {  	_ =	shalt  }
0x40: {  	_ =	shalt  }
0x41: {  	_ =	shalt  }
0x42: {  	_ =	shalt  }
0x43: {  	_ =	shalt  }
0x44: {  	_ =	shalt  }
0x45: {  	_ =	shalt  }
0x46: {  	_ =	shalt  }
0x47: {  	_ =	shalt  }
0x48: {  	_ =	shalt  }
0x49: {  	_ =	shalt  }
0x4a: {  	_ =	shalt  }
0x4b: {  	_ =	shalt  }
0x4c: {  	_ =	shalt  }
0x4d: {  	_ =	shalt  }
0x4e: {  	_ =	shalt  }
0x4f: {  	_ =	shalt  }
0x50: {  	_ =	shalt  }
0x51: {  	_ =	shalt  }
0x52: {  	_ =	shalt  }
0x53: {  	_ =	shalt  }
0x54: {  	_ =	shalt  }
0x55: {  	_ =	shalt  }
0x56: {  	_ =	shalt  }
0x57: {  	_ =	shalt  }
0x58: {  	_ =	shalt  }
0x59: {  	_ =	shalt  }
0x5a: {  	_ =	shalt  }
0x5b: {  	_ =	shalt  }
0x5c: {  	_ =	shalt  }
0x5d: {  	_ =	shalt  }
0x5e: {  	_ =	shalt  }
0x5f: {  	_ =	shalt  }
0x60: {  	_ =	shalt  }
0x61: {  	_ =	shalt  }
0x62: {  	_ =	shalt  }
0x63: {  	_ =	shalt  }
0x64: {  	_ =	shalt  }
0x65: {  	_ =	shalt  }
0x66: {  	_ =	shalt  }
0x67: {  	_ =	shalt  }
0x68: {  	_ =	shalt  }
0x69: {  	_ =	shalt  }
0x6a: {  	_ =	shalt  }
0x6b: {  	_ =	shalt  }
0x6c: {  	_ =	shalt  }
0x6d: {  	_ =	shalt  }
0x6e: {  	_ =	shalt  }
0x6f: {  	_ =	shalt  }
0x70: {  	_ =	shalt  }
0x71: {  	_ =	shalt  }
0x72: {  	_ =	shalt  }
0x73: {  	_ =	shalt  }
0x74: {  	_ =	shalt  }
0x75: {  	_ =	shalt  }
0x76: {  	_ =	shalt  }
0x77: {  	_ =	shalt  }
0x78: {  	_ =	shalt  }
0x79: {  	_ =	shalt  }
0x7a: {  	_ =	shalt  }
0x7b: {  	_ =	shalt  }
0x7c: {  	_ =	shalt  }
0x7d: {  	_ =	shalt  }
0x7e: {  	_ =	shalt  }
0x7f: {  	_ =	shalt  }
0x80: {  	_ =	shalt  }
0x81: {  	_ =	shalt  }
0x82: {  	_ =	shalt  }
0x83: {  	_ =	shalt  }
0x84: {  	_ =	shalt  }
0x85: {  	_ =	shalt  }
0x86: {  	_ =	shalt  }
0x87: {  	_ =	shalt  }
.Lfunc_end0:
.L_simem_size_0:
called_computation_lowered:
.L_overlay_start_0:
0x88: {  	s2 =	sld [smem:$0x3FD9]  }
0x89: {  	s3 =	sld [smem:$0x3FFE];
	_ =	sdelay $0x1  }
0x8a: {  	s1 =	srdreg.scid  }
0x8b: {  	s0 =	sand.u32 $0x1, s1  }
0x8c: {  	s17 =	sshll.u32 s0, $0xA;
	s2 =	sadd.s32 s3, s2  }
0x8d: {  	s2 =	sadd.s32 s2, s17  }
0x8e: {  	[smem:$0x3FC4] =	sst s2  }
0x8f: {  	_ = 	snop  }
0x90: {  	s2 =	sld [smem:$0x3FC9];
	(tm) =	ssettm $0x1  }
0x91: {  	s18 =	sld [smem:$0x3FFB];
	_ =	sdelay $0x3  }
0x92: {  	_ =	strace s18  }
0x93: {  	s3 =	sld [smem:$0x3FFC];
	_ =	sdelay $0x3  }
0x94: {  	_ =	strace s3  }
0x95: {  	s3 =	sld [smem:$0x3FFD];
	_ =	sdelay $0x3  }
0x96: {  	_ =	strace s3  }
0x97: {  	_ =	strace $0x8FFFFFFF  }
0x98: {  	s19 =	sld [smem:$0x3FDB];
	_ =	sdelay $0x1  }
0x99: {  	s4 =	simm.s32 $_scs_section_size  }
0x9a: {  	s5 =	simm.s32 $_size__tile_overlayer_lowered;
	s6 =	simm.s32 $_tile_overlayer_lowered  }
0x9b: {  	s22 =	simm.s32 $0x1BFF;
	s21 =	sshll.u32 s6, $0x1;
	s3 =	sadd.s32 s4, s19  }
0x9c: {  	s7 =	simm.s32 $0x0;
	s20 =	sshll.u32 s5, $0x1;
	s5 =	sadd.s32 s21, s3  }
0x9d: {  	[timem:s7], [sflag:s22] =	dma.local [hbm:s5], s20  }
0x9e: {  	_ =	swait.ge [sflag:s22], s20  }
0x9f: {  	s4 =	ssub.s32 $0x0, s20;
	[sflag:s22] =	ssyncset.done $0x0  }
0xa0: {  	[sflag:s22] =	ssyncadd.s32 s4;
	_ =	sdelay $0x1  }
0xa1: {  	s23 =	simm.s32 $0x1B8B  }
0xa2: {  	_ =	swait.ge [sflag:s23], $0x1  }
0xa3: {  	[sflag:s23] =	ssyncset.done $0x0  }
0xa4: {  	s25 =	simm.s32 $0x1B8E;
	s24 =	sld [smem:$0x3FFE];
	[sflag:s23] =	ssyncadd.s32 $0xFFFFFFFF  }
0xa5: {  	s26 =	simm.s32 $execute0_lowered;
	[smem:$0x3FD2] =	sst s25  }
0xa6: {  	s5 =	sshll.u32 s26, $0x1;
	_ =	strace $0x80000046;
	[dreg:$0x1] =	wrdreg $0xFFFFFFFF  }
0xa7: {  	s28 =	simm.s32 $_size_execute0_lowered;
	s3 =	sadd.s32 s3, s5;
	[dreg:$0x0] =	wrdreg $0x0  }
0xa8: {  	s5 =	sshll.u32 s28, $0x1;
	[dreg:$0x2] =	wrdreg s3  }
0xa9: {  	[dreg:$0x3] =	wrdreg s5  }
0xaa: {  	[dreg:$0x4] =	wrdreg $0xC0  }
0xab: {  	_ =	task [dreg:s7], $0x5FFFF  }
0xac: {  	[dreg:$0x1] =	wrdreg $0xFFFFFFFF  }
0xad: {  	[dreg:$0x0] =	wrdreg $0x60  }
0xae: {  	[dreg:$0x2] =	wrdreg s24  }
0xaf: {  	[dreg:$0x3] =	wrdreg s2  }
0xb0: {  	[dreg:$0x4] =	wrdreg $0x9  }
0xb1: {  	_ =	task.clear_ibuf [dreg:s7], $0x5FFFF;
	_ =	strace $0x90000046  }
0xb2: {  	s29 =	simm.s32 $0x9;
	_ =	strace $0x80000048  }
0xb3: {  	_ =	swait.ge [sflag:s29], $0x1  }
0xb4: {  	[sflag:s29] =	ssyncadd.s32 $0xFFFFFFFF  }
0xb5: {  	_ =	strace $0x90000048  }
0xb6: {  	_ =	sfence  }
0xb7: {  	s30 =	sld [smem:$0x0];
	_ =	sdelay $0x2  }
0xb8: {  	s31 =	sshll.u32 s1, $0xD;
	s1 =	sshrl.u32 s1, $0x2  }
0xb9: {  	s3 =	sand.u32 $0x4000, s31;
	s1 =	sadd.s32 s1, s30  }
0xba: {  	s0 =	sor.u32 s3, s0;
	s1 =	sshll.u32 s1, $0x11  }
0xbb: {  	s0 =	sor.u32 s1, s0  }
0xbc: {  	s0 =	sadd.s32 $0x8F2B, s0  }
0xbd: {  	[sflag:s0] =	ssyncadd.remote.s32 $0x1  }
0xbe: {  	_ =	sfence.sel $0xFFFF  }
0xbf: {  	[dreg:$0x0] =	wrdreg $0xFFFFFFFF;
	(pc) =	sbr.abs _section_cstart, $3  }
0xc0: {  	[dreg:$0x1] =	wrdreg $0xFFFFFFFF  }
0xc1: {  	_ =	task.clear_ibuf [dreg:s7], $0x2FFFF;
	_ =	strace $0x9FFFFFFF  }
0xc2: {  	(tm) =	ssettm $0x7FFFFFFF  }
0xc3: {  	_ =	shalt  }
tec
execute0_lowered:
.L_overlay_start_1:
0x0: {  	(tag) =	ssettag $0x1  }
0x1: {  	s0 =	rddreg [dreg:$0x0]  }
0x2: {  	s2 =	rddreg [dreg:$0x1]  }
0x3: {  	s1 =	srdreg.scid;
	s8 =	stileid.u32  }
0x4: {  	s3 =	simm.s32 $0x0;
	s11 =	simm.s32 $0x5;
	s15 =	simm.s32 $0xE000  }
0x5: {  	s16 =	simm.s32 $0xE800;
	s17 =	simm.s32 $0xF000;
	s18 =	simm.s32 $0xF800  }
0x6: {  	s19 =	simm.s32 $0x10000;
	s20 =	simm.s32 $0x10800;
	s21 =	simm.s32 $0x11000  }
0x7: {  	s22 =	simm.s32 $0x11800;
	s23 =	simm.s32 $0x2;
	s24 =	simm.s32 $0x3  }
0x8: {  	s25 =	simm.s32 $0x4;
	s1 =	sand.u32 $0x1, s1;
	s4 =	sshll.u32 s8, $0x1  }
0x9: {  	s30 =	simm.s32 $0x0;
	[smem:$0x7FF] =	sst s3;
	s4 =	sor.u32 s1, s4  }
0xa: {  	_ =	strace $0x80000047;
	p1 =	seq.s32 s1, $0x1;
	s1 =	ssub.s32 $0x2, s1  }
0xb: {  	s5 =	sshll.u32 s4, $0xA;
	s6 =	sshll.u32 s4, $0x7;
	p0 =	seq.s32 s4, $0x0  }
0xc: {  	s7 =	sshrl.u32 s1, $0x1;
	s6 =	sor.u32 s6, s5;
	s5 =	sadd.s32 s5, s0  }
0xd: {  	p0 =	por !p0, !p1;
	s1 =	ssub.s32 s1, s7;
	s31 =	sand.u32 $0x6380, s6  }
.Ltmp0:
0xe: {  	p0 =	por !p0, !p0;
	s6 =	simm.s32 $0x1;
	(pc) =	sbr.rel .LBB2_1-.Ltmp0, $4  }
0xf: {  	s7 =	sadd.s32 $0x200, s2;
	s5 =	sadd.s32 $0x800, s5;
	s6 =	simm.s32 @!p0 $0x0  }
0x10: {  	v4 =	vlaneseq.u32;
	v1 =	vimm.f32 $0.0e+00;
	s10 =	smax.u32 s1, $0x1;
	s4 =	sshrl.u32 s31, $0x3;
	s6 =	ssub.s32 s8, s6  }
0x11: {  	vm0 =	vmmov $0xffff;
	v2 =	vand.u32 $0x7, v4;
	v3 =	vshrl.u32 v4, $0x3;
	s0 =	sadd.s32 s4, s0;
	s4 =	simm.s32 $0x1;
	s12 =	sshll.u32 s6, $0xC  }
0x12: {  	v4 =	vor.u32 $0x8, v4;
	v3 =	vmul.u32 $0x8, v3;
	s8 =	sadd.s32 $0x300, s2;
	s6 =	sadd.s32 $0x100, s2;
	s9 =	sadd.s32 $0x8800, s0;
	v0 =	vmov s12  }
.LBB2_12:
0x13: {  	s30 =	sadd.s32 $0x1, s30  }
0x14: {  	s0 =	simm.s32 $0x80;
	p0 =	sne.s32 s30, s10  }
.Ltmp1:
0x15: {  	s1 =	simm.s32 $0x400;
	s12 =	simm.s32 $0x12000;
	(pc) =	sbr.rel @!p0 .LBB2_13-.Ltmp1, $4  }
0x16: {  	[hbm4b:s9+s0] =	stream.strided.scatter [tilespmem:s12], [sflag:$0x5], $0x400, s1, s0, $0x38;
	[tilespmem:$0x12400] =	vst v63  }
0x17: {  	_ =	swait.ge [sflag:s11], $0x400  }
0x18: {  	[sflag:s11] =	ssyncset.done $0x0  }
0x19: {  	[sflag:s11] =	ssyncadd.s32 $0xFFFFFC00  }
.LBB2_1:
0x1a: {  	[tilespmem:s3], [sflag:$0x5] =	stream.linear.gather [hbm4b:s5+s3], $0x2000, $0x38;
	[tilespmem:$0x12400] =	vst v63  }
0x1b: {  	_ =	swait.ge [sflag:s11], $0x2000  }
0x1c: {  	[sflag:s11] =	ssyncset.done $0x0  }
0x1d: {  	[sflag:s11] =	ssyncadd.s32 $0xFFFFE000  }
0x1e: {  	[tilespmem:$0x12000] =	vst v1  }
0x1f: {  	[tilespmem:$0x12010] =	vst v1  }
0x20: {  	[tilespmem:$0x12020] =	vst v1  }
0x21: {  	[tilespmem:$0x12030] =	vst v1  }
0x22: {  	[tilespmem:$0x12040] =	vst v1  }
0x23: {  	[tilespmem:$0x12050] =	vst v1  }
0x24: {  	[tilespmem:$0x12060] =	vst v1  }
0x25: {  	[tilespmem:$0x12070] =	vst v1  }
0x26: {  	[tilespmem:$0x12080] =	vst v1  }
0x27: {  	[tilespmem:$0x12090] =	vst v1  }
0x28: {  	[tilespmem:$0x120A0] =	vst v1  }
0x29: {  	[tilespmem:$0x120B0] =	vst v1  }
0x2a: {  	[tilespmem:$0x120C0] =	vst v1  }
0x2b: {  	[tilespmem:$0x120D0] =	vst v1  }
0x2c: {  	[tilespmem:$0x120E0] =	vst v1  }
0x2d: {  	[tilespmem:$0x120F0] =	vst v1  }
0x2e: {  	[tilespmem:$0x12100] =	vst v1  }
0x2f: {  	[tilespmem:$0x12110] =	vst v1  }
0x30: {  	[tilespmem:$0x12120] =	vst v1  }
0x31: {  	[tilespmem:$0x12130] =	vst v1  }
0x32: {  	[tilespmem:$0x12140] =	vst v1  }
0x33: {  	[tilespmem:$0x12150] =	vst v1  }
0x34: {  	[tilespmem:$0x12160] =	vst v1  }
0x35: {  	[tilespmem:$0x12170] =	vst v1  }
0x36: {  	[tilespmem:$0x12180] =	vst v1  }
0x37: {  	[tilespmem:$0x12190] =	vst v1  }
0x38: {  	[tilespmem:$0x121A0] =	vst v1  }
0x39: {  	[tilespmem:$0x121B0] =	vst v1  }
0x3a: {  	[tilespmem:$0x121C0] =	vst v1  }
0x3b: {  	[tilespmem:$0x121D0] =	vst v1  }
0x3c: {  	[tilespmem:$0x121E0] =	vst v1  }
0x3d: {  	[tilespmem:$0x121F0] =	vst v1  }
0x3e: {  	[tilespmem:$0x12200] =	vst v1  }
0x3f: {  	[tilespmem:$0x12210] =	vst v1  }
0x40: {  	[tilespmem:$0x12220] =	vst v1  }
0x41: {  	[tilespmem:$0x12230] =	vst v1  }
0x42: {  	[tilespmem:$0x12240] =	vst v1  }
0x43: {  	[tilespmem:$0x12250] =	vst v1  }
0x44: {  	[tilespmem:$0x12260] =	vst v1  }
0x45: {  	[tilespmem:$0x12270] =	vst v1  }
0x46: {  	[tilespmem:$0x12280] =	vst v1  }
0x47: {  	[tilespmem:$0x12290] =	vst v1  }
0x48: {  	[tilespmem:$0x122A0] =	vst v1  }
0x49: {  	[tilespmem:$0x122B0] =	vst v1  }
0x4a: {  	v5 =	vld [tilespmem:$0x0];
	[tilespmem:$0x122C0] =	vst v1  }
0x4b: {  	v6 =	vld [tilespmem:$0x80];
	[tilespmem:$0x122D0] =	vst v1  }
0x4c: {  	v7 =	vld [tilespmem:$0x100];
	[tilespmem:$0x122E0] =	vst v1  }
0x4d: {  	v8 =	vld [tilespmem:$0x180];
	[tilespmem:$0x122F0] =	vst v1  }
0x4e: {  	v9 =	vld [tilespmem:$0x200];
	[tilespmem:$0x12300] =	vst v1  }
0x4f: {  	v10 =	vld [tilespmem:$0x280];
	[tilespmem:$0x12310] =	vst v1;
	v5 =	vadd.s32 v0, v5  }
0x50: {  	[tilespmem:$0x0] =	vst v5;
	v5 =	vadd.s32 v0, v6;
	v6 =	vld [tilespmem:$0x300]  }
0x51: {  	[tilespmem:$0x80] =	vst v5;
	v5 =	vadd.s32 v0, v7;
	v7 =	vld [tilespmem:$0x380]  }
0x52: {  	v30 =	vld [tilespmem:$0x400];
	[tilespmem:$0x100] =	vst v5;
	v5 =	vadd.s32 v0, v8  }
0x53: {  	v31 =	vld [tilespmem:$0x480];
	[tilespmem:$0x180] =	vst v5;
	v5 =	vadd.s32 v0, v9  }
0x54: {  	v32 =	vld [tilespmem:$0x500];
	[tilespmem:$0x200] =	vst v5;
	v5 =	vadd.s32 v0, v10  }
0x55: {  	[tilespmem:$0x280] =	vst v5;
	v5 =	vadd.s32 v0, v6;
	v6 =	vld [tilespmem:$0x580]  }
0x56: {  	[tilespmem:$0x300] =	vst v5;
	v5 =	vadd.s32 v0, v7;
	v7 =	vld [tilespmem:$0x600]  }
0x57: {  	v33 =	vld [tilespmem:$0x680];
	[tilespmem:$0x380] =	vst v5;
	v5 =	vadd.s32 v0, v30  }
0x58: {  	v34 =	vld [tilespmem:$0x700];
	[tilespmem:$0x400] =	vst v5;
	v5 =	vadd.s32 v0, v31  }
0x59: {  	v35 =	vld [tilespmem:$0x780];
	[tilespmem:$0x480] =	vst v5;
	v5 =	vadd.s32 v0, v32  }
0x5a: {  	[tilespmem:$0x500] =	vst v5;
	v5 =	vadd.s32 v0, v6;
	v6 =	vld [tilespmem:$0x800]  }
0x5b: {  	[tilespmem:$0x580] =	vst v5;
	v5 =	vadd.s32 v0, v7;
	v7 =	vld [tilespmem:$0x880]  }
0x5c: {  	v36 =	vld [tilespmem:$0x900];
	[tilespmem:$0x600] =	vst v5;
	v5 =	vadd.s32 v0, v33  }
0x5d: {  	v37 =	vld [tilespmem:$0x980];
	[tilespmem:$0x680] =	vst v5;
	v5 =	vadd.s32 v0, v34  }
0x5e: {  	v38 =	vld [tilespmem:$0xA00];
	[tilespmem:$0x700] =	vst v5;
	v5 =	vadd.s32 v0, v35  }
0x5f: {  	[tilespmem:$0x780] =	vst v5;
	v5 =	vadd.s32 v0, v6;
	v6 =	vld [tilespmem:$0xA80]  }
0x60: {  	[tilespmem:$0x800] =	vst v5;
	v5 =	vadd.s32 v0, v7;
	v7 =	vld [tilespmem:$0xB00]  }
0x61: {  	v39 =	vld [tilespmem:$0xB80];
	[tilespmem:$0x880] =	vst v5;
	v5 =	vadd.s32 v0, v36  }
0x62: {  	v40 =	vld [tilespmem:$0xC00];
	[tilespmem:$0x900] =	vst v5;
	v5 =	vadd.s32 v0, v37  }
0x63: {  	v41 =	vld [tilespmem:$0xC80];
	[tilespmem:$0x980] =	vst v5;
	v5 =	vadd.s32 v0, v38  }
0x64: {  	[tilespmem:$0xA00] =	vst v5;
	v5 =	vadd.s32 v0, v6;
	v6 =	vld [tilespmem:$0xD00]  }
0x65: {  	[tilespmem:$0xA80] =	vst v5;
	v5 =	vadd.s32 v0, v7;
	v7 =	vld [tilespmem:$0xD80]  }
0x66: {  	v42 =	vld [tilespmem:$0xE00];
	[tilespmem:$0xB00] =	vst v5;
	v5 =	vadd.s32 v0, v39  }
0x67: {  	v43 =	vld [tilespmem:$0xE80];
	[tilespmem:$0xB80] =	vst v5;
	v5 =	vadd.s32 v0, v40  }
0x68: {  	v44 =	vld [tilespmem:$0xF00];
	[tilespmem:$0xC00] =	vst v5;
	v5 =	vadd.s32 v0, v41  }
0x69: {  	[tilespmem:$0xC80] =	vst v5;
	v5 =	vadd.s32 v0, v6;
	v6 =	vld [tilespmem:$0xF80]  }
0x6a: {  	[tilespmem:$0xD00] =	vst v5;
	v5 =	vadd.s32 v0, v7;
	v7 =	vld [tilespmem:$0x1000]  }
0x6b: {  	v45 =	vld [tilespmem:$0x1080];
	[tilespmem:$0xD80] =	vst v5;
	v5 =	vadd.s32 v0, v42  }
0x6c: {  	v46 =	vld [tilespmem:$0x1100];
	[tilespmem:$0xE00] =	vst v5;
	v5 =	vadd.s32 v0, v43  }
0x6d: {  	v47 =	vld [tilespmem:$0x1180];
	[tilespmem:$0xE80] =	vst v5;
	v5 =	vadd.s32 v0, v44  }
0x6e: {  	[tilespmem:$0xF00] =	vst v5;
	v5 =	vadd.s32 v0, v6;
	v6 =	vld [tilespmem:$0x1200]  }
0x6f: {  	[tilespmem:$0xF80] =	vst v5;
	v5 =	vadd.s32 v0, v7;
	v7 =	vld [tilespmem:$0x1280]  }
0x70: {  	v48 =	vld [tilespmem:$0x1300];
	[tilespmem:$0x1000] =	vst v5;
	v5 =	vadd.s32 v0, v45  }
0x71: {  	v49 =	vld [tilespmem:$0x1380];
	[tilespmem:$0x1080] =	vst v5;
	v5 =	vadd.s32 v0, v46  }
0x72: {  	v50 =	vld [tilespmem:$0x1400];
	[tilespmem:$0x1100] =	vst v5;
	v5 =	vadd.s32 v0, v47  }
0x73: {  	[tilespmem:$0x1180] =	vst v5;
	v5 =	vadd.s32 v0, v6;
	v6 =	vld [tilespmem:$0x1480]  }
0x74: {  	[tilespmem:$0x1200] =	vst v5;
	v5 =	vadd.s32 v0, v7;
	v7 =	vld [tilespmem:$0x1500]  }
0x75: {  	v51 =	vld [tilespmem:$0x1580];
	[tilespmem:$0x1280] =	vst v5;
	v5 =	vadd.s32 v0, v48  }
0x76: {  	v52 =	vld [tilespmem:$0x1600];
	[tilespmem:$0x1300] =	vst v5;
	v5 =	vadd.s32 v0, v49  }
0x77: {  	v53 =	vld [tilespmem:$0x1680];
	[tilespmem:$0x1380] =	vst v5;
	v5 =	vadd.s32 v0, v50  }
0x78: {  	[tilespmem:$0x1400] =	vst v5;
	v5 =	vadd.s32 v0, v6;
	v6 =	vld [tilespmem:$0x1700]  }
0x79: {  	[tilespmem:$0x1480] =	vst v5;
	v5 =	vadd.s32 v0, v7;
	v7 =	vld [tilespmem:$0x1780]  }
0x7a: {  	v54 =	vld [tilespmem:$0x1800];
	[tilespmem:$0x1500] =	vst v5;
	v5 =	vadd.s32 v0, v51  }
0x7b: {  	v55 =	vld [tilespmem:$0x1880];
	[tilespmem:$0x1580] =	vst v5;
	v5 =	vadd.s32 v0, v52  }
0x7c: {  	v56 =	vld [tilespmem:$0x1900];
	[tilespmem:$0x1600] =	vst v5;
	v5 =	vadd.s32 v0, v53  }
0x7d: {  	[tilespmem:$0x1680] =	vst v5;
	v5 =	vadd.s32 v0, v6;
	v6 =	vld [tilespmem:$0x1980]  }
0x7e: {  	[tilespmem:$0x1700] =	vst v5;
	v5 =	vadd.s32 v0, v7;
	v7 =	vld [tilespmem:$0x1A00]  }
0x7f: {  	v57 =	vld [tilespmem:$0x1A80];
	[tilespmem:$0x1780] =	vst v5;
	v5 =	vadd.s32 v0, v54  }
0x80: {  	v58 =	vld [tilespmem:$0x1B00];
	[tilespmem:$0x1800] =	vst v5;
	v5 =	vadd.s32 v0, v55  }
0x81: {  	v59 =	vld [tilespmem:$0x1B80];
	[tilespmem:$0x1880] =	vst v5;
	v5 =	vadd.s32 v0, v56  }
0x82: {  	[tilespmem:$0x1900] =	vst v5;
	v5 =	vadd.s32 v0, v6;
	v6 =	vld [tilespmem:$0x1C00]  }
0x83: {  	[tilespmem:$0x1980] =	vst v5;
	v5 =	vadd.s32 v0, v7;
	v7 =	vld [tilespmem:$0x1C80]  }
0x84: {  	v60 =	vld [tilespmem:$0x1D00];
	[tilespmem:$0x1A00] =	vst v5;
	v5 =	vadd.s32 v0, v57  }
0x85: {  	v61 =	vld [tilespmem:$0x1D80];
	[tilespmem:$0x1A80] =	vst v5;
	v5 =	vadd.s32 v0, v58  }
0x86: {  	v62 =	vld [tilespmem:$0x1E00];
	[tilespmem:$0x1B00] =	vst v5;
	v5 =	vadd.s32 v0, v59  }
0x87: {  	[tilespmem:$0x1B80] =	vst v5;
	v5 =	vadd.s32 v0, v6;
	v6 =	vld [tilespmem:$0x1E80]  }
0x88: {  	[tilespmem:$0x1C00] =	vst v5;
	v5 =	vadd.s32 v0, v7;
	v7 =	vld [tilespmem:$0x1F00]  }
0x89: {  	v63 =	vld [tilespmem:$0x1F80];
	[tilespmem:$0x1C80] =	vst v5;
	v5 =	vadd.s32 v0, v60  }
0x8a: {  	[tilespmem:$0x1D00] =	vst v5;
	v5 =	vadd.s32 v0, v61  }
0x8b: {  	[tilespmem:$0x1D80] =	vst v5;
	v5 =	vadd.s32 v0, v62  }
0x8c: {  	[tilespmem:$0x1E00] =	vst v5;
	v5 =	vadd.s32 v0, v6  }
0x8d: {  	[tilespmem:$0x1E80] =	vst v5;
	v5 =	vadd.s32 v0, v7  }
0x8e: {  	[tilespmem:$0x1F00] =	vst v5;
	v5 =	vadd.s32 v0, v63  }
0x8f: {  	[tilespmem:$0x1F80] =	vst v5;
	v5 =	vld [tilespmem:$0x0]  }
0x90: {  	[tilespmem:$0x12320] =	vst v1  }
0x91: {  	[tilespmem:$0x12330] =	vst v1  }
0x92: {  	[tilespmem:$0x12340] =	vst v1  }
0x93: {  	[tilespmem:$0x12350] =	vst v1  }
0x94: {  	[tilespmem:$0x12360] =	vst v1;
	v6 =	vshll.u32 v5, $0x3  }
0x95: {  	[tilespmem:$0x12370] =	vst v1;
	v5 =	vand.u32 $0x7, v5;
	v6 =	vand.u32 $0xFFFFFFC0, v6  }
0x96: {  	[tilespmem:$0x12380] =	vst v1;
	v5 =	vor.u32 v5, v6  }
0x97: {  	[tilespmem:$0x12390] =	vst v1;
	v6 =	vperm.xlane v5, v2  }
0x98: {  	[tilespmem:$0x123A0] =	vst v1  }
0x99: {  	[tilespmem:$0x123B0] =	vst v1;
	v6 =	vadd.s32 v3, v6  }
0x9a: {  	[tilespmem:$0x123C0] =	vst v1  }
0x9b: {  	[tilespmem:$0x123D0] =	vst v1  }
0x9c: {  	[tilespmem:$0x123E0] =	vst v1  }
0x9d: {  	s0 =	simm.s32 $0x2000;
	[tilespmem:$0x123F0] =	vst v1  }
0x9e: {  	[tilespmem:s0], [sflag:$0x1] =	stream.indirect_vreg.gather [hbm4b:s2+s3], $0x80, v6, vm0, $0xb8;
	[tilespmem:$0x12400] =	vst v63  }
0x9f: {  	s28 =	simm.s32 $0x2800;
	v5 =	vperm.xlane v5, v4  }
0xa0: {  	[tilespmem:s28], [sflag:$0x1] =	stream.indirect_vreg.gather [hbm4b:s6+s3], $0x80, v6, vm0, $0xb8;
	[tilespmem:$0x12400] =	vst v63  }
0xa1: {  	s29 =	simm.s32 $0x3000;
	v5 =	vadd.s32 v3, v5  }
0xa2: {  	[tilespmem:s29], [sflag:$0x1] =	stream.indirect_vreg.gather [hbm4b:s7+s3], $0x80, v6, vm0, $0xb8;
	[tilespmem:$0x12400] =	vst v63  }
0xa3: {  	s1 =	simm.s32 $0x3800  }
0xa4: {  	[tilespmem:s1], [sflag:$0x1] =	stream.indirect_vreg.gather [hbm4b:s8+s3], $0x80, v6, vm0, $0xb8;
	[tilespmem:$0x12400] =	vst v63  }
0xa5: {  	s12 =	simm.s32 $0x4000  }
0xa6: {  	[tilespmem:s12], [sflag:$0x1] =	stream.indirect_vreg.gather [hbm4b:s2+s3], $0x80, v5, vm0, $0xb8;
	[tilespmem:$0x12400] =	vst v63  }
0xa7: {  	s13 =	simm.s32 $0x4800  }
0xa8: {  	[tilespmem:s13], [sflag:$0x1] =	stream.indirect_vreg.gather [hbm4b:s6+s3], $0x80, v5, vm0, $0xb8;
	[tilespmem:$0x12400] =	vst v63  }
0xa9: {  	s14 =	simm.s32 $0x5000  }
0xaa: {  	[tilespmem:s14], [sflag:$0x1] =	stream.indirect_vreg.gather [hbm4b:s7+s3], $0x80, v5, vm0, $0xb8;
	[tilespmem:$0x12400] =	vst v63  }
0xab: {  	s26 =	simm.s32 $0x5800  }
0xac: {  	[tilespmem:s26], [sflag:$0x1] =	stream.indirect_vreg.gather [hbm4b:s8+s3], $0x80, v5, vm0, $0xb8;
	[tilespmem:$0x12400] =	vst v63  }
0xad: {  	v5 =	vld [tilespmem:$0x80];
	_ =	sdelay $0x4  }
0xae: {  	v6 =	vshll.u32 v5, $0x3  }
0xaf: {  	v5 =	vand.u32 $0x7, v5;
	v6 =	vand.u32 $0xFFFFFFC0, v6  }
0xb0: {  	v5 =	vor.u32 v5, v6  }
0xb1: {  	v6 =	vperm.xlane v5, v2;
	_ =	sdelay $0x1  }
0xb2: {  	v6 =	vadd.s32 v3, v6;
	_ =	sdelay $0x3  }
0xb3: {  	s28 =	simm.s32 $0x6000  }
0xb4: {  	[tilespmem:s28], [sflag:$0x2] =	stream.indirect_vreg.gather [hbm4b:s2+s3], $0x80, v6, vm0, $0xb8;
	[tilespmem:$0x12400] =	vst v63  }
0xb5: {  	s29 =	simm.s32 $0x6800;
	v5 =	vperm.xlane v5, v4  }
0xb6: {  	[tilespmem:s29], [sflag:$0x2] =	stream.indirect_vreg.gather [hbm4b:s6+s3], $0x80, v6, vm0, $0xb8;
	[tilespmem:$0x12400] =	vst v63  }
0xb7: {  	s1 =	simm.s32 $0x7000;
	v5 =	vadd.s32 v3, v5  }
0xb8: {  	[tilespmem:s1], [sflag:$0x2] =	stream.indirect_vreg.gather [hbm4b:s7+s3], $0x80, v6, vm0, $0xb8;
	[tilespmem:$0x12400] =	vst v63  }
0xb9: {  	s12 =	simm.s32 $0x7800  }
0xba: {  	[tilespmem:s12], [sflag:$0x2] =	stream.indirect_vreg.gather [hbm4b:s8+s3], $0x80, v6, vm0, $0xb8;
	[tilespmem:$0x12400] =	vst v63  }
0xbb: {  	s13 =	simm.s32 $0x8000  }
0xbc: {  	[tilespmem:s13], [sflag:$0x2] =	stream.indirect_vreg.gather [hbm4b:s2+s3], $0x80, v5, vm0, $0xb8;
	[tilespmem:$0x12400] =	vst v63  }
0xbd: {  	s14 =	simm.s32 $0x8800  }
0xbe: {  	[tilespmem:s14], [sflag:$0x2] =	stream.indirect_vreg.gather [hbm4b:s6+s3], $0x80, v5, vm0, $0xb8;
	[tilespmem:$0x12400] =	vst v63  }
0xbf: {  	s26 =	simm.s32 $0x9000  }
0xc0: {  	[tilespmem:s26], [sflag:$0x2] =	stream.indirect_vreg.gather [hbm4b:s7+s3], $0x80, v5, vm0, $0xb8;
	[tilespmem:$0x12400] =	vst v63  }
0xc1: {  	s28 =	simm.s32 $0x9800  }
0xc2: {  	[tilespmem:s28], [sflag:$0x2] =	stream.indirect_vreg.gather [hbm4b:s8+s3], $0x80, v5, vm0, $0xb8;
	[tilespmem:$0x12400] =	vst v63  }
0xc3: {  	v5 =	vld [tilespmem:$0x100];
	_ =	sdelay $0x4  }
0xc4: {  	v6 =	vshll.u32 v5, $0x3  }
0xc5: {  	v5 =	vand.u32 $0x7, v5;
	v6 =	vand.u32 $0xFFFFFFC0, v6  }
0xc6: {  	v5 =	vor.u32 v5, v6  }
0xc7: {  	v6 =	vperm.xlane v5, v2;
	_ =	sdelay $0x1  }
0xc8: {  	v6 =	vadd.s32 v3, v6;
	_ =	sdelay $0x3  }
0xc9: {  	s29 =	simm.s32 $0xA000  }
0xca: {  	[tilespmem:s29], [sflag:$0x3] =	stream.indirect_vreg.gather [hbm4b:s2+s3], $0x80, v6, vm0, $0xb8;
	[tilespmem:$0x12400] =	vst v63  }
0xcb: {  	s1 =	simm.s32 $0xA800;
	v5 =	vperm.xlane v5, v4  }
0xcc: {  	[tilespmem:s1], [sflag:$0x3] =	stream.indirect_vreg.gather [hbm4b:s6+s3], $0x80, v6, vm0, $0xb8;
	[tilespmem:$0x12400] =	vst v63  }
0xcd: {  	s12 =	simm.s32 $0xB000;
	v5 =	vadd.s32 v3, v5  }
0xce: {  	[tilespmem:s12], [sflag:$0x3] =	stream.indirect_vreg.gather [hbm4b:s7+s3], $0x80, v6, vm0, $0xb8;
	[tilespmem:$0x12400] =	vst v63  }
0xcf: {  	s13 =	simm.s32 $0xB800  }
0xd0: {  	[tilespmem:s13], [sflag:$0x3] =	stream.indirect_vreg.gather [hbm4b:s8+s3], $0x80, v6, vm0, $0xb8;
	[tilespmem:$0x12400] =	vst v63  }
0xd1: {  	s14 =	simm.s32 $0xC000  }
0xd2: {  	[tilespmem:s14], [sflag:$0x3] =	stream.indirect_vreg.gather [hbm4b:s2+s3], $0x80, v5, vm0, $0xb8;
	[tilespmem:$0x12400] =	vst v63  }
0xd3: {  	s26 =	simm.s32 $0xC800  }
0xd4: {  	[tilespmem:s26], [sflag:$0x3] =	stream.indirect_vreg.gather [hbm4b:s6+s3], $0x80, v5, vm0, $0xb8;
	[tilespmem:$0x12400] =	vst v63  }
0xd5: {  	s28 =	simm.s32 $0xD000  }
0xd6: {  	[tilespmem:s28], [sflag:$0x3] =	stream.indirect_vreg.gather [hbm4b:s7+s3], $0x80, v5, vm0, $0xb8;
	[tilespmem:$0x12400] =	vst v63  }
0xd7: {  	s29 =	simm.s32 $0xD800  }
0xd8: {  	[tilespmem:s29], [sflag:$0x3] =	stream.indirect_vreg.gather [hbm4b:s8+s3], $0x80, v5, vm0, $0xb8;
	[tilespmem:$0x12400] =	vst v63  }
0xd9: {  	v5 =	vld [tilespmem:$0x180];
	_ =	sdelay $0x4  }
0xda: {  	v6 =	vshll.u32 v5, $0x3  }
0xdb: {  	v5 =	vand.u32 $0x7, v5;
	v6 =	vand.u32 $0xFFFFFFC0, v6  }
0xdc: {  	v5 =	vor.u32 v5, v6  }
0xdd: {  	v6 =	vperm.xlane v5, v2;
	_ =	sdelay $0x1  }
0xde: {  	v6 =	vadd.s32 v3, v6;
	_ =	sdelay $0x4  }
0xdf: {  	[tilespmem:s15], [sflag:$0x4] =	stream.indirect_vreg.gather [hbm4b:s2+s3], $0x80, v6, vm0, $0xb8;
	[tilespmem:$0x12400] =	vst v63  }
0xe0: {  	v5 =	vperm.xlane v5, v4  }
0xe1: {  	[tilespmem:s16], [sflag:$0x4] =	stream.indirect_vreg.gather [hbm4b:s6+s3], $0x80, v6, vm0, $0xb8;
	[tilespmem:$0x12400] =	vst v63  }
0xe2: {  	v5 =	vadd.s32 v3, v5  }
0xe3: {  	[tilespmem:s17], [sflag:$0x4] =	stream.indirect_vreg.gather [hbm4b:s7+s3], $0x80, v6, vm0, $0xb8;
	[tilespmem:$0x12400] =	vst v63  }
0xe4: {  	_ = 	snop  }
0xe5: {  	[tilespmem:s18], [sflag:$0x4] =	stream.indirect_vreg.gather [hbm4b:s8+s3], $0x80, v6, vm0, $0xb8;
	[tilespmem:$0x12400] =	vst v63  }
0xe6: {  	_ = 	snop  }
0xe7: {  	[tilespmem:s19], [sflag:$0x4] =	stream.indirect_vreg.gather [hbm4b:s2+s3], $0x80, v5, vm0, $0xb8;
	[tilespmem:$0x12400] =	vst v63  }
0xe8: {  	_ = 	snop  }
0xe9: {  	[tilespmem:s20], [sflag:$0x4] =	stream.indirect_vreg.gather [hbm4b:s6+s3], $0x80, v5, vm0, $0xb8;
	[tilespmem:$0x12400] =	vst v63  }
0xea: {  	_ = 	snop  }
0xeb: {  	[tilespmem:s21], [sflag:$0x4] =	stream.indirect_vreg.gather [hbm4b:s7+s3], $0x80, v5, vm0, $0xb8;
	[tilespmem:$0x12400] =	vst v63  }
0xec: {  	s31 =	simm.s32 $0x0  }
0xed: {  	[tilespmem:s22], [sflag:$0x4] =	stream.indirect_vreg.gather [hbm4b:s8+s3], $0x80, v5, vm0, $0xb8;
	[tilespmem:$0x12400] =	vst v63  }
.LBB2_2:
0xee: {  	_ =	swait.ge [sflag:s4], $0x4000;
	s0 =	simm.s32 $0x0  }
0xef: {  	[sflag:s4] =	ssyncset.done $0x0;
	s1 =	sand.u32 $0x70, s0;
	s0 =	sand.u32 $0x1C00, s0  }
0xf0: {  	[sflag:s4] =	ssyncadd.s32 $0xFFFFC000;
	s1 =	sor.u32 s1, s0  }
0xf1: {  	v5 =	vld [tilespmem:s1+$0x2000]  }
0xf2: {  	v6 =	vld [tilespmem:s1+$0x2080];
	_ =	sdelay $0x1  }
0xf3: {  	v7 =	vld [tilespmem:s1+$0x2100];
	_ =	sdelay $0x1  }
0xf4: {  	v8 =	vld [tilespmem:s1+$0x2180]  }
0xf5: {  	v5 =	vadd.f32 v6, v5  }
0xf6: {  	v6 =	vld [tilespmem:s1+$0x2200]  }
0xf7: {  	v5 =	vadd.f32 v7, v5  }
0xf8: {  	v7 =	vld [tilespmem:s1+$0x2280]  }
0xf9: {  	v5 =	vadd.f32 v8, v5  }
0xfa: {  	v8 =	vld [tilespmem:s1+$0x2300]  }
0xfb: {  	v5 =	vadd.f32 v6, v5  }
0xfc: {  	v6 =	vld [tilespmem:s1+$0x2380]  }
0xfd: {  	s28 =	simm.s32 $0x10;
	s12 =	simm.s32 $0x80;
	v5 =	vadd.f32 v7, v5  }
0xfe: {  	s12 =	sand.u32 $0x1C00, s12;
	s0 =	sand.u32 $0x70, s28;
	v7 =	vld [tilespmem:s1+$0x4000]  }
0xff: {  	s0 =	sor.u32 s0, s12;
	v9 =	vld [tilespmem:s1+$0x4080];
	v5 =	vadd.f32 v8, v5  }
0x100: {  	v10 =	vld [tilespmem:s0+$0x2080]  }
0x101: {  	v8 =	vld [tilespmem:s0+$0x2000];
	v5 =	vadd.f32 v6, v5  }
0x102: {  	v6 =	vld [tilespmem:s1+$0x4100]  }
0x103: {  	v11 =	vld [tilespmem:s0+$0x2100];
	v5 =	vadd.f32 v7, v5  }
0x104: {  	v7 =	vld [tilespmem:s1+$0x4180]  }
0x105: {  	v12 =	vld [tilespmem:s0+$0x2180];
	v5 =	vadd.f32 v9, v5  }
0x106: {  	v8 =	vadd.f32 v10, v8;
	v9 =	vld [tilespmem:s1+$0x4200]  }
0x107: {  	v10 =	vld [tilespmem:s0+$0x2200];
	v5 =	vadd.f32 v6, v5  }
0x108: {  	v6 =	vadd.f32 v11, v8;
	v11 =	vld [tilespmem:s1+$0x4280]  }
0x109: {  	v13 =	vld [tilespmem:s0+$0x2280];
	v5 =	vadd.f32 v7, v5  }
0x10a: {  	v6 =	vadd.f32 v12, v6;
	v7 =	vld [tilespmem:s1+$0x4300]  }
0x10b: {  	v63 =	vld [tilespmem:s0+$0x2300];
	v9 =	vadd.f32 v9, v5  }
0x10c: {  	v6 =	vadd.f32 v10, v6;
	v5 =	vld [tilespmem:s1+$0x4380]  }
0x10d: {  	v8 =	vld [tilespmem:s0+$0x2380];
	s1 =	simm.s32 $0x12000;
	v10 =	vadd.f32 v11, v9  }
0x10e: {  	s29 =	simm.s32 $0x20;
	s13 =	simm.s32 $0x100;
	v11 =	vadd.f32 v13, v6;
	v6 =	vld [tilespmem:s1+$0x0]  }
0x10f: {  	s14 =	sand.u32 $0x1C00, s13;
	s12 =	sand.u32 $0x70, s29;
	v9 =	vld [tilespmem:s0+$0x4000];
	v7 =	vadd.f32 v7, v10  }
0x110: {  	s12 =	sor.u32 s12, s14;
	s14 =	simm.s32 $0x30;
	v11 =	vadd.f32 v63, v11;
	v10 =	vld [tilespmem:s0+$0x4080]  }
.LBB2_3:
0x111: {  	p0 =	sne.s32 s14, $0x3F0;
	v12 =	vld [tilespmem:s12+$0x2000];
	v5 =	vadd.f32 v5, v7  }
0x112: {  	v7 =	vld [tilespmem:s12+$0x2080];
	v8 =	vadd.f32 v8, v11  }
0x113: {  	v11 =	vld [tilespmem:s0+$0x4100];
	v5 =	vadd.f32 v5, v6  }
0x114: {  	v6 =	vld [tilespmem:s12+$0x2100];
	v8 =	vadd.f32 v9, v8  }
0x115: {  	v9 =	vld [tilespmem:s0+$0x4180];
	[tilespmem:s1+$0x0] =	vst v5  }
0x116: {  	v5 =	vld [tilespmem:s12+$0x2180];
	v8 =	vadd.f32 v10, v8  }
0x117: {  	v7 =	vadd.f32 v7, v12;
	v10 =	vld [tilespmem:s0+$0x4200]  }
0x118: {  	v12 =	vld [tilespmem:s12+$0x2200];
	v8 =	vadd.f32 v11, v8  }
0x119: {  	v6 =	vadd.f32 v6, v7;
	v7 =	vld [tilespmem:s0+$0x4280]  }
0x11a: {  	v11 =	vld [tilespmem:s12+$0x2280];
	v8 =	vadd.f32 v9, v8  }
0x11b: {  	v5 =	vadd.f32 v5, v6;
	v13 =	vld [tilespmem:s0+$0x4300]  }
0x11c: {  	v14 =	vld [tilespmem:s12+$0x2300];
	v6 =	vadd.f32 v10, v8  }
.Ltmp2:
0x11d: {  	v9 =	vadd.f32 v12, v5;
	v5 =	vld [tilespmem:s0+$0x4380];
	s0 =	smov.u32 s12;
	(pc) =	sbr.rel @p0 .LBB2_3-.Ltmp2, $4  }
0x11e: {  	s1 =	sadd.s32 $0x10, s1;
	v8 =	vld [tilespmem:s0+$0x2380];
	v7 =	vadd.f32 v7, v6  }
0x11f: {  	s13 =	sadd.s32 $0x80, s13;
	v10 =	vadd.f32 v11, v9;
	v6 =	vld [tilespmem:s1+$0x0]  }
0x120: {  	s26 =	sand.u32 $0x1C00, s13;
	s12 =	sand.u32 $0x70, s14;
	v9 =	vld [tilespmem:s0+$0x4000];
	v7 =	vadd.f32 v13, v7  }
0x121: {  	s14 =	sadd.s32 $0x10, s14;
	s12 =	sor.u32 s12, s26;
	v11 =	vadd.f32 v14, v10;
	v10 =	vld [tilespmem:s0+$0x4080]  }
0x122: {  	v12 =	vld [tilespmem:s12+$0x2000]  }
0x123: {  	v13 =	vld [tilespmem:s12+$0x2080];
	_ =	sdelay $0x1  }
0x124: {  	v14 =	vld [tilespmem:s12+$0x2100];
	_ =	sdelay $0x1  }
0x125: {  	v15 =	vld [tilespmem:s12+$0x2180]  }
0x126: {  	v12 =	vadd.f32 v13, v12  }
0x127: {  	v48 =	vld [tilespmem:s12+$0x2200]  }
0x128: {  	v12 =	vadd.f32 v14, v12  }
0x129: {  	v49 =	vld [tilespmem:s12+$0x2280]  }
0x12a: {  	v12 =	vadd.f32 v15, v12  }
0x12b: {  	v50 =	vld [tilespmem:s12+$0x2300]  }
0x12c: {  	v12 =	vadd.f32 v48, v12  }
0x12d: {  	v51 =	vld [tilespmem:s12+$0x2380]  }
0x12e: {  	v12 =	vadd.f32 v49, v12  }
0x12f: {  	v52 =	vld [tilespmem:s12+$0x4000]  }
0x130: {  	v12 =	vadd.f32 v50, v12  }
0x131: {  	v8 =	vadd.f32 v8, v11;
	v11 =	vld [tilespmem:s12+$0x4080]  }
0x132: {  	v53 =	vld [tilespmem:s0+$0x4100];
	v12 =	vadd.f32 v51, v12  }
0x133: {  	v8 =	vadd.f32 v9, v8;
	v9 =	vld [tilespmem:s12+$0x4100]  }
0x134: {  	v54 =	vld [tilespmem:s0+$0x4180];
	v12 =	vadd.f32 v52, v12  }
0x135: {  	v8 =	vadd.f32 v10, v8;
	v10 =	vld [tilespmem:s12+$0x4180]  }
0x136: {  	v55 =	vld [tilespmem:s0+$0x4200];
	v11 =	vadd.f32 v11, v12  }
0x137: {  	v56 =	vld [tilespmem:s12+$0x4200];
	v8 =	vadd.f32 v53, v8  }
0x138: {  	v9 =	vadd.f32 v9, v11;
	v11 =	vld [tilespmem:s0+$0x4280]  }
0x139: {  	v57 =	vld [tilespmem:s12+$0x4280];
	v8 =	vadd.f32 v54, v8  }
0x13a: {  	v9 =	vadd.f32 v10, v9;
	v10 =	vld [tilespmem:s0+$0x4300]  }
0x13b: {  	v58 =	vld [tilespmem:s12+$0x4300];
	v8 =	vadd.f32 v55, v8  }
0x13c: {  	v59 =	vld [tilespmem:s0+$0x4380];
	v9 =	vadd.f32 v56, v9  }
0x13d: {  	s26 =	sadd.s32 $0x10, s1;
	v8 =	vadd.f32 v11, v8;
	v11 =	vld [tilespmem:s12+$0x4380]  }
0x13e: {  	v60 =	vld [tilespmem:s26+$0x0];
	s29 =	sadd.s32 $0x10, s26;
	v9 =	vadd.f32 v57, v9  }
0x13f: {  	v8 =	vadd.f32 v10, v8;
	v10 =	vld [tilespmem:s29+$0x0]  }
0x140: {  	v5 =	vadd.f32 v5, v7;
	v7 =	vadd.f32 v58, v9  }
0x141: {  	v8 =	vadd.f32 v59, v8  }
0x142: {  	v5 =	vadd.f32 v5, v6;
	v6 =	vadd.f32 v11, v7  }
0x143: {  	v7 =	vadd.f32 v8, v60  }
0x144: {  	[tilespmem:s1+$0x0] =	vst v5;
	v5 =	vadd.f32 v6, v10  }
0x145: {  	p0 =	seq.s32 s31, $0xF;
	s0 =	sshll.u32 s31, $0xB;
	[tilespmem:s26+$0x0] =	vst v7  }
0x146: {  	s1 =	sshrl.u32 @!p0 s0, $0x2;
	[tilespmem:s29+$0x0] =	vst v5  }
0x147: {  	v5 =	vld @!p0 [tilespmem:s1+$0x200];
	_ =	sdelay $0x4  }
0x148: {  	v6 =	vshll.u32 @!p0 v5, $0x3  }
0x149: {  	v7 =	vlaneseq.u32 @!p0;
	v5 =	vand.u32 @!p0 $0x7, v5;
	v6 =	vand.u32 @!p0 $0xFFFFFFC0, v6  }
0x14a: {  	v8 =	vshrl.u32 @!p0 v7, $0x3;
	v5 =	vor.u32 @!p0 v5, v6;
	v6 =	vand.u32 @!p0 $0x7, v7  }
0x14b: {  	v8 =	vmul.u32 @!p0 $0x8, v8;
	v6 =	vperm.xlane @!p0 v5, v6;
	_ =	sdelay $0x1  }
0x14c: {  	v6 =	vadd.s32 @!p0 v8, v6;
	_ =	sdelay $0x3  }
0x14d: {  	vm1 =	vmmov @!p0 $0xffff;
	s13 =	simm.s32 @!p0 $0x2000;
	s12 =	simm.s32 @!p0 $0x0  }
0x14e: {  	v7 =	vor.u32 @!p0 $0x8, v7;
	[tilespmem:s13], [sflag:$0x1] =	stream.indirect_vreg.gather @!p0 [hbm4b:s2+s12], $0x80, v6, vm1, $0xb8;
	[tilespmem:$0x12400] =	vst v63  }
0x14f: {  	v5 =	vperm.xlane @!p0 v5, v7;
	s13 =	simm.s32 @!p0 $0x2800  }
0x150: {  	[tilespmem:s13], [sflag:$0x1] =	stream.indirect_vreg.gather @!p0 [hbm4b:s6+s12], $0x80, v6, vm1, $0xb8;
	[tilespmem:$0x12400] =	vst v63  }
0x151: {  	v5 =	vadd.s32 @!p0 v8, v5;
	s13 =	simm.s32 @!p0 $0x3000  }
0x152: {  	[tilespmem:s13], [sflag:$0x1] =	stream.indirect_vreg.gather @!p0 [hbm4b:s7+s12], $0x80, v6, vm1, $0xb8;
	[tilespmem:$0x12400] =	vst v63  }
0x153: {  	s13 =	simm.s32 @!p0 $0x3800  }
0x154: {  	[tilespmem:s13], [sflag:$0x1] =	stream.indirect_vreg.gather @!p0 [hbm4b:s8+s12], $0x80, v6, vm1, $0xb8;
	[tilespmem:$0x12400] =	vst v63  }
0x155: {  	s13 =	simm.s32 @!p0 $0x4000  }
0x156: {  	[tilespmem:s13], [sflag:$0x1] =	stream.indirect_vreg.gather @!p0 [hbm4b:s2+s12], $0x80, v5, vm1, $0xb8;
	[tilespmem:$0x12400] =	vst v63  }
0x157: {  	s13 =	simm.s32 @!p0 $0x4800  }
0x158: {  	[tilespmem:s13], [sflag:$0x1] =	stream.indirect_vreg.gather @!p0 [hbm4b:s6+s12], $0x80, v5, vm1, $0xb8;
	[tilespmem:$0x12400] =	vst v63  }
0x159: {  	s13 =	simm.s32 @!p0 $0x5000  }
0x15a: {  	[tilespmem:s13], [sflag:$0x1] =	stream.indirect_vreg.gather @!p0 [hbm4b:s7+s12], $0x80, v5, vm1, $0xb8;
	[tilespmem:$0x12400] =	vst v63  }
0x15b: {  	s13 =	simm.s32 @!p0 $0x5800  }
0x15c: {  	[tilespmem:s13], [sflag:$0x1] =	stream.indirect_vreg.gather @!p0 [hbm4b:s8+s12], $0x80, v5, vm1, $0xb8;
	[tilespmem:$0x12400] =	vst v63  }
0x15d: {  	s13 =	simm.s32 $0x0;
	_ =	swait.ge [sflag:s23], $0x4000  }
0x15e: {  	s14 =	sand.u32 $0x70, s13;
	s12 =	sand.u32 $0x1C00, s13;
	[sflag:s23] =	ssyncset.done $0x0  }
0x15f: {  	s13 =	sor.u32 s14, s12;
	[sflag:s23] =	ssyncadd.s32 $0xFFFFC000  }
0x160: {  	v5 =	vld [tilespmem:s13+$0x6000]  }
0x161: {  	v6 =	vld [tilespmem:s13+$0x6080];
	_ =	sdelay $0x1  }
0x162: {  	v7 =	vld [tilespmem:s13+$0x6100];
	_ =	sdelay $0x1  }
0x163: {  	v8 =	vld [tilespmem:s13+$0x6180]  }
0x164: {  	v5 =	vadd.f32 v6, v5  }
0x165: {  	v6 =	vld [tilespmem:s13+$0x6200]  }
0x166: {  	v5 =	vadd.f32 v7, v5  }
0x167: {  	v7 =	vld [tilespmem:s13+$0x6280]  }
0x168: {  	v5 =	vadd.f32 v8, v5  }
0x169: {  	v8 =	vld [tilespmem:s13+$0x6300]  }
0x16a: {  	v5 =	vadd.f32 v6, v5  }
0x16b: {  	v6 =	vld [tilespmem:s13+$0x6380]  }
0x16c: {  	s26 =	simm.s32 $0x10;
	s14 =	simm.s32 $0x80;
	v5 =	vadd.f32 v7, v5  }
0x16d: {  	s12 =	sand.u32 $0x70, s26;
	s14 =	sand.u32 $0x1C00, s14;
	v7 =	vld [tilespmem:s13+$0x8000]  }
0x16e: {  	s12 =	sor.u32 s12, s14;
	v9 =	vld [tilespmem:s13+$0x8080];
	v5 =	vadd.f32 v8, v5  }
0x16f: {  	v10 =	vld [tilespmem:s12+$0x6080]  }
0x170: {  	v8 =	vld [tilespmem:s12+$0x6000];
	v5 =	vadd.f32 v6, v5  }
0x171: {  	v6 =	vld [tilespmem:s13+$0x8100]  }
0x172: {  	v11 =	vld [tilespmem:s12+$0x6100];
	v5 =	vadd.f32 v7, v5  }
0x173: {  	v7 =	vld [tilespmem:s13+$0x8180]  }
0x174: {  	v61 =	vld [tilespmem:s12+$0x6180];
	v5 =	vadd.f32 v9, v5  }
0x175: {  	v8 =	vadd.f32 v10, v8;
	v9 =	vld [tilespmem:s13+$0x8200]  }
0x176: {  	v10 =	vld [tilespmem:s12+$0x6200];
	v5 =	vadd.f32 v6, v5  }
0x177: {  	v6 =	vadd.f32 v11, v8;
	v11 =	vld [tilespmem:s13+$0x8280]  }
0x178: {  	v62 =	vld [tilespmem:s12+$0x6280];
	v5 =	vadd.f32 v7, v5  }
0x179: {  	v6 =	vadd.f32 v61, v6;
	v7 =	vld [tilespmem:s13+$0x8300]  }
0x17a: {  	v63 =	vld [tilespmem:s12+$0x6300];
	v9 =	vadd.f32 v9, v5  }
0x17b: {  	v6 =	vadd.f32 v10, v6;
	v5 =	vld [tilespmem:s13+$0x8380]  }
0x17c: {  	v8 =	vld [tilespmem:s12+$0x6380];
	s13 =	simm.s32 $0x12000;
	v10 =	vadd.f32 v11, v9  }
0x17d: {  	s29 =	simm.s32 $0x20;
	s26 =	simm.s32 $0x100;
	v11 =	vadd.f32 v62, v6;
	v6 =	vld [tilespmem:s13+$0x0]  }
0x17e: {  	s28 =	sand.u32 $0x1C00, s26;
	s14 =	sand.u32 $0x70, s29;
	v9 =	vld [tilespmem:s12+$0x8000];
	v7 =	vadd.f32 v7, v10  }
0x17f: {  	s14 =	sor.u32 s14, s28;
	s28 =	simm.s32 $0x30;
	v11 =	vadd.f32 v63, v11;
	v10 =	vld [tilespmem:s12+$0x8080]  }
.LBB2_5:
0x180: {  	p1 =	sne.s32 s28, $0x3F0;
	v12 =	vld [tilespmem:s14+$0x6000];
	v5 =	vadd.f32 v5, v7  }
0x181: {  	v7 =	vld [tilespmem:s14+$0x6080];
	v8 =	vadd.f32 v8, v11  }
0x182: {  	v11 =	vld [tilespmem:s12+$0x8100];
	v5 =	vadd.f32 v5, v6  }
0x183: {  	v6 =	vld [tilespmem:s14+$0x6100];
	v8 =	vadd.f32 v9, v8  }
0x184: {  	v9 =	vld [tilespmem:s12+$0x8180];
	[tilespmem:s13+$0x0] =	vst v5  }
0x185: {  	v5 =	vld [tilespmem:s14+$0x6180];
	v8 =	vadd.f32 v10, v8  }
0x186: {  	v7 =	vadd.f32 v7, v12;
	v10 =	vld [tilespmem:s12+$0x8200]  }
0x187: {  	v12 =	vld [tilespmem:s14+$0x6200];
	v8 =	vadd.f32 v11, v8  }
0x188: {  	v6 =	vadd.f32 v6, v7;
	v7 =	vld [tilespmem:s12+$0x8280]  }
0x189: {  	v11 =	vld [tilespmem:s14+$0x6280];
	v8 =	vadd.f32 v9, v8  }
0x18a: {  	v5 =	vadd.f32 v5, v6;
	v13 =	vld [tilespmem:s12+$0x8300]  }
0x18b: {  	v14 =	vld [tilespmem:s14+$0x6300];
	v6 =	vadd.f32 v10, v8  }
.Ltmp3:
0x18c: {  	v9 =	vadd.f32 v12, v5;
	v5 =	vld [tilespmem:s12+$0x8380];
	s12 =	smov.u32 s14;
	(pc) =	sbr.rel @p1 .LBB2_5-.Ltmp3, $4  }
0x18d: {  	s13 =	sadd.s32 $0x10, s13;
	v8 =	vld [tilespmem:s12+$0x6380];
	v7 =	vadd.f32 v7, v6  }
0x18e: {  	s26 =	sadd.s32 $0x80, s26;
	v10 =	vadd.f32 v11, v9;
	v6 =	vld [tilespmem:s13+$0x0]  }
0x18f: {  	s29 =	sand.u32 $0x1C00, s26;
	s14 =	sand.u32 $0x70, s28;
	v9 =	vld [tilespmem:s12+$0x8000];
	v7 =	vadd.f32 v13, v7  }
0x190: {  	s28 =	sadd.s32 $0x10, s28;
	s14 =	sor.u32 s14, s29;
	v11 =	vadd.f32 v14, v10;
	v10 =	vld [tilespmem:s12+$0x8080]  }
0x191: {  	v12 =	vld [tilespmem:s14+$0x6000]  }
0x192: {  	v13 =	vld [tilespmem:s14+$0x6080];
	_ =	sdelay $0x1  }
0x193: {  	v14 =	vld [tilespmem:s14+$0x6100];
	_ =	sdelay $0x1  }
0x194: {  	v15 =	vld [tilespmem:s14+$0x6180]  }
0x195: {  	v12 =	vadd.f32 v13, v12  }
0x196: {  	v48 =	vld [tilespmem:s14+$0x6200]  }
0x197: {  	v12 =	vadd.f32 v14, v12  }
0x198: {  	v49 =	vld [tilespmem:s14+$0x6280]  }
0x199: {  	v12 =	vadd.f32 v15, v12  }
0x19a: {  	v50 =	vld [tilespmem:s14+$0x6300]  }
0x19b: {  	v12 =	vadd.f32 v48, v12  }
0x19c: {  	v51 =	vld [tilespmem:s14+$0x6380]  }
0x19d: {  	v12 =	vadd.f32 v49, v12  }
0x19e: {  	v52 =	vld [tilespmem:s14+$0x8000]  }
0x19f: {  	v12 =	vadd.f32 v50, v12  }
0x1a0: {  	v8 =	vadd.f32 v8, v11;
	v11 =	vld [tilespmem:s14+$0x8080]  }
0x1a1: {  	v53 =	vld [tilespmem:s12+$0x8100];
	v12 =	vadd.f32 v51, v12  }
0x1a2: {  	v8 =	vadd.f32 v9, v8;
	v9 =	vld [tilespmem:s14+$0x8100]  }
0x1a3: {  	v54 =	vld [tilespmem:s12+$0x8180];
	v12 =	vadd.f32 v52, v12  }
0x1a4: {  	v8 =	vadd.f32 v10, v8;
	v10 =	vld [tilespmem:s14+$0x8180]  }
0x1a5: {  	v55 =	vld [tilespmem:s12+$0x8200];
	v11 =	vadd.f32 v11, v12  }
0x1a6: {  	v56 =	vld [tilespmem:s14+$0x8200];
	v8 =	vadd.f32 v53, v8  }
0x1a7: {  	v9 =	vadd.f32 v9, v11;
	v11 =	vld [tilespmem:s12+$0x8280]  }
0x1a8: {  	v57 =	vld [tilespmem:s14+$0x8280];
	v8 =	vadd.f32 v54, v8  }
0x1a9: {  	v9 =	vadd.f32 v10, v9;
	v10 =	vld [tilespmem:s12+$0x8300]  }
0x1aa: {  	v58 =	vld [tilespmem:s14+$0x8300];
	v8 =	vadd.f32 v55, v8  }
0x1ab: {  	v59 =	vld [tilespmem:s12+$0x8380];
	v9 =	vadd.f32 v56, v9  }
0x1ac: {  	s26 =	sadd.s32 $0x10, s13;
	v8 =	vadd.f32 v11, v8;
	v11 =	vld [tilespmem:s14+$0x8380]  }
0x1ad: {  	v60 =	vld [tilespmem:s26+$0x0];
	s29 =	sadd.s32 $0x10, s26;
	v9 =	vadd.f32 v57, v9  }
0x1ae: {  	v8 =	vadd.f32 v10, v8;
	v10 =	vld [tilespmem:s29+$0x0]  }
0x1af: {  	v5 =	vadd.f32 v5, v7;
	v7 =	vadd.f32 v58, v9  }
0x1b0: {  	v8 =	vadd.f32 v59, v8  }
0x1b1: {  	v5 =	vadd.f32 v5, v6;
	v6 =	vadd.f32 v11, v7  }
0x1b2: {  	v7 =	vadd.f32 v8, v60  }
0x1b3: {  	[tilespmem:s13+$0x0] =	vst v5;
	v5 =	vadd.f32 v6, v10  }
0x1b4: {  	[tilespmem:s26+$0x0] =	vst v7  }
0x1b5: {  	[tilespmem:s29+$0x0] =	vst v5  }
0x1b6: {  	v5 =	vld @!p0 [tilespmem:s1+$0x280];
	_ =	sdelay $0x4  }
0x1b7: {  	v6 =	vshll.u32 @!p0 v5, $0x3  }
0x1b8: {  	v7 =	vlaneseq.u32 @!p0;
	v5 =	vand.u32 @!p0 $0x7, v5;
	v6 =	vand.u32 @!p0 $0xFFFFFFC0, v6  }
0x1b9: {  	v8 =	vshrl.u32 @!p0 v7, $0x3;
	v5 =	vor.u32 @!p0 v5, v6;
	v6 =	vand.u32 @!p0 $0x7, v7  }
0x1ba: {  	v8 =	vmul.u32 @!p0 $0x8, v8;
	v6 =	vperm.xlane @!p0 v5, v6;
	_ =	sdelay $0x1  }
0x1bb: {  	v6 =	vadd.s32 @!p0 v8, v6;
	_ =	sdelay $0x3  }
0x1bc: {  	s13 =	simm.s32 @!p0 $0x6000;
	s12 =	simm.s32 @!p0 $0x0  }
0x1bd: {  	v7 =	vor.u32 @!p0 $0x8, v7;
	[tilespmem:s13], [sflag:$0x2] =	stream.indirect_vreg.gather @!p0 [hbm4b:s2+s12], $0x80, v6, vm1, $0xb8;
	[tilespmem:$0x12400] =	vst v63  }
0x1be: {  	v5 =	vperm.xlane @!p0 v5, v7;
	s13 =	simm.s32 @!p0 $0x6800  }
0x1bf: {  	[tilespmem:s13], [sflag:$0x2] =	stream.indirect_vreg.gather @!p0 [hbm4b:s6+s12], $0x80, v6, vm1, $0xb8;
	[tilespmem:$0x12400] =	vst v63  }
0x1c0: {  	v5 =	vadd.s32 @!p0 v8, v5;
	s13 =	simm.s32 @!p0 $0x7000  }
0x1c1: {  	[tilespmem:s13], [sflag:$0x2] =	stream.indirect_vreg.gather @!p0 [hbm4b:s7+s12], $0x80, v6, vm1, $0xb8;
	[tilespmem:$0x12400] =	vst v63  }
0x1c2: {  	s13 =	simm.s32 @!p0 $0x7800  }
0x1c3: {  	[tilespmem:s13], [sflag:$0x2] =	stream.indirect_vreg.gather @!p0 [hbm4b:s8+s12], $0x80, v6, vm1, $0xb8;
	[tilespmem:$0x12400] =	vst v63  }
0x1c4: {  	s13 =	simm.s32 @!p0 $0x8000  }
0x1c5: {  	[tilespmem:s13], [sflag:$0x2] =	stream.indirect_vreg.gather @!p0 [hbm4b:s2+s12], $0x80, v5, vm1, $0xb8;
	[tilespmem:$0x12400] =	vst v63  }
0x1c6: {  	s13 =	simm.s32 @!p0 $0x8800  }
0x1c7: {  	[tilespmem:s13], [sflag:$0x2] =	stream.indirect_vreg.gather @!p0 [hbm4b:s6+s12], $0x80, v5, vm1, $0xb8;
	[tilespmem:$0x12400] =	vst v63  }
0x1c8: {  	s13 =	simm.s32 @!p0 $0x9000  }
0x1c9: {  	[tilespmem:s13], [sflag:$0x2] =	stream.indirect_vreg.gather @!p0 [hbm4b:s7+s12], $0x80, v5, vm1, $0xb8;
	[tilespmem:$0x12400] =	vst v63  }
0x1ca: {  	s13 =	simm.s32 @!p0 $0x9800  }
0x1cb: {  	[tilespmem:s13], [sflag:$0x2] =	stream.indirect_vreg.gather @!p0 [hbm4b:s8+s12], $0x80, v5, vm1, $0xb8;
	[tilespmem:$0x12400] =	vst v63  }
0x1cc: {  	s26 =	simm.s32 $0x0;
	_ =	swait.ge [sflag:s24], $0x4000  }
0x1cd: {  	s29 =	sand.u32 $0x70, s26;
	s12 =	sand.u32 $0x1C00, s26;
	[sflag:s24] =	ssyncset.done $0x0  }
0x1ce: {  	s13 =	sor.u32 s29, s12;
	[sflag:s24] =	ssyncadd.s32 $0xFFFFC000  }
0x1cf: {  	v5 =	vld [tilespmem:s13+$0xA000]  }
0x1d0: {  	v6 =	vld [tilespmem:s13+$0xA080];
	_ =	sdelay $0x1  }
0x1d1: {  	v7 =	vld [tilespmem:s13+$0xA100];
	_ =	sdelay $0x1  }
0x1d2: {  	v8 =	vld [tilespmem:s13+$0xA180]  }
0x1d3: {  	v5 =	vadd.f32 v6, v5  }
0x1d4: {  	v6 =	vld [tilespmem:s13+$0xA200]  }
0x1d5: {  	v5 =	vadd.f32 v7, v5  }
0x1d6: {  	v7 =	vld [tilespmem:s13+$0xA280]  }
0x1d7: {  	v5 =	vadd.f32 v8, v5  }
0x1d8: {  	v8 =	vld [tilespmem:s13+$0xA300]  }
0x1d9: {  	v5 =	vadd.f32 v6, v5  }
0x1da: {  	v6 =	vld [tilespmem:s13+$0xA380]  }
0x1db: {  	s14 =	simm.s32 $0x10;
	s26 =	simm.s32 $0x80;
	v5 =	vadd.f32 v7, v5  }
0x1dc: {  	s12 =	sand.u32 $0x70, s14;
	s14 =	sand.u32 $0x1C00, s26;
	v7 =	vld [tilespmem:s13+$0xC000]  }
0x1dd: {  	s12 =	sor.u32 s12, s14;
	v9 =	vld [tilespmem:s13+$0xC080];
	v5 =	vadd.f32 v8, v5  }
0x1de: {  	v10 =	vld [tilespmem:s12+$0xA080]  }
0x1df: {  	v8 =	vld [tilespmem:s12+$0xA000];
	v5 =	vadd.f32 v6, v5  }
0x1e0: {  	v6 =	vld [tilespmem:s13+$0xC100]  }
0x1e1: {  	v11 =	vld [tilespmem:s12+$0xA100];
	v5 =	vadd.f32 v7, v5  }
0x1e2: {  	v7 =	vld [tilespmem:s13+$0xC180]  }
0x1e3: {  	v61 =	vld [tilespmem:s12+$0xA180];
	v5 =	vadd.f32 v9, v5  }
0x1e4: {  	v8 =	vadd.f32 v10, v8;
	v9 =	vld [tilespmem:s13+$0xC200]  }
0x1e5: {  	v10 =	vld [tilespmem:s12+$0xA200];
	v5 =	vadd.f32 v6, v5  }
0x1e6: {  	v6 =	vadd.f32 v11, v8;
	v11 =	vld [tilespmem:s13+$0xC280]  }
0x1e7: {  	v62 =	vld [tilespmem:s12+$0xA280];
	v5 =	vadd.f32 v7, v5  }
0x1e8: {  	v6 =	vadd.f32 v61, v6;
	v7 =	vld [tilespmem:s13+$0xC300]  }
0x1e9: {  	v63 =	vld [tilespmem:s12+$0xA300];
	v9 =	vadd.f32 v9, v5  }
0x1ea: {  	v6 =	vadd.f32 v10, v6;
	v5 =	vld [tilespmem:s13+$0xC380]  }
0x1eb: {  	v8 =	vld [tilespmem:s12+$0xA380];
	s13 =	simm.s32 $0x12000;
	v10 =	vadd.f32 v11, v9  }
0x1ec: {  	s29 =	simm.s32 $0x20;
	s26 =	simm.s32 $0x100;
	v11 =	vadd.f32 v62, v6;
	v6 =	vld [tilespmem:s13+$0x0]  }
0x1ed: {  	s14 =	sand.u32 $0x70, s29;
	s28 =	sand.u32 $0x1C00, s26;
	v9 =	vld [tilespmem:s12+$0xC000];
	v7 =	vadd.f32 v7, v10  }
0x1ee: {  	s14 =	sor.u32 s14, s28;
	s28 =	simm.s32 $0x30;
	v11 =	vadd.f32 v63, v11;
	v10 =	vld [tilespmem:s12+$0xC080]  }
.LBB2_7:
0x1ef: {  	p1 =	sne.s32 s28, $0x3F0;
	v12 =	vld [tilespmem:s14+$0xA000];
	v5 =	vadd.f32 v5, v7  }
0x1f0: {  	v7 =	vld [tilespmem:s14+$0xA080];
	v8 =	vadd.f32 v8, v11  }
0x1f1: {  	v11 =	vld [tilespmem:s12+$0xC100];
	v5 =	vadd.f32 v5, v6  }
0x1f2: {  	v6 =	vld [tilespmem:s14+$0xA100];
	v8 =	vadd.f32 v9, v8  }
0x1f3: {  	v9 =	vld [tilespmem:s12+$0xC180];
	[tilespmem:s13+$0x0] =	vst v5  }
0x1f4: {  	v5 =	vld [tilespmem:s14+$0xA180];
	v8 =	vadd.f32 v10, v8  }
0x1f5: {  	v7 =	vadd.f32 v7, v12;
	v10 =	vld [tilespmem:s12+$0xC200]  }
0x1f6: {  	v12 =	vld [tilespmem:s14+$0xA200];
	v8 =	vadd.f32 v11, v8  }
0x1f7: {  	v6 =	vadd.f32 v6, v7;
	v7 =	vld [tilespmem:s12+$0xC280]  }
0x1f8: {  	v11 =	vld [tilespmem:s14+$0xA280];
	v8 =	vadd.f32 v9, v8  }
0x1f9: {  	v5 =	vadd.f32 v5, v6;
	v13 =	vld [tilespmem:s12+$0xC300]  }
0x1fa: {  	v14 =	vld [tilespmem:s14+$0xA300];
	v6 =	vadd.f32 v10, v8  }
.Ltmp4:
0x1fb: {  	v9 =	vadd.f32 v12, v5;
	v5 =	vld [tilespmem:s12+$0xC380];
	s12 =	smov.u32 s14;
	(pc) =	sbr.rel @p1 .LBB2_7-.Ltmp4, $4  }
0x1fc: {  	s13 =	sadd.s32 $0x10, s13;
	v8 =	vld [tilespmem:s12+$0xA380];
	v7 =	vadd.f32 v7, v6  }
0x1fd: {  	s26 =	sadd.s32 $0x80, s26;
	v10 =	vadd.f32 v11, v9;
	v6 =	vld [tilespmem:s13+$0x0]  }
0x1fe: {  	s29 =	sand.u32 $0x1C00, s26;
	s14 =	sand.u32 $0x70, s28;
	v9 =	vld [tilespmem:s12+$0xC000];
	v7 =	vadd.f32 v13, v7  }
0x1ff: {  	s28 =	sadd.s32 $0x10, s28;
	s14 =	sor.u32 s14, s29;
	v11 =	vadd.f32 v14, v10;
	v10 =	vld [tilespmem:s12+$0xC080]  }
0x200: {  	v12 =	vld [tilespmem:s14+$0xA000]  }
0x201: {  	v13 =	vld [tilespmem:s14+$0xA080];
	_ =	sdelay $0x1  }
0x202: {  	v14 =	vld [tilespmem:s14+$0xA100];
	_ =	sdelay $0x1  }
0x203: {  	v15 =	vld [tilespmem:s14+$0xA180]  }
0x204: {  	v12 =	vadd.f32 v13, v12  }
0x205: {  	v48 =	vld [tilespmem:s14+$0xA200]  }
0x206: {  	v12 =	vadd.f32 v14, v12  }
0x207: {  	v49 =	vld [tilespmem:s14+$0xA280]  }
0x208: {  	v12 =	vadd.f32 v15, v12  }
0x209: {  	v50 =	vld [tilespmem:s14+$0xA300]  }
0x20a: {  	v12 =	vadd.f32 v48, v12  }
0x20b: {  	v51 =	vld [tilespmem:s14+$0xA380]  }
0x20c: {  	v12 =	vadd.f32 v49, v12  }
0x20d: {  	v52 =	vld [tilespmem:s14+$0xC000]  }
0x20e: {  	v12 =	vadd.f32 v50, v12  }
0x20f: {  	v8 =	vadd.f32 v8, v11;
	v11 =	vld [tilespmem:s14+$0xC080]  }
0x210: {  	v53 =	vld [tilespmem:s12+$0xC100];
	v12 =	vadd.f32 v51, v12  }
0x211: {  	v8 =	vadd.f32 v9, v8;
	v9 =	vld [tilespmem:s14+$0xC100]  }
0x212: {  	v54 =	vld [tilespmem:s12+$0xC180];
	v12 =	vadd.f32 v52, v12  }
0x213: {  	v8 =	vadd.f32 v10, v8;
	v10 =	vld [tilespmem:s14+$0xC180]  }
0x214: {  	v55 =	vld [tilespmem:s12+$0xC200];
	v11 =	vadd.f32 v11, v12  }
0x215: {  	v56 =	vld [tilespmem:s14+$0xC200];
	v8 =	vadd.f32 v53, v8  }
0x216: {  	v9 =	vadd.f32 v9, v11;
	v11 =	vld [tilespmem:s12+$0xC280]  }
0x217: {  	v57 =	vld [tilespmem:s14+$0xC280];
	v8 =	vadd.f32 v54, v8  }
0x218: {  	v9 =	vadd.f32 v10, v9;
	v10 =	vld [tilespmem:s12+$0xC300]  }
0x219: {  	v58 =	vld [tilespmem:s14+$0xC300];
	v8 =	vadd.f32 v55, v8  }
0x21a: {  	v59 =	vld [tilespmem:s12+$0xC380];
	v9 =	vadd.f32 v56, v9  }
0x21b: {  	s28 =	sadd.s32 $0x10, s13;
	v8 =	vadd.f32 v11, v8;
	v11 =	vld [tilespmem:s14+$0xC380]  }
0x21c: {  	v60 =	vld [tilespmem:s28+$0x0];
	s29 =	sadd.s32 $0x10, s28;
	v9 =	vadd.f32 v57, v9  }
0x21d: {  	v8 =	vadd.f32 v10, v8;
	v10 =	vld [tilespmem:s29+$0x0]  }
0x21e: {  	v5 =	vadd.f32 v5, v7;
	v7 =	vadd.f32 v58, v9  }
0x21f: {  	v8 =	vadd.f32 v59, v8  }
0x220: {  	v5 =	vadd.f32 v5, v6;
	v6 =	vadd.f32 v11, v7  }
0x221: {  	v7 =	vadd.f32 v8, v60  }
0x222: {  	[tilespmem:s13+$0x0] =	vst v5;
	v5 =	vadd.f32 v6, v10  }
0x223: {  	[tilespmem:s28+$0x0] =	vst v7  }
0x224: {  	[tilespmem:s29+$0x0] =	vst v5  }
0x225: {  	v5 =	vld @!p0 [tilespmem:s1+$0x300];
	_ =	sdelay $0x4  }
0x226: {  	v6 =	vshll.u32 @!p0 v5, $0x3  }
0x227: {  	v7 =	vlaneseq.u32 @!p0;
	v5 =	vand.u32 @!p0 $0x7, v5;
	v6 =	vand.u32 @!p0 $0xFFFFFFC0, v6  }
0x228: {  	v8 =	vshrl.u32 @!p0 v7, $0x3;
	v5 =	vor.u32 @!p0 v5, v6;
	v6 =	vand.u32 @!p0 $0x7, v7  }
0x229: {  	v8 =	vmul.u32 @!p0 $0x8, v8;
	v6 =	vperm.xlane @!p0 v5, v6;
	_ =	sdelay $0x1  }
0x22a: {  	v6 =	vadd.s32 @!p0 v8, v6;
	_ =	sdelay $0x3  }
0x22b: {  	s12 =	simm.s32 @!p0 $0xA000;
	s1 =	simm.s32 @!p0 $0x0  }
0x22c: {  	v7 =	vor.u32 @!p0 $0x8, v7;
	[tilespmem:s12], [sflag:$0x3] =	stream.indirect_vreg.gather @!p0 [hbm4b:s2+s1], $0x80, v6, vm1, $0xb8;
	[tilespmem:$0x12400] =	vst v63  }
0x22d: {  	v5 =	vperm.xlane @!p0 v5, v7;
	s12 =	simm.s32 @!p0 $0xA800  }
0x22e: {  	[tilespmem:s12], [sflag:$0x3] =	stream.indirect_vreg.gather @!p0 [hbm4b:s6+s1], $0x80, v6, vm1, $0xb8;
	[tilespmem:$0x12400] =	vst v63  }
0x22f: {  	v5 =	vadd.s32 @!p0 v8, v5;
	s12 =	simm.s32 @!p0 $0xB000  }
0x230: {  	[tilespmem:s12], [sflag:$0x3] =	stream.indirect_vreg.gather @!p0 [hbm4b:s7+s1], $0x80, v6, vm1, $0xb8;
	[tilespmem:$0x12400] =	vst v63  }
0x231: {  	s12 =	simm.s32 @!p0 $0xB800  }
0x232: {  	[tilespmem:s12], [sflag:$0x3] =	stream.indirect_vreg.gather @!p0 [hbm4b:s8+s1], $0x80, v6, vm1, $0xb8;
	[tilespmem:$0x12400] =	vst v63  }
0x233: {  	s12 =	simm.s32 @!p0 $0xC000  }
0x234: {  	[tilespmem:s12], [sflag:$0x3] =	stream.indirect_vreg.gather @!p0 [hbm4b:s2+s1], $0x80, v5, vm1, $0xb8;
	[tilespmem:$0x12400] =	vst v63  }
0x235: {  	s12 =	simm.s32 @!p0 $0xC800  }
0x236: {  	[tilespmem:s12], [sflag:$0x3] =	stream.indirect_vreg.gather @!p0 [hbm4b:s6+s1], $0x80, v5, vm1, $0xb8;
	[tilespmem:$0x12400] =	vst v63  }
0x237: {  	s12 =	simm.s32 @!p0 $0xD000  }
0x238: {  	[tilespmem:s12], [sflag:$0x3] =	stream.indirect_vreg.gather @!p0 [hbm4b:s7+s1], $0x80, v5, vm1, $0xb8;
	[tilespmem:$0x12400] =	vst v63  }
0x239: {  	s12 =	simm.s32 @!p0 $0xD800  }
0x23a: {  	[tilespmem:s12], [sflag:$0x3] =	stream.indirect_vreg.gather @!p0 [hbm4b:s8+s1], $0x80, v5, vm1, $0xb8;
	[tilespmem:$0x12400] =	vst v63  }
0x23b: {  	s13 =	simm.s32 $0x0;
	_ =	swait.ge [sflag:s25], $0x4000  }
0x23c: {  	s14 =	sand.u32 $0x70, s13;
	s1 =	sand.u32 $0x1C00, s13;
	[sflag:s25] =	ssyncset.done $0x0  }
0x23d: {  	s12 =	sor.u32 s14, s1;
	[sflag:s25] =	ssyncadd.s32 $0xFFFFC000  }
0x23e: {  	v5 =	vld [tilespmem:s12+$0xE000]  }
0x23f: {  	v6 =	vld [tilespmem:s12+$0xE080];
	_ =	sdelay $0x1  }
0x240: {  	v7 =	vld [tilespmem:s12+$0xE100];
	_ =	sdelay $0x1  }
0x241: {  	v8 =	vld [tilespmem:s12+$0xE180]  }
0x242: {  	v5 =	vadd.f32 v6, v5  }
0x243: {  	v6 =	vld [tilespmem:s12+$0xE200]  }
0x244: {  	v5 =	vadd.f32 v7, v5  }
0x245: {  	v7 =	vld [tilespmem:s12+$0xE280]  }
0x246: {  	v5 =	vadd.f32 v8, v5  }
0x247: {  	v8 =	vld [tilespmem:s12+$0xE300]  }
0x248: {  	v5 =	vadd.f32 v6, v5  }
0x249: {  	v6 =	vld [tilespmem:s12+$0xE380]  }
0x24a: {  	s26 =	simm.s32 $0x10;
	s28 =	simm.s32 $0x80;
	v5 =	vadd.f32 v7, v5  }
0x24b: {  	s13 =	sand.u32 $0x1C00, s28;
	s1 =	sand.u32 $0x70, s26;
	v7 =	vld [tilespmem:s12+$0x10000]  }
0x24c: {  	s1 =	sor.u32 s1, s13;
	v9 =	vld [tilespmem:s12+$0x10080];
	v5 =	vadd.f32 v8, v5  }
0x24d: {  	v10 =	vld [tilespmem:s1+$0xE080]  }
0x24e: {  	v8 =	vld [tilespmem:s1+$0xE000];
	v5 =	vadd.f32 v6, v5  }
0x24f: {  	v6 =	vld [tilespmem:s12+$0x10100]  }
0x250: {  	v11 =	vld [tilespmem:s1+$0xE100];
	v5 =	vadd.f32 v7, v5  }
0x251: {  	v7 =	vld [tilespmem:s12+$0x10180]  }
0x252: {  	v61 =	vld [tilespmem:s1+$0xE180];
	v5 =	vadd.f32 v9, v5  }
0x253: {  	v8 =	vadd.f32 v10, v8;
	v9 =	vld [tilespmem:s12+$0x10200]  }
0x254: {  	v10 =	vld [tilespmem:s1+$0xE200];
	v5 =	vadd.f32 v6, v5  }
0x255: {  	v6 =	vadd.f32 v11, v8;
	v11 =	vld [tilespmem:s12+$0x10280]  }
0x256: {  	v62 =	vld [tilespmem:s1+$0xE280];
	v5 =	vadd.f32 v7, v5  }
0x257: {  	v6 =	vadd.f32 v61, v6;
	v7 =	vld [tilespmem:s12+$0x10300]  }
0x258: {  	v63 =	vld [tilespmem:s1+$0xE300];
	v9 =	vadd.f32 v9, v5  }
0x259: {  	v6 =	vadd.f32 v10, v6;
	v5 =	vld [tilespmem:s12+$0x10380]  }
0x25a: {  	v8 =	vld [tilespmem:s1+$0xE380];
	s12 =	simm.s32 $0x12000;
	v10 =	vadd.f32 v11, v9  }
0x25b: {  	s29 =	simm.s32 $0x20;
	s14 =	simm.s32 $0x100;
	v11 =	vadd.f32 v62, v6;
	v6 =	vld [tilespmem:s12+$0x0]  }
0x25c: {  	s13 =	sand.u32 $0x70, s29;
	s26 =	sand.u32 $0x1C00, s14;
	v9 =	vld [tilespmem:s1+$0x10000];
	v7 =	vadd.f32 v7, v10  }
0x25d: {  	s13 =	sor.u32 s13, s26;
	s26 =	simm.s32 $0x30;
	v11 =	vadd.f32 v63, v11;
	v10 =	vld [tilespmem:s1+$0x10080]  }
.LBB2_9:
0x25e: {  	p1 =	sne.s32 s26, $0x3F0;
	v12 =	vld [tilespmem:s13+$0xE000];
	v5 =	vadd.f32 v5, v7  }
0x25f: {  	v7 =	vld [tilespmem:s13+$0xE080];
	v8 =	vadd.f32 v8, v11  }
0x260: {  	v11 =	vld [tilespmem:s1+$0x10100];
	v5 =	vadd.f32 v5, v6  }
0x261: {  	v6 =	vld [tilespmem:s13+$0xE100];
	v8 =	vadd.f32 v9, v8  }
0x262: {  	v9 =	vld [tilespmem:s1+$0x10180];
	[tilespmem:s12+$0x0] =	vst v5  }
0x263: {  	v5 =	vld [tilespmem:s13+$0xE180];
	v8 =	vadd.f32 v10, v8  }
0x264: {  	v7 =	vadd.f32 v7, v12;
	v10 =	vld [tilespmem:s1+$0x10200]  }
0x265: {  	v12 =	vld [tilespmem:s13+$0xE200];
	v8 =	vadd.f32 v11, v8  }
0x266: {  	v6 =	vadd.f32 v6, v7;
	v7 =	vld [tilespmem:s1+$0x10280]  }
0x267: {  	v11 =	vld [tilespmem:s13+$0xE280];
	v8 =	vadd.f32 v9, v8  }
0x268: {  	v5 =	vadd.f32 v5, v6;
	v13 =	vld [tilespmem:s1+$0x10300]  }
0x269: {  	v14 =	vld [tilespmem:s13+$0xE300];
	v6 =	vadd.f32 v10, v8  }
.Ltmp5:
0x26a: {  	v9 =	vadd.f32 v12, v5;
	v5 =	vld [tilespmem:s1+$0x10380];
	s1 =	smov.u32 s13;
	(pc) =	sbr.rel @p1 .LBB2_9-.Ltmp5, $4  }
0x26b: {  	s12 =	sadd.s32 $0x10, s12;
	v8 =	vld [tilespmem:s1+$0xE380];
	v7 =	vadd.f32 v7, v6  }
0x26c: {  	s14 =	sadd.s32 $0x80, s14;
	v10 =	vadd.f32 v11, v9;
	v6 =	vld [tilespmem:s12+$0x0]  }
0x26d: {  	s28 =	sand.u32 $0x1C00, s14;
	s13 =	sand.u32 $0x70, s26;
	v9 =	vld [tilespmem:s1+$0x10000];
	v7 =	vadd.f32 v13, v7  }
0x26e: {  	s26 =	sadd.s32 $0x10, s26;
	s13 =	sor.u32 s13, s28;
	v11 =	vadd.f32 v14, v10;
	v10 =	vld [tilespmem:s1+$0x10080]  }
0x26f: {  	v12 =	vld [tilespmem:s13+$0xE000]  }
0x270: {  	v13 =	vld [tilespmem:s13+$0xE080];
	_ =	sdelay $0x1  }
0x271: {  	v14 =	vld [tilespmem:s13+$0xE100];
	_ =	sdelay $0x1  }
0x272: {  	v15 =	vld [tilespmem:s13+$0xE180]  }
0x273: {  	v12 =	vadd.f32 v13, v12  }
0x274: {  	v44 =	vld [tilespmem:s13+$0xE200]  }
0x275: {  	v12 =	vadd.f32 v14, v12  }
0x276: {  	v45 =	vld [tilespmem:s13+$0xE280]  }
0x277: {  	v12 =	vadd.f32 v15, v12  }
0x278: {  	v46 =	vld [tilespmem:s13+$0xE300]  }
0x279: {  	v12 =	vadd.f32 v44, v12  }
0x27a: {  	v47 =	vld [tilespmem:s13+$0xE380]  }
0x27b: {  	v12 =	vadd.f32 v45, v12  }
0x27c: {  	v48 =	vld [tilespmem:s13+$0x10000]  }
0x27d: {  	v12 =	vadd.f32 v46, v12  }
0x27e: {  	v49 =	vld [tilespmem:s13+$0x10080];
	v8 =	vadd.f32 v8, v11  }
0x27f: {  	v50 =	vld [tilespmem:s1+$0x10100];
	v12 =	vadd.f32 v47, v12  }
0x280: {  	v51 =	vld [tilespmem:s13+$0x10100];
	v8 =	vadd.f32 v9, v8  }
0x281: {  	v52 =	vld [tilespmem:s1+$0x10180];
	v12 =	vadd.f32 v48, v12  }
0x282: {  	v53 =	vld [tilespmem:s13+$0x10180];
	v8 =	vadd.f32 v10, v8  }
0x283: {  	v54 =	vld [tilespmem:s1+$0x10200];
	v11 =	vadd.f32 v49, v12  }
0x284: {  	v55 =	vld [tilespmem:s13+$0x10200];
	v8 =	vadd.f32 v50, v8  }
0x285: {  	v56 =	vld [tilespmem:s1+$0x10280];
	v9 =	vadd.f32 v51, v11  }
0x286: {  	v57 =	vld [tilespmem:s13+$0x10280];
	v8 =	vadd.f32 v52, v8  }
0x287: {  	v58 =	vld [tilespmem:s1+$0x10300];
	v9 =	vadd.f32 v53, v9  }
0x288: {  	v59 =	vld [tilespmem:s13+$0x10300];
	v8 =	vadd.f32 v54, v8  }
0x289: {  	v60 =	vld [tilespmem:s1+$0x10380];
	v9 =	vadd.f32 v55, v9  }
0x28a: {  	s28 =	sadd.s32 $0x10, s12;
	v61 =	vld [tilespmem:s13+$0x10380];
	v8 =	vadd.f32 v56, v8  }
0x28b: {  	v62 =	vld [tilespmem:s28+$0x0];
	s29 =	sadd.s32 $0x10, s28;
	v9 =	vadd.f32 v57, v9  }
0x28c: {  	v63 =	vld [tilespmem:s29+$0x0];
	v8 =	vadd.f32 v58, v8  }
0x28d: {  	v5 =	vadd.f32 v5, v7;
	v7 =	vadd.f32 v59, v9  }
0x28e: {  	v8 =	vadd.f32 v60, v8  }
.Ltmp6:
0x28f: {  	v5 =	vadd.f32 v5, v6;
	v6 =	vadd.f32 v61, v7;
	(pc) =	sbr.rel @p0 .LBB2_12-.Ltmp6, $4  }
0x290: {  	v7 =	vadd.f32 v8, v62  }
0x291: {  	[tilespmem:s12+$0x0] =	vst v5;
	v5 =	vadd.f32 v6, v63  }
0x292: {  	[tilespmem:s28+$0x0] =	vst v7  }
0x293: {  	[tilespmem:s29+$0x0] =	vst v5  }
0x294: {  	s0 =	sshrl.u32 s0, $0x2  }
0x295: {  	v5 =	vld [tilespmem:s0+$0x380];
	_ =	sdelay $0x4  }
0x296: {  	v6 =	vshll.u32 v5, $0x3  }
0x297: {  	v5 =	vand.u32 $0x7, v5;
	v6 =	vand.u32 $0xFFFFFFC0, v6  }
0x298: {  	v5 =	vor.u32 v5, v6  }
0x299: {  	v6 =	vperm.xlane v5, v2;
	_ =	sdelay $0x1  }
0x29a: {  	v6 =	vadd.s32 v3, v6;
	_ =	sdelay $0x4  }
0x29b: {  	[tilespmem:s15], [sflag:$0x4] =	stream.indirect_vreg.gather [hbm4b:s2+s3], $0x80, v6, vm0, $0xb8;
	[tilespmem:$0x12400] =	vst v63  }
0x29c: {  	v5 =	vperm.xlane v5, v4  }
0x29d: {  	[tilespmem:s16], [sflag:$0x4] =	stream.indirect_vreg.gather [hbm4b:s6+s3], $0x80, v6, vm0, $0xb8;
	[tilespmem:$0x12400] =	vst v63  }
0x29e: {  	v5 =	vadd.s32 v3, v5  }
0x29f: {  	[tilespmem:s17], [sflag:$0x4] =	stream.indirect_vreg.gather [hbm4b:s7+s3], $0x80, v6, vm0, $0xb8;
	[tilespmem:$0x12400] =	vst v63  }
0x2a0: {  	_ = 	snop  }
0x2a1: {  	[tilespmem:s18], [sflag:$0x4] =	stream.indirect_vreg.gather [hbm4b:s8+s3], $0x80, v6, vm0, $0xb8;
	[tilespmem:$0x12400] =	vst v63  }
0x2a2: {  	_ = 	snop  }
0x2a3: {  	[tilespmem:s19], [sflag:$0x4] =	stream.indirect_vreg.gather [hbm4b:s2+s3], $0x80, v5, vm0, $0xb8;
	[tilespmem:$0x12400] =	vst v63  }
0x2a4: {  	_ = 	snop  }
0x2a5: {  	[tilespmem:s20], [sflag:$0x4] =	stream.indirect_vreg.gather [hbm4b:s6+s3], $0x80, v5, vm0, $0xb8;
	[tilespmem:$0x12400] =	vst v63  }
.Ltmp7:
0x2a6: {  	_ = 	snop;
	(pc) =	sbr.rel .LBB2_2-.Ltmp7, $4  }
0x2a7: {  	_ = 	snop  }
0x2a8: {  	[tilespmem:s21], [sflag:$0x4] =	stream.indirect_vreg.gather [hbm4b:s7+s3], $0x80, v5, vm0, $0xb8;
	[tilespmem:$0x12400] =	vst v63  }
0x2a9: {  	s31 =	sadd.s32 $0x1, s31  }
0x2aa: {  	[tilespmem:s22], [sflag:$0x4] =	stream.indirect_vreg.gather [hbm4b:s8+s3], $0x80, v5, vm0, $0xb8;
	[tilespmem:$0x12400] =	vst v63  }
.LBB2_13:
0x2ab: {  	_ =	sfence.sel $0x180000  }
0x2ac: {  	[bflag:$0x0] =	sbarrier.arrive $0xFFFF  }
0x2ad: {  	_ =	strace $0x90000047  }
0x2ae: {  	s0 =	stileid.u32;
	[bflag:$0x2] =	sbarrier.arrive $0xFFFF  }
0x2af: {  	p0 =	sne.s32 s0, $0x0;
	s0 =	rddreg [dreg:$0x2]  }
0x2b0: {  	s0 =	sadd.s32 @!p0 $0x100000, s0  }
0x2b1: {  	[sflag:s0] =	ssyncadd.tile.s32 @!p0 $0x1;
	_ =	shalt  }
.Lfunc_end2:
_tile_overlayer_lowered:
.L_overlay_start_2:
0x2b2: {  	(tag) =	ssettag $0x2  }
0x2b3: {  	s0 =	rddreg [dreg:$0x0];
	s2 =	stileid.u32  }
0x2b4: {  	s1 =	rddreg [dreg:$0x1];
	p0 =	sne.s32 s2, $0x0  }
0x2b5: {  	s3 =	rddreg [dreg:$0x2];
	[bflag:$0x3] =	sbarrier.arrive $0xFFFF;
	s2 =	simm.s32 @!p0 $0x1C05  }
0x2b6: {  	[timem:s3], [sflag:s2] =	dma.local @!p0 [hbm:s0], s1  }
0x2b7: {  	s0 =	simm.s32 @!p0 $0x5  }
0x2b8: {  	_ =	swait.ge @!p0 [sflag:s0], s1  }
0x2b9: {  	s1 =	ssub.s32 @!p0 $0x0, s1;
	[sflag:s0] =	ssyncset.done @!p0 $0x0  }
0x2ba: {  	[sflag:s0] =	ssyncadd.s32 @!p0 s1  }
0x2bb: {  	[bflag:$0x3] =	sbarrier.arrive $0xFFFF  }
0x2bc: {  	_ =	shalt  }

</sc_bundles>
